<compile_context>
chip_gen: v7x
topology: tpu7x:2x2x1
jax: 0.10.2.dev20260603
libtpu: 0.0.44.dev20260713+nightly
codegen_flags: <defaults>
</compile_context>

<pallas_src>
import functools

import jax
import jax.numpy as jnp
from jax import lax
from jax.experimental import pallas as pl
from jax.experimental.pallas import tpu as pltpu
from jax.experimental.pallas import tpu_sc as plsc

_STRIDE = 128
_H = 12
_DH = 64
_CHUNK = 512


def _gather_sc(table, idx):
    V, D = table.shape
    B = idx.shape[0]
    info = plsc.get_sparse_core_info()
    nw = info.num_cores * info.num_subcores
    b_per_w = B // nw
    mesh = plsc.VectorSubcoreMesh(core_axis_name="c", subcore_axis_name="s")

    @functools.partial(
        pl.kernel,
        mesh=mesh,
        out_type=jax.ShapeDtypeStruct((B, D), jnp.float32),
        scratch_types=[
            pltpu.VMEM((b_per_w,), jnp.int32),
            pltpu.VMEM((b_per_w, D), jnp.float32),
            pltpu.SemaphoreType.DMA,
        ],
    )
    def gather_kernel(table_hbm, idx_hbm, out_hbm, idx_v, rows_v, sem):
        wid = lax.axis_index("s") * info.num_cores + lax.axis_index("c")
        base = wid * b_per_w
        pltpu.sync_copy(idx_hbm.at[pl.ds(base, b_per_w)], idx_v)
        pltpu.async_copy(table_hbm.at[idx_v], rows_v, sem).wait()
        pltpu.sync_copy(rows_v, out_hbm.at[pl.ds(base, b_per_w)])

    return gather_kernel(table, idx)


def _bdot(a, b):
    return lax.dot_general(a.astype(jnp.bfloat16), b,
                           (((1,), (0,)), ((), ())),
                           preferred_element_type=jnp.float32)


def _one_layer(x, wq_ref, wk_ref, wv_ref, wo_ref, w1_ref, w2_ref,
               g1_ref, b1_ref, g2_ref, b2_ref):
    mu = jnp.mean(x, axis=-1, keepdims=True)
    xc = x - mu
    var = jnp.mean(xc * xc, axis=-1, keepdims=True)
    xn = xc * lax.rsqrt(var + 1e-5) * g1_ref[...] + b1_ref[...]
    xnb = xn.astype(jnp.bfloat16)

    q = (lax.dot_general(xnb, wq_ref[...], (((1,), (0,)), ((), ())),
                         preferred_element_type=jnp.float32)
         * 0.125).astype(jnp.bfloat16)
    kt = lax.dot_general(wk_ref[...], xnb, (((0,), (1,)), ((), ())),
                         preferred_element_type=jnp.float32).astype(jnp.bfloat16)
    v = lax.dot_general(xnb, wv_ref[...], (((1,), (0,)), ((), ())),
                        preferred_element_type=jnp.float32).astype(jnp.bfloat16)

    blocks = []
    for b in range(_CHUNK // _STRIDE):
        r = slice(b * _STRIDE, (b + 1) * _STRIDE)
        heads = []
        for h in range(_H):
            c = slice(h * _DH, (h + 1) * _DH)
            s = lax.dot_general(q[r, c], kt[c, r], (((1,), (0,)), ((), ())),
                                preferred_element_type=jnp.float32)
            p = jnp.exp(jnp.clip(s, -60.0, 60.0))
            rs = 1.0 / jnp.sum(p, axis=-1, keepdims=True)
            pv = lax.dot_general(p.astype(jnp.bfloat16), v[r, c],
                                 (((1,), (0,)), ((), ())),
                                 preferred_element_type=jnp.float32)
            heads.append(pv * rs)
        blocks.append(jnp.concatenate(heads, axis=1))
    o = jnp.concatenate(blocks, axis=0)

    st = x + _bdot(o, wo_ref[...])
    mu2 = jnp.mean(st, axis=-1, keepdims=True)
    yc = st - mu2
    var2 = jnp.mean(yc * yc, axis=-1, keepdims=True)
    y = yc * lax.rsqrt(var2 + 1e-5) * g2_ref[...] + b2_ref[...]
    hid = jnp.maximum(_bdot(y, w1_ref[...]), 0.0)
    return st + _bdot(hid, w2_ref[...])


def _encoder_body(x_ref, wq_ref, wk_ref, wv_ref, wo_ref, w1_ref, w2_ref,
                  g1_ref, b1_ref, g2_ref, b2_ref, out_ref):
    x = x_ref[...]
    for i in range(wq_ref.shape[0]):
        x = _one_layer(x, wq_ref.at[i], wk_ref.at[i], wv_ref.at[i],
                       wo_ref.at[i], w1_ref.at[i], w2_ref.at[i],
                       g1_ref.at[i], b1_ref.at[i], g2_ref.at[i], b2_ref.at[i])
    out_ref[...] = x


def _encoder_tc(state, wq, wk, wv, wo, w1, w2, g1, b1, g2, b2):
    L, D = state.shape
    layers = wq.shape[0]
    FF = w1.shape[2]
    nchunks = L // _CHUNK
    cw2 = lambda i: (0, 0, 0)

    def _ref_at(shape):
        return pl.BlockSpec(shape, cw2)

    return pl.pallas_call(
        _encoder_body,
        grid=(nchunks,),
        in_specs=[
            pl.BlockSpec((_CHUNK, D), lambda i: (i, 0)),
            _ref_at((layers, D, D)),
            _ref_at((layers, D, D)),
            _ref_at((layers, D, D)),
            _ref_at((layers, D, D)),
            _ref_at((layers, D, FF)),
            _ref_at((layers, FF, D)),
            _ref_at((layers, 1, D)),
            _ref_at((layers, 1, D)),
            _ref_at((layers, 1, D)),
            _ref_at((layers, 1, D)),
        ],
        out_specs=pl.BlockSpec((_CHUNK, D), lambda i: (i, 0)),
        out_shape=jax.ShapeDtypeStruct((L, D), jnp.float32),
    )(state, wq, wk, wv, wo, w1, w2, g1, b1, g2, b2)


def kernel(src, pad_idx, use_gpu, table, Wq, Wk, Wv, Wo, W1, W2,
           ln1_g, ln1_b, ln2_g, ln2_b):
    B, L = src.shape
    layers = Wq.shape[0]
    idx = src.reshape(B * L)
    state = _gather_sc(table, idx)

    g1 = ln1_g[:, None, :]
    b1 = ln1_b[:, None, :]
    g2 = ln2_g[:, None, :]
    b2 = ln2_b[:, None, :]

    bf = jnp.bfloat16
    state = _encoder_tc(state, Wq.astype(bf), Wk.astype(bf), Wv.astype(bf),
                        Wo.astype(bf), W1.astype(bf), W2.astype(bf),
                        g1, b1, g2, b2)
    out = state[None, :, :]
    nb = L // _STRIDE
    bucket_ids = jnp.repeat(jnp.arange(nb, dtype=jnp.int32), _STRIDE)
    buckets = jnp.broadcast_to(bucket_ids[None, None, None, :],
                               (layers, _H, 1, L))
    return (out, buckets)

# --- scband reference (transcript-rebuilt; emitter-appended) ---
"""Pipeline reference for scband-encoder-87359634801118 (READ-ONLY COPY).

The authoritative reference and input builder live on the scoring server;
editing this copy changes nothing except your own understanding.
"""

import jax, jax.numpy as jnp
import numpy as np

VOCAB = 32000
D = 768
H = 12
LAYERS = 2
STRIDE = 128
ROUND = 1
FF = 3072
BATCH = 1
SEQ = 4096


def _layer_norm(x, g, b):
    mu = jnp.mean(x, axis=-1, keepdims=True)
    var = jnp.var(x, axis=-1, keepdims=True)
    return (x - mu) / jnp.sqrt(var + 1e-5) * g + b


def setup_inputs(seed: int = 0):
    key = jax.random.key(seed)
    ks = jax.random.split(key, 16)
    src = jax.random.randint(ks[0], (BATCH, SEQ), 0, VOCAB, dtype=jnp.int32)
    table = jax.random.normal(ks[1], (VOCAB, D), dtype=jnp.float32) * 0.02
    Wq = jax.random.normal(ks[2], (LAYERS, D, D), dtype=jnp.float32) * 0.02
    Wk = jax.random.normal(ks[3], (LAYERS, D, D), dtype=jnp.float32) * 0.02
    Wv = jax.random.normal(ks[4], (LAYERS, D, D), dtype=jnp.float32) * 0.02
    Wo = jax.random.normal(ks[5], (LAYERS, D, D), dtype=jnp.float32) * 0.02
    W1 = jax.random.normal(ks[6], (LAYERS, D, FF), dtype=jnp.float32) * 0.02
    W2 = jax.random.normal(ks[7], (LAYERS, FF, D), dtype=jnp.float32) * 0.02
    ln1_g = jnp.ones((LAYERS, D), dtype=jnp.float32)
    ln1_b = jnp.zeros((LAYERS, D), dtype=jnp.float32)
    ln2_g = jnp.ones((LAYERS, D), dtype=jnp.float32)
    ln2_b = jnp.zeros((LAYERS, D), dtype=jnp.float32)
    return {"src": src, "pad_idx": 0, "use_gpu": False, "table": table,
            "Wq": Wq, "Wk": Wk, "Wv": Wv, "Wo": Wo, "W1": W1, "W2": W2,
            "ln1_g": ln1_g, "ln1_b": ln1_b, "ln2_g": ln2_g, "ln2_b": ln2_b}


def reference(src, pad_idx, use_gpu, table, Wq, Wk, Wv, Wo, W1, W2, ln1_g, ln1_b, ln2_g, ln2_b):
    B, L = src.shape
    divider = STRIDE
    pad_num = divider - (L % divider)
    pad_vec = jnp.full((B, pad_num), pad_idx, dtype=src.dtype)
    src_ = jnp.concatenate([src, pad_vec], axis=-1)
    Lp = src_.shape[-1]
    mask1d = jnp.arange(Lp) >= (Lp - pad_num)
    input_mask = jnp.broadcast_to(mask1d[None, :], (B, Lp))
    # embedding gather (SparseCore-style)
    state = jnp.take(table, src_, axis=0)
    dh = D // H
    nb = Lp // STRIDE
    bucket_ids = jnp.repeat(jnp.arange(nb, dtype=jnp.int32), STRIDE)
    buckets = jnp.broadcast_to(bucket_ids[None, None, None, :], (B, H, ROUND, Lp))
    buckets_list = []
    for i in range(LAYERS):
        x = _layer_norm(state, ln1_g[i], ln1_b[i])
        q = x @ Wq[i]
        k = x @ Wk[i]
        v = x @ Wv[i]
        qb = q.reshape(B, nb, STRIDE, H, dh).transpose(0, 3, 1, 2, 4)
        kb = k.reshape(B, nb, STRIDE, H, dh).transpose(0, 3, 1, 2, 4)
        vb = v.reshape(B, nb, STRIDE, H, dh).transpose(0, 3, 1, 2, 4)
        scores = jnp.einsum('bhnsd,bhntd->bhnst', qb, kb) / np.sqrt(dh)
        mb = input_mask.reshape(B, 1, nb, 1, STRIDE)
        scores = jnp.where(mb, -1e9, scores)
        attn = jax.nn.softmax(scores, axis=-1)
        ob = jnp.einsum('bhnst,bhntd->bhnsd', attn, vb)
        o = ob.transpose(0, 2, 3, 1, 4).reshape(B, Lp, D)
        state = state + o @ Wo[i]
        y = _layer_norm(state, ln2_g[i], ln2_b[i])
        state = state + jax.nn.relu(y @ W1[i]) @ W2[i]
        buckets_list.append(buckets[:, :, :, 0:L])
    buckets_arr = jnp.stack(buckets_list, axis=0)
    return (state[:, :L, :], jnp.squeeze(buckets_arr, axis=1))

if __name__ == "__main__":
    import jax
    _d = setup_inputs()
    print(jax.jit(kernel)(*tuple(_d.values())))

</pallas_src>

<mosaic_0001>
#map = affine_map<(d0, d1) -> (0, 0)>
#map1 = affine_map<(d0, d1) -> (0)>
module attributes {stable_mosaic.version = 14 : i64} {
  func.func @gather_kernel(%arg0: i32, %arg1: i32, %arg2: memref<32000x768xf32, #tpu.memory_space<hbm>>, %arg3: memref<4096xi32, #tpu.memory_space<hbm>>, %arg4: memref<4096x768xf32, #tpu.memory_space<hbm>>, %arg5: memref<128xi32, #tpu.memory_space<vmem>>, %arg6: memref<128x768xf32, #tpu.memory_space<vmem>>, %arg7: memref<!tpu.dma_semaphore, #tpu.memory_space<semaphore_mem>>) attributes {dimension_semantics = [#tpu.dimension_semantics<core_parallel>, #tpu.dimension_semantics<subcore_parallel>], iteration_bounds = array<i64: 2, 16>, scalar_prefetch = 0 : i64, scratch_operands = 3 : i64, tpu.core_type = #tpu.core_type<sc_vector_subcore>, window_params = [{transform_indices = #map}, {transform_indices = #map1}, {transform_indices = #map}]} {
    %mul3A = arith.constant 2 : i32
    %mul3A_0 = arith.muli %arg1, %mul3A : i32
    %add3A = arith.addi %mul3A_0, %arg0 : i32
    %mul3A_1 = arith.constant 128 : i32
    %mul3A_2 = arith.muli %add3A, %mul3A_1 : i32
    "tpu.region"() ({
      %run_scoped3A = tpu.sem_alloc : memref<!tpu.dma_semaphore, #tpu.memory_space<semaphore_mem>>
      %dma_start3A_7 = tpu.memref_slice %arg3[%mul3A_2] : memref<4096xi32, #tpu.memory_space<hbm>> -> memref<128xi32, #tpu.memory_space<hbm>>
      %dma_start3A_8 = tpu.memref_slice %arg3[%mul3A_2] : memref<4096xi32, #tpu.memory_space<hbm>> -> memref<128xi32, #tpu.memory_space<hbm>>
      tpu.enqueue_dma source(%dma_start3A_8 : memref<128xi32, #tpu.memory_space<hbm>>) target(%arg5 : memref<128xi32, #tpu.memory_space<vmem>>) target_semaphore(%run_scoped3A : memref<!tpu.dma_semaphore, #tpu.memory_space<semaphore_mem>>)
      %dma_wait3A_9 = tpu.memref_slice %arg3[%mul3A_2] : memref<4096xi32, #tpu.memory_space<hbm>> -> memref<128xi32, #tpu.memory_space<hbm>>
      %dma_wait3A_10 = tpu.memref_slice %arg3[%mul3A_2] : memref<4096xi32, #tpu.memory_space<hbm>> -> memref<128xi32, #tpu.memory_space<hbm>>
      tpu.wait_dma2 semaphore(%run_scoped3A : memref<!tpu.dma_semaphore, #tpu.memory_space<semaphore_mem>>) src(%dma_wait3A_10 : memref<128xi32, #tpu.memory_space<hbm>>) dst(%arg5 : memref<128xi32, #tpu.memory_space<vmem>>)
      tpu.yield
    }) : () -> ()
    %dma_start3A = arith.constant 0 : i32
    %dma_start3A_3 = arith.constant 0 : i32
    %dma_start3A_4 = tpu.memref_slice %arg2[%dma_start3A, %dma_start3A_3] : memref<32000x768xf32, #tpu.memory_space<hbm>> -> memref<32000x768xf32, #tpu.memory_space<hbm>>
    tpu.enqueue_indirect_dma source(%dma_start3A_4 : memref<32000x768xf32, #tpu.memory_space<hbm>>) target(%arg6 : memref<128x768xf32, #tpu.memory_space<vmem>>) offsets(%arg5 : memref<128xi32, #tpu.memory_space<vmem>>) semaphore(%arg7 : memref<!tpu.dma_semaphore, #tpu.memory_space<semaphore_mem>>)
    %dma_wait3A = arith.constant 0 : i32
    %dma_wait3A_5 = arith.constant 0 : i32
    %dma_wait3A_6 = tpu.memref_slice %arg2[%dma_wait3A, %dma_wait3A_5] : memref<32000x768xf32, #tpu.memory_space<hbm>> -> memref<32000x768xf32, #tpu.memory_space<hbm>>
    tpu.wait_indirect_dma semaphore(%arg7 : memref<!tpu.dma_semaphore, #tpu.memory_space<semaphore_mem>>) src(%dma_wait3A_6 : memref<32000x768xf32, #tpu.memory_space<hbm>>) dst(%arg6 : memref<128x768xf32, #tpu.memory_space<vmem>>)
    "tpu.region"() ({
      %run_scoped3A = tpu.sem_alloc : memref<!tpu.dma_semaphore, #tpu.memory_space<semaphore_mem>>
      %dma_start3A_7 = arith.constant 0 : i32
      %dma_start3A_8 = tpu.memref_slice %arg4[%mul3A_2, %dma_start3A_7] : memref<4096x768xf32, #tpu.memory_space<hbm>> -> memref<128x768xf32, #tpu.memory_space<hbm>>
      %dma_start3A_9 = arith.constant 0 : i32
      %dma_start3A_10 = tpu.memref_slice %arg4[%mul3A_2, %dma_start3A_9] : memref<4096x768xf32, #tpu.memory_space<hbm>> -> memref<128x768xf32, #tpu.memory_space<hbm>>
      tpu.enqueue_dma source(%arg6 : memref<128x768xf32, #tpu.memory_space<vmem>>) target(%dma_start3A_10 : memref<128x768xf32, #tpu.memory_space<hbm>>) target_semaphore(%run_scoped3A : memref<!tpu.dma_semaphore, #tpu.memory_space<semaphore_mem>>)
      %dma_wait3A_11 = arith.constant 0 : i32
      %dma_wait3A_12 = tpu.memref_slice %arg4[%mul3A_2, %dma_wait3A_11] : memref<4096x768xf32, #tpu.memory_space<hbm>> -> memref<128x768xf32, #tpu.memory_space<hbm>>
      %dma_wait3A_13 = arith.constant 0 : i32
      %dma_wait3A_14 = tpu.memref_slice %arg4[%mul3A_2, %dma_wait3A_13] : memref<4096x768xf32, #tpu.memory_space<hbm>> -> memref<128x768xf32, #tpu.memory_space<hbm>>
      tpu.wait_dma2 semaphore(%run_scoped3A : memref<!tpu.dma_semaphore, #tpu.memory_space<semaphore_mem>>) src(%arg6 : memref<128x768xf32, #tpu.memory_space<vmem>>) dst(%dma_wait3A_14 : memref<128x768xf32, #tpu.memory_space<hbm>>)
      tpu.yield
    }) : () -> ()
    return
  }
}

module attributes {stable_mosaic.version = 14 : i64} {
  func.func @_encoder_body(%arg0: i32, %arg1: memref<512x768xf32, #tpu.memory_space<vmem>>, %arg2: memref<2x768x768xbf16, #tpu.memory_space<vmem>>, %arg3: memref<2x768x768xbf16, #tpu.memory_space<vmem>>, %arg4: memref<2x768x768xbf16, #tpu.memory_space<vmem>>, %arg5: memref<2x768x768xbf16, #tpu.memory_space<vmem>>, %arg6: memref<2x768x3072xbf16, #tpu.memory_space<vmem>>, %arg7: memref<2x3072x768xbf16, #tpu.memory_space<vmem>>, %arg8: memref<2x1x768xf32, #tpu.memory_space<vmem>>, %arg9: memref<2x1x768xf32, #tpu.memory_space<vmem>>, %arg10: memref<2x1x768xf32, #tpu.memory_space<vmem>>, %arg11: memref<2x1x768xf32, #tpu.memory_space<vmem>>, %arg12: memref<512x768xf32, #tpu.memory_space<vmem>>) attributes {dimension_semantics = [#tpu.dimension_semantics<arbitrary>], iteration_bounds = array<i64: 8>, scalar_prefetch = 0 : i64, scratch_operands = 0 : i64, tpu.core_type = #tpu.core_type<tc>, window_params = [{transform_indices = @transform_0, window_bounds = array<i64: 512, 768>}, {pipeline_mode = #tpu.pipeline_mode<synchronous>, transform_indices = @transform_1, window_bounds = array<i64: 2, 768, 768>}, {pipeline_mode = #tpu.pipeline_mode<synchronous>, transform_indices = @transform_2, window_bounds = array<i64: 2, 768, 768>}, {pipeline_mode = #tpu.pipeline_mode<synchronous>, transform_indices = @transform_3, window_bounds = array<i64: 2, 768, 768>}, {pipeline_mode = #tpu.pipeline_mode<synchronous>, transform_indices = @transform_4, window_bounds = array<i64: 2, 768, 768>}, {pipeline_mode = #tpu.pipeline_mode<synchronous>, transform_indices = @transform_5, window_bounds = array<i64: 2, 768, 3072>}, {pipeline_mode = #tpu.pipeline_mode<synchronous>, transform_indices = @transform_6, window_bounds = array<i64: 2, 3072, 768>}, {pipeline_mode = #tpu.pipeline_mode<synchronous>, transform_indices = @transform_7, window_bounds = array<i64: 2, 1, 768>}, {pipeline_mode = #tpu.pipeline_mode<synchronous>, transform_indices = @transform_8, window_bounds = array<i64: 2, 1, 768>}, {pipeline_mode = #tpu.pipeline_mode<synchronous>, transform_indices = @transform_9, window_bounds = array<i64: 2, 1, 768>}, {pipeline_mode = #tpu.pipeline_mode<synchronous>, transform_indices = @transform_10, window_bounds = array<i64: 2, 1, 768>}, {transform_indices = @transform_11, window_bounds = array<i64: 512, 768>}]} {
    %get3A = arith.constant 0 : index
    %get3A_0 = arith.constant 0 : index
    %get3A_1 = vector.load %arg1[%get3A, %get3A_0] : memref<512x768xf32, #tpu.memory_space<vmem>>, vector<512x768xf32>
    %reduce_sum3A = arith.constant dense<0.000000e+00> : vector<512xf32>
    %reduce_sum3A_2 = vector.multi_reduction <add>, %get3A_1, %reduce_sum3A [1] : vector<512x768xf32> to vector<512xf32>
    %broadcast_in_dim3A = vector.shape_cast %reduce_sum3A_2 : vector<512xf32> to vector<512x1xf32>
    %div3A = arith.constant 7.680000e+02 : f32
    %div3A_3 = vector.broadcast %div3A : f32 to vector<512x1xf32>
    %div3A_4 = arith.divf %broadcast_in_dim3A, %div3A_3 : vector<512x1xf32>
    %sub3A = vector.broadcast %div3A_4 : vector<512x1xf32> to vector<512x768xf32>
    %sub3A_5 = arith.subf %get3A_1, %sub3A : vector<512x768xf32>
    %mul3A = arith.mulf %sub3A_5, %sub3A_5 : vector<512x768xf32>
    %reduce_sum3A_6 = arith.constant dense<0.000000e+00> : vector<512xf32>
    %reduce_sum3A_7 = vector.multi_reduction <add>, %mul3A, %reduce_sum3A_6 [1] : vector<512x768xf32> to vector<512xf32>
    %broadcast_in_dim3A_8 = vector.shape_cast %reduce_sum3A_7 : vector<512xf32> to vector<512x1xf32>
    %div3A_9 = arith.constant 7.680000e+02 : f32
    %div3A_10 = vector.broadcast %div3A_9 : f32 to vector<512x1xf32>
    %div3A_11 = arith.divf %broadcast_in_dim3A_8, %div3A_10 : vector<512x1xf32>
    %add3A = arith.constant 9.99999974E-6 : f32
    %add3A_12 = vector.broadcast %add3A : f32 to vector<512x1xf32>
    %add3A_13 = arith.addf %div3A_11, %add3A_12 : vector<512x1xf32>
    %rsqrt3A = math.rsqrt %add3A_13 : vector<512x1xf32>
    %mul3A_14 = vector.broadcast %rsqrt3A : vector<512x1xf32> to vector<512x768xf32>
    %mul3A_15 = arith.mulf %sub3A_5, %mul3A_14 : vector<512x768xf32>
    %get3A_16 = arith.constant 0 : index
    %get3A_17 = arith.constant 0 : index
    %get3A_18 = arith.constant 0 : index
    %get3A_19 = vector.load %arg8[%get3A_16, %get3A_17, %get3A_18] : memref<2x1x768xf32, #tpu.memory_space<vmem>>, vector<1x1x768xf32>
    %get3A_20 = vector.shape_cast %get3A_19 : vector<1x1x768xf32> to vector<1x768xf32>
    %mul3A_21 = vector.broadcast %get3A_20 : vector<1x768xf32> to vector<512x768xf32>
    %mul3A_22 = arith.mulf %mul3A_15, %mul3A_21 : vector<512x768xf32>
    %get3A_23 = arith.constant 0 : index
    %get3A_24 = arith.constant 0 : index
    %get3A_25 = arith.constant 0 : index
    %get3A_26 = vector.load %arg9[%get3A_23, %get3A_24, %get3A_25] : memref<2x1x768xf32, #tpu.memory_space<vmem>>, vector<1x1x768xf32>
    %get3A_27 = vector.shape_cast %get3A_26 : vector<1x1x768xf32> to vector<1x768xf32>
    %add3A_28 = vector.broadcast %get3A_27 : vector<1x768xf32> to vector<512x768xf32>
    %add3A_29 = arith.addf %mul3A_22, %add3A_28 : vector<512x768xf32>
    %convert_element_type3A = arith.truncf %add3A_29 : vector<512x768xf32> to vector<512x768xbf16>
    %get3A_30 = arith.constant 0 : index
    %get3A_31 = arith.constant 0 : index
    %get3A_32 = arith.constant 0 : index
    %get3A_33 = vector.load %arg2[%get3A_30, %get3A_31, %get3A_32] : memref<2x768x768xbf16, #tpu.memory_space<vmem>>, vector<1x768x768xbf16>
    %get3A_34 = vector.shape_cast %get3A_33 : vector<1x768x768xbf16> to vector<768x768xbf16>
    %dot_general3A = arith.constant dense<0.000000e+00> : vector<512x768xf32>
    %dot_general3A_35 = tpu.matmul %convert_element_type3A, %get3A_34, %dot_general3A {dimension_numbers = #tpu.dot_dimension_numbers<[1], [0], [0], [1], [0, 0, 1, 1], [], []>, transpose_lhs_hint = false} : vector<512x768xbf16>, vector<768x768xbf16>, vector<512x768xf32> -> vector<512x768xf32>
    %mul3A_36 = arith.constant 1.250000e-01 : f32
    %mul3A_37 = vector.broadcast %mul3A_36 : f32 to vector<512x768xf32>
    %mul3A_38 = arith.mulf %dot_general3A_35, %mul3A_37 : vector<512x768xf32>
    %convert_element_type3A_39 = arith.truncf %mul3A_38 : vector<512x768xf32> to vector<512x768xbf16>
    %get3A_40 = arith.constant 0 : index
    %get3A_41 = arith.constant 0 : index
    %get3A_42 = arith.constant 0 : index
    %get3A_43 = vector.load %arg3[%get3A_40, %get3A_41, %get3A_42] : memref<2x768x768xbf16, #tpu.memory_space<vmem>>, vector<1x768x768xbf16>
    %get3A_44 = vector.shape_cast %get3A_43 : vector<1x768x768xbf16> to vector<768x768xbf16>
    %dot_general3A_45 = arith.constant dense<0.000000e+00> : vector<768x512xf32>
    %dot_general3A_46 = tpu.matmul %get3A_44, %convert_element_type3A, %dot_general3A_45 {dimension_numbers = #tpu.dot_dimension_numbers<[0], [1], [1], [0], [0, 1, 1, 0], [], []>, transpose_lhs_hint = false} : vector<768x768xbf16>, vector<512x768xbf16>, vector<768x512xf32> -> vector<768x512xf32>
    %convert_element_type3A_47 = arith.truncf %dot_general3A_46 : vector<768x512xf32> to vector<768x512xbf16>
    %get3A_48 = arith.constant 0 : index
    %get3A_49 = arith.constant 0 : index
    %get3A_50 = arith.constant 0 : index
    %get3A_51 = vector.load %arg4[%get3A_48, %get3A_49, %get3A_50] : memref<2x768x768xbf16, #tpu.memory_space<vmem>>, vector<1x768x768xbf16>
    %get3A_52 = vector.shape_cast %get3A_51 : vector<1x768x768xbf16> to vector<768x768xbf16>
    %dot_general3A_53 = arith.constant dense<0.000000e+00> : vector<512x768xf32>
    %dot_general3A_54 = tpu.matmul %convert_element_type3A, %get3A_52, %dot_general3A_53 {dimension_numbers = #tpu.dot_dimension_numbers<[1], [0], [0], [1], [0, 0, 1, 1], [], []>, transpose_lhs_hint = false} : vector<512x768xbf16>, vector<768x768xbf16>, vector<512x768xf32> -> vector<512x768xf32>
    %convert_element_type3A_55 = arith.truncf %dot_general3A_54 : vector<512x768xf32> to vector<512x768xbf16>
    %slice3A = vector.extract_strided_slice %convert_element_type3A_39 {offsets = [0, 0], sizes = [128, 64], strides = [1, 1]} : vector<512x768xbf16> to vector<128x64xbf16>
    %slice3A_56 = vector.extract_strided_slice %convert_element_type3A_47 {offsets = [0, 0], sizes = [64, 128], strides = [1, 1]} : vector<768x512xbf16> to vector<64x128xbf16>
    %dot_general3A_57 = arith.constant dense<0.000000e+00> : vector<128x128xf32>
    %dot_general3A_58 = tpu.matmul %slice3A, %slice3A_56, %dot_general3A_57 {dimension_numbers = #tpu.dot_dimension_numbers<[1], [0], [0], [1], [0, 0, 1, 1], [], []>, transpose_lhs_hint = false} : vector<128x64xbf16>, vector<64x128xbf16>, vector<128x128xf32> -> vector<128x128xf32>
    %jit3A = arith.constant -6.000000e+01 : f32
    %jit3A_59 = arith.constant 6.000000e+01 : f32
    %max3A = vector.broadcast %jit3A : f32 to vector<128x128xf32>
    %max3A_60 = arith.maximumf %max3A, %dot_general3A_58 : vector<128x128xf32>
    %min3A = vector.broadcast %jit3A_59 : f32 to vector<128x128xf32>
    %min3A_61 = arith.minimumf %min3A, %max3A_60 : vector<128x128xf32>
    %exp3A = math.exp %min3A_61 : vector<128x128xf32>
    %reduce_sum3A_62 = arith.constant dense<0.000000e+00> : vector<128xf32>
    %reduce_sum3A_63 = vector.multi_reduction <add>, %exp3A, %reduce_sum3A_62 [1] : vector<128x128xf32> to vector<128xf32>
    %broadcast_in_dim3A_64 = vector.shape_cast %reduce_sum3A_63 : vector<128xf32> to vector<128x1xf32>
    %div3A_65 = arith.constant 1.000000e+00 : f32
    %div3A_66 = vector.broadcast %div3A_65 : f32 to vector<128x1xf32>
    %div3A_67 = arith.divf %div3A_66, %broadcast_in_dim3A_64 : vector<128x1xf32>
    %convert_element_type3A_68 = arith.truncf %exp3A : vector<128x128xf32> to vector<128x128xbf16>
    %slice3A_69 = vector.extract_strided_slice %convert_element_type3A_55 {offsets = [0, 0], sizes = [128, 64], strides = [1, 1]} : vector<512x768xbf16> to vector<128x64xbf16>
    %dot_general3A_70 = arith.constant dense<0.000000e+00> : vector<128x64xf32>
    %dot_general3A_71 = tpu.matmul %convert_element_type3A_68, %slice3A_69, %dot_general3A_70 {dimension_numbers = #tpu.dot_dimension_numbers<[1], [0], [0], [1], [0, 0, 1, 1], [], []>, transpose_lhs_hint = false} : vector<128x128xbf16>, vector<128x64xbf16>, vector<128x64xf32> -> vector<128x64xf32>
    %mul3A_72 = vector.broadcast %div3A_67 : vector<128x1xf32> to vector<128x64xf32>
    %mul3A_73 = arith.mulf %dot_general3A_71, %mul3A_72 : vector<128x64xf32>
    %slice3A_74 = vector.extract_strided_slice %convert_element_type3A_39 {offsets = [0, 64], sizes = [128, 64], strides = [1, 1]} : vector<512x768xbf16> to vector<128x64xbf16>
    %slice3A_75 = vector.extract_strided_slice %convert_element_type3A_47 {offsets = [64, 0], sizes = [64, 128], strides = [1, 1]} : vector<768x512xbf16> to vector<64x128xbf16>
    %dot_general3A_76 = arith.constant dense<0.000000e+00> : vector<128x128xf32>
    %dot_general3A_77 = tpu.matmul %slice3A_74, %slice3A_75, %dot_general3A_76 {dimension_numbers = #tpu.dot_dimension_numbers<[1], [0], [0], [1], [0, 0, 1, 1], [], []>, transpose_lhs_hint = false} : vector<128x64xbf16>, vector<64x128xbf16>, vector<128x128xf32> -> vector<128x128xf32>
    %jit3A_78 = arith.constant -6.000000e+01 : f32
    %jit3A_79 = arith.constant 6.000000e+01 : f32
    %max3A_80 = vector.broadcast %jit3A_78 : f32 to vector<128x128xf32>
    %max3A_81 = arith.maximumf %max3A_80, %dot_general3A_77 : vector<128x128xf32>
    %min3A_82 = vector.broadcast %jit3A_79 : f32 to vector<128x128xf32>
    %min3A_83 = arith.minimumf %min3A_82, %max3A_81 : vector<128x128xf32>
    %exp3A_84 = math.exp %min3A_83 : vector<128x128xf32>
    %reduce_sum3A_85 = arith.constant dense<0.000000e+00> : vector<128xf32>
    %reduce_sum3A_86 = vector.multi_reduction <add>, %exp3A_84, %reduce_sum3A_85 [1] : vector<128x128xf32> to vector<128xf32>
    %broadcast_in_dim3A_87 = vector.shape_cast %reduce_sum3A_86 : vector<128xf32> to vector<128x1xf32>
    %div3A_88 = arith.constant 1.000000e+00 : f32
    %div3A_89 = vector.broadcast %div3A_88 : f32 to vector<128x1xf32>
    %div3A_90 = arith.divf %div3A_89, %broadcast_in_dim3A_87 : vector<128x1xf32>
    %convert_element_type3A_91 = arith.truncf %exp3A_84 : vector<128x128xf32> to vector<128x128xbf16>
    %slice3A_92 = vector.extract_strided_slice %convert_element_type3A_55 {offsets = [0, 64], sizes = [128, 64], strides = [1, 1]} : vector<512x768xbf16> to vector<128x64xbf16>
    %dot_general3A_93 = arith.constant dense<0.000000e+00> : vector<128x64xf32>
    %dot_general3A_94 = tpu.matmul %convert_element_type3A_91, %slice3A_92, %dot_general3A_93 {dimension_numbers = #tpu.dot_dimension_numbers<[1], [0], [0], [1], [0, 0, 1, 1], [], []>, transpose_lhs_hint = false} : vector<128x128xbf16>, vector<128x64xbf16>, vector<128x64xf32> -> vector<128x64xf32>
    %mul3A_95 = vector.broadcast %div3A_90 : vector<128x1xf32> to vector<128x64xf32>
    %mul3A_96 = arith.mulf %dot_general3A_94, %mul3A_95 : vector<128x64xf32>
    %slice3A_97 = vector.extract_strided_slice %convert_element_type3A_39 {offsets = [0, 128], sizes = [128, 64], strides = [1, 1]} : vector<512x768xbf16> to vector<128x64xbf16>
    %slice3A_98 = vector.extract_strided_slice %convert_element_type3A_47 {offsets = [128, 0], sizes = [64, 128], strides = [1, 1]} : vector<768x512xbf16> to vector<64x128xbf16>
    %dot_general3A_99 = arith.constant dense<0.000000e+00> : vector<128x128xf32>
    %dot_general3A_100 = tpu.matmul %slice3A_97, %slice3A_98, %dot_general3A_99 {dimension_numbers = #tpu.dot_dimension_numbers<[1], [0], [0], [1], [0, 0, 1, 1], [], []>, transpose_lhs_hint = false} : vector<128x64xbf16>, vector<64x128xbf16>, vector<128x128xf32> -> vector<128x128xf32>
    %jit3A_101 = arith.constant -6.000000e+01 : f32
    %jit3A_102 = arith.constant 6.000000e+01 : f32
    %max3A_103 = vector.broadcast %jit3A_101 : f32 to vector<128x128xf32>
    %max3A_104 = arith.maximumf %max3A_103, %dot_general3A_100 : vector<128x128xf32>
    %min3A_105 = vector.broadcast %jit3A_102 : f32 to vector<128x128xf32>
    %min3A_106 = arith.minimumf %min3A_105, %max3A_104 : vector<128x128xf32>
    %exp3A_107 = math.exp %min3A_106 : vector<128x128xf32>
    %reduce_sum3A_108 = arith.constant dense<0.000000e+00> : vector<128xf32>
    %reduce_sum3A_109 = vector.multi_reduction <add>, %exp3A_107, %reduce_sum3A_108 [1] : vector<128x128xf32> to vector<128xf32>
    %broadcast_in_dim3A_110 = vector.shape_cast %reduce_sum3A_109 : vector<128xf32> to vector<128x1xf32>
    %div3A_111 = arith.constant 1.000000e+00 : f32
    %div3A_112 = vector.broadcast %div3A_111 : f32 to vector<128x1xf32>
    %div3A_113 = arith.divf %div3A_112, %broadcast_in_dim3A_110 : vector<128x1xf32>
    %convert_element_type3A_114 = arith.truncf %exp3A_107 : vector<128x128xf32> to vector<128x128xbf16>
    %slice3A_115 = vector.extract_strided_slice %convert_element_type3A_55 {offsets = [0, 128], sizes = [128, 64], strides = [1, 1]} : vector<512x768xbf16> to vector<128x64xbf16>
    %dot_general3A_116 = arith.constant dense<0.000000e+00> : vector<128x64xf32>
    %dot_general3A_117 = tpu.matmul %convert_element_type3A_114, %slice3A_115, %dot_general3A_116 {dimension_numbers = #tpu.dot_dimension_numbers<[1], [0], [0], [1], [0, 0, 1, 1], [], []>, transpose_lhs_hint = false} : vector<128x128xbf16>, vector<128x64xbf16>, vector<128x64xf32> -> vector<128x64xf32>
    %mul3A_118 = vector.broadcast %div3A_113 : vector<128x1xf32> to vector<128x64xf32>
    %mul3A_119 = arith.mulf %dot_general3A_117, %mul3A_118 : vector<128x64xf32>
    %slice3A_120 = vector.extract_strided_slice %convert_element_type3A_39 {offsets = [0, 192], sizes = [128, 64], strides = [1, 1]} : vector<512x768xbf16> to vector<128x64xbf16>
    %slice3A_121 = vector.extract_strided_slice %convert_element_type3A_47 {offsets = [192, 0], sizes = [64, 128], strides = [1, 1]} : vector<768x512xbf16> to vector<64x128xbf16>
    %dot_general3A_122 = arith.constant dense<0.000000e+00> : vector<128x128xf32>
    %dot_general3A_123 = tpu.matmul %slice3A_120, %slice3A_121, %dot_general3A_122 {dimension_numbers = #tpu.dot_dimension_numbers<[1], [0], [0], [1], [0, 0, 1, 1], [], []>, transpose_lhs_hint = false} : vector<128x64xbf16>, vector<64x128xbf16>, vector<128x128xf32> -> vector<128x128xf32>
    %jit3A_124 = arith.constant -6.000000e+01 : f32
    %jit3A_125 = arith.constant 6.000000e+01 : f32
    %max3A_126 = vector.broadcast %jit3A_124 : f32 to vector<128x128xf32>
    %max3A_127 = arith.maximumf %max3A_126, %dot_general3A_123 : vector<128x128xf32>
    %min3A_128 = vector.broadcast %jit3A_125 : f32 to vector<128x128xf32>
    %min3A_129 = arith.minimumf %min3A_128, %max3A_127 : vector<128x128xf32>
    %exp3A_130 = math.exp %min3A_129 : vector<128x128xf32>
    %reduce_sum3A_131 = arith.constant dense<0.000000e+00> : vector<128xf32>
    %reduce_sum3A_132 = vector.multi_reduction <add>, %exp3A_130, %reduce_sum3A_131 [1] : vector<128x128xf32> to vector<128xf32>
    %broadcast_in_dim3A_133 = vector.shape_cast %reduce_sum3A_132 : vector<128xf32> to vector<128x1xf32>
    %div3A_134 = arith.constant 1.000000e+00 : f32
    %div3A_135 = vector.broadcast %div3A_134 : f32 to vector<128x1xf32>
    %div3A_136 = arith.divf %div3A_135, %broadcast_in_dim3A_133 : vector<128x1xf32>
    %convert_element_type3A_137 = arith.truncf %exp3A_130 : vector<128x128xf32> to vector<128x128xbf16>
    %slice3A_138 = vector.extract_strided_slice %convert_element_type3A_55 {offsets = [0, 192], sizes = [128, 64], strides = [1, 1]} : vector<512x768xbf16> to vector<128x64xbf16>
    %dot_general3A_139 = arith.constant dense<0.000000e+00> : vector<128x64xf32>
    %dot_general3A_140 = tpu.matmul %convert_element_type3A_137, %slice3A_138, %dot_general3A_139 {dimension_numbers = #tpu.dot_dimension_numbers<[1], [0], [0], [1], [0, 0, 1, 1], [], []>, transpose_lhs_hint = false} : vector<128x128xbf16>, vector<128x64xbf16>, vector<128x64xf32> -> vector<128x64xf32>
    %mul3A_141 = vector.broadcast %div3A_136 : vector<128x1xf32> to vector<128x64xf32>
    %mul3A_142 = arith.mulf %dot_general3A_140, %mul3A_141 : vector<128x64xf32>
    %slice3A_143 = vector.extract_strided_slice %convert_element_type3A_39 {offsets = [0, 256], sizes = [128, 64], strides = [1, 1]} : vector<512x768xbf16> to vector<128x64xbf16>
    %slice3A_144 = vector.extract_strided_slice %convert_element_type3A_47 {offsets = [256, 0], sizes = [64, 128], strides = [1, 1]} : vector<768x512xbf16> to vector<64x128xbf16>
    %dot_general3A_145 = arith.constant dense<0.000000e+00> : vector<128x128xf32>
    %dot_general3A_146 = tpu.matmul %slice3A_143, %slice3A_144, %dot_general3A_145 {dimension_numbers = #tpu.dot_dimension_numbers<[1], [0], [0], [1], [0, 0, 1, 1], [], []>, transpose_lhs_hint = false} : vector<128x64xbf16>, vector<64x128xbf16>, vector<128x128xf32> -> vector<128x128xf32>
    %jit3A_147 = arith.constant -6.000000e+01 : f32
    %jit3A_148 = arith.constant 6.000000e+01 : f32
    %max3A_149 = vector.broadcast %jit3A_147 : f32 to vector<128x128xf32>
    %max3A_150 = arith.maximumf %max3A_149, %dot_general3A_146 : vector<128x128xf32>
    %min3A_151 = vector.broadcast %jit3A_148 : f32 to vector<128x128xf32>
    %min3A_152 = arith.minimumf %min3A_151, %max3A_150 : vector<128x128xf32>
    %exp3A_153 = math.exp %min3A_152 : vector<128x128xf32>
    %reduce_sum3A_154 = arith.constant dense<0.000000e+00> : vector<128xf32>
    %reduce_sum3A_155 = vector.multi_reduction <add>, %exp3A_153, %reduce_sum3A_154 [1] : vector<128x128xf32> to vector<128xf32>
    %broadcast_in_dim3A_156 = vector.shape_cast %reduce_sum3A_155 : vector<128xf32> to vector<128x1xf32>
    %div3A_157 = arith.constant 1.000000e+00 : f32
    %div3A_158 = vector.broadcast %div3A_157 : f32 to vector<128x1xf32>
    %div3A_159 = arith.divf %div3A_158, %broadcast_in_dim3A_156 : vector<128x1xf32>
    %convert_element_type3A_160 = arith.truncf %exp3A_153 : vector<128x128xf32> to vector<128x128xbf16>
    %slice3A_161 = vector.extract_strided_slice %convert_element_type3A_55 {offsets = [0, 256], sizes = [128, 64], strides = [1, 1]} : vector<512x768xbf16> to vector<128x64xbf16>
    %dot_general3A_162 = arith.constant dense<0.000000e+00> : vector<128x64xf32>
    %dot_general3A_163 = tpu.matmul %convert_element_type3A_160, %slice3A_161, %dot_general3A_162 {dimension_numbers = #tpu.dot_dimension_numbers<[1], [0], [0], [1], [0, 0, 1, 1], [], []>, transpose_lhs_hint = false} : vector<128x128xbf16>, vector<128x64xbf16>, vector<128x64xf32> -> vector<128x64xf32>
    %mul3A_164 = vector.broadcast %div3A_159 : vector<128x1xf32> to vector<128x64xf32>
    %mul3A_165 = arith.mulf %dot_general3A_163, %mul3A_164 : vector<128x64xf32>
    %slice3A_166 = vector.extract_strided_slice %convert_element_type3A_39 {offsets = [0, 320], sizes = [128, 64], strides = [1, 1]} : vector<512x768xbf16> to vector<128x64xbf16>
    %slice3A_167 = vector.extract_strided_slice %convert_element_type3A_47 {offsets = [320, 0], sizes = [64, 128], strides = [1, 1]} : vector<768x512xbf16> to vector<64x128xbf16>
    %dot_general3A_168 = arith.constant dense<0.000000e+00> : vector<128x128xf32>
    %dot_general3A_169 = tpu.matmul %slice3A_166, %slice3A_167, %dot_general3A_168 {dimension_numbers = #tpu.dot_dimension_numbers<[1], [0], [0], [1], [0, 0, 1, 1], [], []>, transpose_lhs_hint = false} : vector<128x64xbf16>, vector<64x128xbf16>, vector<128x128xf32> -> vector<128x128xf32>
    %jit3A_170 = arith.constant -6.000000e+01 : f32
    %jit3A_171 = arith.constant 6.000000e+01 : f32
    %max3A_172 = vector.broadcast %jit3A_170 : f32 to vector<128x128xf32>
    %max3A_173 = arith.maximumf %max3A_172, %dot_general3A_169 : vector<128x128xf32>
    %min3A_174 = vector.broadcast %jit3A_171 : f32 to vector<128x128xf32>
    %min3A_175 = arith.minimumf %min3A_174, %max3A_173 : vector<128x128xf32>
    %exp3A_176 = math.exp %min3A_175 : vector<128x128xf32>
    %reduce_sum3A_177 = arith.constant dense<0.000000e+00> : vector<128xf32>
    %reduce_sum3A_178 = vector.multi_reduction <add>, %exp3A_176, %reduce_sum3A_177 [1] : vector<128x128xf32> to vector<128xf32>
    %broadcast_in_dim3A_179 = vector.shape_cast %reduce_sum3A_178 : vector<128xf32> to vector<128x1xf32>
    %div3A_180 = arith.constant 1.000000e+00 : f32
    %div3A_181 = vector.broadcast %div3A_180 : f32 to vector<128x1xf32>
    %div3A_182 = arith.divf %div3A_181, %broadcast_in_dim3A_179 : vector<128x1xf32>
    %convert_element_type3A_183 = arith.truncf %exp3A_176 : vector<128x128xf32> to vector<128x128xbf16>
    %slice3A_184 = vector.extract_strided_slice %convert_element_type3A_55 {offsets = [0, 320], sizes = [128, 64], strides = [1, 1]} : vector<512x768xbf16> to vector<128x64xbf16>
    %dot_general3A_185 = arith.constant dense<0.000000e+00> : vector<128x64xf32>
    %dot_general3A_186 = tpu.matmul %convert_element_type3A_183, %slice3A_184, %dot_general3A_185 {dimension_numbers = #tpu.dot_dimension_numbers<[1], [0], [0], [1], [0, 0, 1, 1], [], []>, transpose_lhs_hint = false} : vector<128x128xbf16>, vector<128x64xbf16>, vector<128x64xf32> -> vector<128x64xf32>
    %mul3A_187 = vector.broadcast %div3A_182 : vector<128x1xf32> to vector<128x64xf32>
    %mul3A_188 = arith.mulf %dot_general3A_186, %mul3A_187 : vector<128x64xf32>
    %slice3A_189 = vector.extract_strided_slice %convert_element_type3A_39 {offsets = [0, 384], sizes = [128, 64], strides = [1, 1]} : vector<512x768xbf16> to vector<128x64xbf16>
    %slice3A_190 = vector.extract_strided_slice %convert_element_type3A_47 {offsets = [384, 0], sizes = [64, 128], strides = [1, 1]} : vector<768x512xbf16> to vector<64x128xbf16>
    %dot_general3A_191 = arith.constant dense<0.000000e+00> : vector<128x128xf32>
    %dot_general3A_192 = tpu.matmul %slice3A_189, %slice3A_190, %dot_general3A_191 {dimension_numbers = #tpu.dot_dimension_numbers<[1], [0], [0], [1], [0, 0, 1, 1], [], []>, transpose_lhs_hint = false} : vector<128x64xbf16>, vector<64x128xbf16>, vector<128x128xf32> -> vector<128x128xf32>
    %jit3A_193 = arith.constant -6.000000e+01 : f32
    %jit3A_194 = arith.constant 6.000000e+01 : f32
    %max3A_195 = vector.broadcast %jit3A_193 : f32 to vector<128x128xf32>
    %max3A_196 = arith.maximumf %max3A_195, %dot_general3A_192 : vector<128x128xf32>
    %min3A_197 = vector.broadcast %jit3A_194 : f32 to vector<128x128xf32>
    %min3A_198 = arith.minimumf %min3A_197, %max3A_196 : vector<128x128xf32>
    %exp3A_199 = math.exp %min3A_198 : vector<128x128xf32>
    %reduce_sum3A_200 = arith.constant dense<0.000000e+00> : vector<128xf32>
    %reduce_sum3A_201 = vector.multi_reduction <add>, %exp3A_199, %reduce_sum3A_200 [1] : vector<128x128xf32> to vector<128xf32>
    %broadcast_in_dim3A_202 = vector.shape_cast %reduce_sum3A_201 : vector<128xf32> to vector<128x1xf32>
    %div3A_203 = arith.constant 1.000000e+00 : f32
    %div3A_204 = vector.broadcast %div3A_203 : f32 to vector<128x1xf32>
    %div3A_205 = arith.divf %div3A_204, %broadcast_in_dim3A_202 : vector<128x1xf32>
    %convert_element_type3A_206 = arith.truncf %exp3A_199 : vector<128x128xf32> to vector<128x128xbf16>
    %slice3A_207 = vector.extract_strided_slice %convert_element_type3A_55 {offsets = [0, 384], sizes = [128, 64], strides = [1, 1]} : vector<512x768xbf16> to vector<128x64xbf16>
    %dot_general3A_208 = arith.constant dense<0.000000e+00> : vector<128x64xf32>
    %dot_general3A_209 = tpu.matmul %convert_element_type3A_206, %slice3A_207, %dot_general3A_208 {dimension_numbers = #tpu.dot_dimension_numbers<[1], [0], [0], [1], [0, 0, 1, 1], [], []>, transpose_lhs_hint = false} : vector<128x128xbf16>, vector<128x64xbf16>, vector<128x64xf32> -> vector<128x64xf32>
    %mul3A_210 = vector.broadcast %div3A_205 : vector<128x1xf32> to vector<128x64xf32>
    %mul3A_211 = arith.mulf %dot_general3A_209, %mul3A_210 : vector<128x64xf32>
    %slice3A_212 = vector.extract_strided_slice %convert_element_type3A_39 {offsets = [0, 448], sizes = [128, 64], strides = [1, 1]} : vector<512x768xbf16> to vector<128x64xbf16>
    %slice3A_213 = vector.extract_strided_slice %convert_element_type3A_47 {offsets = [448, 0], sizes = [64, 128], strides = [1, 1]} : vector<768x512xbf16> to vector<64x128xbf16>
    %dot_general3A_214 = arith.constant dense<0.000000e+00> : vector<128x128xf32>
    %dot_general3A_215 = tpu.matmul %slice3A_212, %slice3A_213, %dot_general3A_214 {dimension_numbers = #tpu.dot_dimension_numbers<[1], [0], [0], [1], [0, 0, 1, 1], [], []>, transpose_lhs_hint = false} : vector<128x64xbf16>, vector<64x128xbf16>, vector<128x128xf32> -> vector<128x128xf32>
    %jit3A_216 = arith.constant -6.000000e+01 : f32
    %jit3A_217 = arith.constant 6.000000e+01 : f32
    %max3A_218 = vector.broadcast %jit3A_216 : f32 to vector<128x128xf32>
    %max3A_219 = arith.maximumf %max3A_218, %dot_general3A_215 : vector<128x128xf32>
    %min3A_220 = vector.broadcast %jit3A_217 : f32 to vector<128x128xf32>
    %min3A_221 = arith.minimumf %min3A_220, %max3A_219 : vector<128x128xf32>
    %exp3A_222 = math.exp %min3A_221 : vector<128x128xf32>
    %reduce_sum3A_223 = arith.constant dense<0.000000e+00> : vector<128xf32>
    %reduce_sum3A_224 = vector.multi_reduction <add>, %exp3A_222, %reduce_sum3A_223 [1] : vector<128x128xf32> to vector<128xf32>
    %broadcast_in_dim3A_225 = vector.shape_cast %reduce_sum3A_224 : vector<128xf32> to vector<128x1xf32>
    %div3A_226 = arith.constant 1.000000e+00 : f32
    %div3A_227 = vector.broadcast %div3A_226 : f32 to vector<128x1xf32>
    %div3A_228 = arith.divf %div3A_227, %broadcast_in_dim3A_225 : vector<128x1xf32>
    %convert_element_type3A_229 = arith.truncf %exp3A_222 : vector<128x128xf32> to vector<128x128xbf16>
    %slice3A_230 = vector.extract_strided_slice %convert_element_type3A_55 {offsets = [0, 448], sizes = [128, 64], strides = [1, 1]} : vector<512x768xbf16> to vector<128x64xbf16>
    %dot_general3A_231 = arith.constant dense<0.000000e+00> : vector<128x64xf32>
    %dot_general3A_232 = tpu.matmul %convert_element_type3A_229, %slice3A_230, %dot_general3A_231 {dimension_numbers = #tpu.dot_dimension_numbers<[1], [0], [0], [1], [0, 0, 1, 1], [], []>, transpose_lhs_hint = false} : vector<128x128xbf16>, vector<128x64xbf16>, vector<128x64xf32> -> vector<128x64xf32>
    %mul3A_233 = vector.broadcast %div3A_228 : vector<128x1xf32> to vector<128x64xf32>
    %mul3A_234 = arith.mulf %dot_general3A_232, %mul3A_233 : vector<128x64xf32>
    %slice3A_235 = vector.extract_strided_slice %convert_element_type3A_39 {offsets = [0, 512], sizes = [128, 64], strides = [1, 1]} : vector<512x768xbf16> to vector<128x64xbf16>
    %slice3A_236 = vector.extract_strided_slice %convert_element_type3A_47 {offsets = [512, 0], sizes = [64, 128], strides = [1, 1]} : vector<768x512xbf16> to vector<64x128xbf16>
    %dot_general3A_237 = arith.constant dense<0.000000e+00> : vector<128x128xf32>
    %dot_general3A_238 = tpu.matmul %slice3A_235, %slice3A_236, %dot_general3A_237 {dimension_numbers = #tpu.dot_dimension_numbers<[1], [0], [0], [1], [0, 0, 1, 1], [], []>, transpose_lhs_hint = false} : vector<128x64xbf16>, vector<64x128xbf16>, vector<128x128xf32> -> vector<128x128xf32>
    %jit3A_239 = arith.constant -6.000000e+01 : f32
    %jit3A_240 = arith.constant 6.000000e+01 : f32
    %max3A_241 = vector.broadcast %jit3A_239 : f32 to vector<128x128xf32>
    %max3A_242 = arith.maximumf %max3A_241, %dot_general3A_238 : vector<128x128xf32>
    %min3A_243 = vector.broadcast %jit3A_240 : f32 to vector<128x128xf32>
    %min3A_244 = arith.minimumf %min3A_243, %max3A_242 : vector<128x128xf32>
    %exp3A_245 = math.exp %min3A_244 : vector<128x128xf32>
    %reduce_sum3A_246 = arith.constant dense<0.000000e+00> : vector<128xf32>
    %reduce_sum3A_247 = vector.multi_reduction <add>, %exp3A_245, %reduce_sum3A_246 [1] : vector<128x128xf32> to vector<128xf32>
    %broadcast_in_dim3A_248 = vector.shape_cast %reduce_sum3A_247 : vector<128xf32> to vector<128x1xf32>
    %div3A_249 = arith.constant 1.000000e+00 : f32
    %div3A_250 = vector.broadcast %div3A_249 : f32 to vector<128x1xf32>
    %div3A_251 = arith.divf %div3A_250, %broadcast_in_dim3A_248 : vector<128x1xf32>
    %convert_element_type3A_252 = arith.truncf %exp3A_245 : vector<128x128xf32> to vector<128x128xbf16>
    %slice3A_253 = vector.extract_strided_slice %convert_element_type3A_55 {offsets = [0, 512], sizes = [128, 64], strides = [1, 1]} : vector<512x768xbf16> to vector<128x64xbf16>
    %dot_general3A_254 = arith.constant dense<0.000000e+00> : vector<128x64xf32>
    %dot_general3A_255 = tpu.matmul %convert_element_type3A_252, %slice3A_253, %dot_general3A_254 {dimension_numbers = #tpu.dot_dimension_numbers<[1], [0], [0], [1], [0, 0, 1, 1], [], []>, transpose_lhs_hint = false} : vector<128x128xbf16>, vector<128x64xbf16>, vector<128x64xf32> -> vector<128x64xf32>
    %mul3A_256 = vector.broadcast %div3A_251 : vector<128x1xf32> to vector<128x64xf32>
    %mul3A_257 = arith.mulf %dot_general3A_255, %mul3A_256 : vector<128x64xf32>
    %slice3A_258 = vector.extract_strided_slice %convert_element_type3A_39 {offsets = [0, 576], sizes = [128, 64], strides = [1, 1]} : vector<512x768xbf16> to vector<128x64xbf16>
    %slice3A_259 = vector.extract_strided_slice %convert_element_type3A_47 {offsets = [576, 0], sizes = [64, 128], strides = [1, 1]} : vector<768x512xbf16> to vector<64x128xbf16>
    %dot_general3A_260 = arith.constant dense<0.000000e+00> : vector<128x128xf32>
    %dot_general3A_261 = tpu.matmul %slice3A_258, %slice3A_259, %dot_general3A_260 {dimension_numbers = #tpu.dot_dimension_numbers<[1], [0], [0], [1], [0, 0, 1, 1], [], []>, transpose_lhs_hint = false} : vector<128x64xbf16>, vector<64x128xbf16>, vector<128x128xf32> -> vector<128x128xf32>
    %jit3A_262 = arith.constant -6.000000e+01 : f32
    %jit3A_263 = arith.constant 6.000000e+01 : f32
    %max3A_264 = vector.broadcast %jit3A_262 : f32 to vector<128x128xf32>
    %max3A_265 = arith.maximumf %max3A_264, %dot_general3A_261 : vector<128x128xf32>
    %min3A_266 = vector.broadcast %jit3A_263 : f32 to vector<128x128xf32>
    %min3A_267 = arith.minimumf %min3A_266, %max3A_265 : vector<128x128xf32>
    %exp3A_268 = math.exp %min3A_267 : vector<128x128xf32>
    %reduce_sum3A_269 = arith.constant dense<0.000000e+00> : vector<128xf32>
    %reduce_sum3A_270 = vector.multi_reduction <add>, %exp3A_268, %reduce_sum3A_269 [1] : vector<128x128xf32> to vector<128xf32>
    %broadcast_in_dim3A_271 = vector.shape_cast %reduce_sum3A_270 : vector<128xf32> to vector<128x1xf32>
    %div3A_272 = arith.constant 1.000000e+00 : f32
    %div3A_273 = vector.broadcast %div3A_272 : f32 to vector<128x1xf32>
    %div3A_274 = arith.divf %div3A_273, %broadcast_in_dim3A_271 : vector<128x1xf32>
    %convert_element_type3A_275 = arith.truncf %exp3A_268 : vector<128x128xf32> to vector<128x128xbf16>
    %slice3A_276 = vector.extract_strided_slice %convert_element_type3A_55 {offsets = [0, 576], sizes = [128, 64], strides = [1, 1]} : vector<512x768xbf16> to vector<128x64xbf16>
    %dot_general3A_277 = arith.constant dense<0.000000e+00> : vector<128x64xf32>
    %dot_general3A_278 = tpu.matmul %convert_element_type3A_275, %slice3A_276, %dot_general3A_277 {dimension_numbers = #tpu.dot_dimension_numbers<[1], [0], [0], [1], [0, 0, 1, 1], [], []>, transpose_lhs_hint = false} : vector<128x128xbf16>, vector<128x64xbf16>, vector<128x64xf32> -> vector<128x64xf32>
    %mul3A_279 = vector.broadcast %div3A_274 : vector<128x1xf32> to vector<128x64xf32>
    %mul3A_280 = arith.mulf %dot_general3A_278, %mul3A_279 : vector<128x64xf32>
    %slice3A_281 = vector.extract_strided_slice %convert_element_type3A_39 {offsets = [0, 640], sizes = [128, 64], strides = [1, 1]} : vector<512x768xbf16> to vector<128x64xbf16>
    %slice3A_282 = vector.extract_strided_slice %convert_element_type3A_47 {offsets = [640, 0], sizes = [64, 128], strides = [1, 1]} : vector<768x512xbf16> to vector<64x128xbf16>
    %dot_general3A_283 = arith.constant dense<0.000000e+00> : vector<128x128xf32>
    %dot_general3A_284 = tpu.matmul %slice3A_281, %slice3A_282, %dot_general3A_283 {dimension_numbers = #tpu.dot_dimension_numbers<[1], [0], [0], [1], [0, 0, 1, 1], [], []>, transpose_lhs_hint = false} : vector<128x64xbf16>, vector<64x128xbf16>, vector<128x128xf32> -> vector<128x128xf32>
    %jit3A_285 = arith.constant -6.000000e+01 : f32
    %jit3A_286 = arith.constant 6.000000e+01 : f32
    %max3A_287 = vector.broadcast %jit3A_285 : f32 to vector<128x128xf32>
    %max3A_288 = arith.maximumf %max3A_287, %dot_general3A_284 : vector<128x128xf32>
    %min3A_289 = vector.broadcast %jit3A_286 : f32 to vector<128x128xf32>
    %min3A_290 = arith.minimumf %min3A_289, %max3A_288 : vector<128x128xf32>
    %exp3A_291 = math.exp %min3A_290 : vector<128x128xf32>
    %reduce_sum3A_292 = arith.constant dense<0.000000e+00> : vector<128xf32>
    %reduce_sum3A_293 = vector.multi_reduction <add>, %exp3A_291, %reduce_sum3A_292 [1] : vector<128x128xf32> to vector<128xf32>
    %broadcast_in_dim3A_294 = vector.shape_cast %reduce_sum3A_293 : vector<128xf32> to vector<128x1xf32>
    %div3A_295 = arith.constant 1.000000e+00 : f32
    %div3A_296 = vector.broadcast %div3A_295 : f32 to vector<128x1xf32>
    %div3A_297 = arith.divf %div3A_296, %broadcast_in_dim3A_294 : vector<128x1xf32>
    %convert_element_type3A_298 = arith.truncf %exp3A_291 : vector<128x128xf32> to vector<128x128xbf16>
    %slice3A_299 = vector.extract_strided_slice %convert_element_type3A_55 {offsets = [0, 640], sizes = [128, 64], strides = [1, 1]} : vector<512x768xbf16> to vector<128x64xbf16>
    %dot_general3A_300 = arith.constant dense<0.000000e+00> : vector<128x64xf32>
    %dot_general3A_301 = tpu.matmul %convert_element_type3A_298, %slice3A_299, %dot_general3A_300 {dimension_numbers = #tpu.dot_dimension_numbers<[1], [0], [0], [1], [0, 0, 1, 1], [], []>, transpose_lhs_hint = false} : vector<128x128xbf16>, vector<128x64xbf16>, vector<128x64xf32> -> vector<128x64xf32>
    %mul3A_302 = vector.broadcast %div3A_297 : vector<128x1xf32> to vector<128x64xf32>
    %mul3A_303 = arith.mulf %dot_general3A_301, %mul3A_302 : vector<128x64xf32>
    %slice3A_304 = vector.extract_strided_slice %convert_element_type3A_39 {offsets = [0, 704], sizes = [128, 64], strides = [1, 1]} : vector<512x768xbf16> to vector<128x64xbf16>
    %slice3A_305 = vector.extract_strided_slice %convert_element_type3A_47 {offsets = [704, 0], sizes = [64, 128], strides = [1, 1]} : vector<768x512xbf16> to vector<64x128xbf16>
    %dot_general3A_306 = arith.constant dense<0.000000e+00> : vector<128x128xf32>
    %dot_general3A_307 = tpu.matmul %slice3A_304, %slice3A_305, %dot_general3A_306 {dimension_numbers = #tpu.dot_dimension_numbers<[1], [0], [0], [1], [0, 0, 1, 1], [], []>, transpose_lhs_hint = false} : vector<128x64xbf16>, vector<64x128xbf16>, vector<128x128xf32> -> vector<128x128xf32>
    %jit3A_308 = arith.constant -6.000000e+01 : f32
    %jit3A_309 = arith.constant 6.000000e+01 : f32
    %max3A_310 = vector.broadcast %jit3A_308 : f32 to vector<128x128xf32>
    %max3A_311 = arith.maximumf %max3A_310, %dot_general3A_307 : vector<128x128xf32>
    %min3A_312 = vector.broadcast %jit3A_309 : f32 to vector<128x128xf32>
    %min3A_313 = arith.minimumf %min3A_312, %max3A_311 : vector<128x128xf32>
    %exp3A_314 = math.exp %min3A_313 : vector<128x128xf32>
    %reduce_sum3A_315 = arith.constant dense<0.000000e+00> : vector<128xf32>
    %reduce_sum3A_316 = vector.multi_reduction <add>, %exp3A_314, %reduce_sum3A_315 [1] : vector<128x128xf32> to vector<128xf32>
    %broadcast_in_dim3A_317 = vector.shape_cast %reduce_sum3A_316 : vector<128xf32> to vector<128x1xf32>
    %div3A_318 = arith.constant 1.000000e+00 : f32
    %div3A_319 = vector.broadcast %div3A_318 : f32 to vector<128x1xf32>
    %div3A_320 = arith.divf %div3A_319, %broadcast_in_dim3A_317 : vector<128x1xf32>
    %convert_element_type3A_321 = arith.truncf %exp3A_314 : vector<128x128xf32> to vector<128x128xbf16>
    %slice3A_322 = vector.extract_strided_slice %convert_element_type3A_55 {offsets = [0, 704], sizes = [128, 64], strides = [1, 1]} : vector<512x768xbf16> to vector<128x64xbf16>
    %dot_general3A_323 = arith.constant dense<0.000000e+00> : vector<128x64xf32>
    %dot_general3A_324 = tpu.matmul %convert_element_type3A_321, %slice3A_322, %dot_general3A_323 {dimension_numbers = #tpu.dot_dimension_numbers<[1], [0], [0], [1], [0, 0, 1, 1], [], []>, transpose_lhs_hint = false} : vector<128x128xbf16>, vector<128x64xbf16>, vector<128x64xf32> -> vector<128x64xf32>
    %mul3A_325 = vector.broadcast %div3A_320 : vector<128x1xf32> to vector<128x64xf32>
    %mul3A_326 = arith.mulf %dot_general3A_324, %mul3A_325 : vector<128x64xf32>
    %concatenate3A = tpu.concatenate %mul3A_73, %mul3A_96, %mul3A_119, %mul3A_142, %mul3A_165, %mul3A_188, %mul3A_211, %mul3A_234, %mul3A_257, %mul3A_280, %mul3A_303, %mul3A_326 in 1 : vector<128x64xf32>, vector<128x64xf32>, vector<128x64xf32>, vector<128x64xf32>, vector<128x64xf32>, vector<128x64xf32>, vector<128x64xf32>, vector<128x64xf32>, vector<128x64xf32>, vector<128x64xf32>, vector<128x64xf32>, vector<128x64xf32> -> vector<128x768xf32>
    %slice3A_327 = vector.extract_strided_slice %convert_element_type3A_39 {offsets = [128, 0], sizes = [128, 64], strides = [1, 1]} : vector<512x768xbf16> to vector<128x64xbf16>
    %slice3A_328 = vector.extract_strided_slice %convert_element_type3A_47 {offsets = [0, 128], sizes = [64, 128], strides = [1, 1]} : vector<768x512xbf16> to vector<64x128xbf16>
    %dot_general3A_329 = arith.constant dense<0.000000e+00> : vector<128x128xf32>
    %dot_general3A_330 = tpu.matmul %slice3A_327, %slice3A_328, %dot_general3A_329 {dimension_numbers = #tpu.dot_dimension_numbers<[1], [0], [0], [1], [0, 0, 1, 1], [], []>, transpose_lhs_hint = false} : vector<128x64xbf16>, vector<64x128xbf16>, vector<128x128xf32> -> vector<128x128xf32>
    %jit3A_331 = arith.constant -6.000000e+01 : f32
    %jit3A_332 = arith.constant 6.000000e+01 : f32
    %max3A_333 = vector.broadcast %jit3A_331 : f32 to vector<128x128xf32>
    %max3A_334 = arith.maximumf %max3A_333, %dot_general3A_330 : vector<128x128xf32>
    %min3A_335 = vector.broadcast %jit3A_332 : f32 to vector<128x128xf32>
    %min3A_336 = arith.minimumf %min3A_335, %max3A_334 : vector<128x128xf32>
    %exp3A_337 = math.exp %min3A_336 : vector<128x128xf32>
    %reduce_sum3A_338 = arith.constant dense<0.000000e+00> : vector<128xf32>
    %reduce_sum3A_339 = vector.multi_reduction <add>, %exp3A_337, %reduce_sum3A_338 [1] : vector<128x128xf32> to vector<128xf32>
    %broadcast_in_dim3A_340 = vector.shape_cast %reduce_sum3A_339 : vector<128xf32> to vector<128x1xf32>
    %div3A_341 = arith.constant 1.000000e+00 : f32
    %div3A_342 = vector.broadcast %div3A_341 : f32 to vector<128x1xf32>
    %div3A_343 = arith.divf %div3A_342, %broadcast_in_dim3A_340 : vector<128x1xf32>
    %convert_element_type3A_344 = arith.truncf %exp3A_337 : vector<128x128xf32> to vector<128x128xbf16>
    %slice3A_345 = vector.extract_strided_slice %convert_element_type3A_55 {offsets = [128, 0], sizes = [128, 64], strides = [1, 1]} : vector<512x768xbf16> to vector<128x64xbf16>
    %dot_general3A_346 = arith.constant dense<0.000000e+00> : vector<128x64xf32>
    %dot_general3A_347 = tpu.matmul %convert_element_type3A_344, %slice3A_345, %dot_general3A_346 {dimension_numbers = #tpu.dot_dimension_numbers<[1], [0], [0], [1], [0, 0, 1, 1], [], []>, transpose_lhs_hint = false} : vector<128x128xbf16>, vector<128x64xbf16>, vector<128x64xf32> -> vector<128x64xf32>
    %mul3A_348 = vector.broadcast %div3A_343 : vector<128x1xf32> to vector<128x64xf32>
    %mul3A_349 = arith.mulf %dot_general3A_347, %mul3A_348 : vector<128x64xf32>
    %slice3A_350 = vector.extract_strided_slice %convert_element_type3A_39 {offsets = [128, 64], sizes = [128, 64], strides = [1, 1]} : vector<512x768xbf16> to vector<128x64xbf16>
    %slice3A_351 = vector.extract_strided_slice %convert_element_type3A_47 {offsets = [64, 128], sizes = [64, 128], strides = [1, 1]} : vector<768x512xbf16> to vector<64x128xbf16>
    %dot_general3A_352 = arith.constant dense<0.000000e+00> : vector<128x128xf32>
    %dot_general3A_353 = tpu.matmul %slice3A_350, %slice3A_351, %dot_general3A_352 {dimension_numbers = #tpu.dot_dimension_numbers<[1], [0], [0], [1], [0, 0, 1, 1], [], []>, transpose_lhs_hint = false} : vector<128x64xbf16>, vector<64x128xbf16>, vector<128x128xf32> -> vector<128x128xf32>
    %jit3A_354 = arith.constant -6.000000e+01 : f32
    %jit3A_355 = arith.constant 6.000000e+01 : f32
    %max3A_356 = vector.broadcast %jit3A_354 : f32 to vector<128x128xf32>
    %max3A_357 = arith.maximumf %max3A_356, %dot_general3A_353 : vector<128x128xf32>
    %min3A_358 = vector.broadcast %jit3A_355 : f32 to vector<128x128xf32>
    %min3A_359 = arith.minimumf %min3A_358, %max3A_357 : vector<128x128xf32>
    %exp3A_360 = math.exp %min3A_359 : vector<128x128xf32>
    %reduce_sum3A_361 = arith.constant dense<0.000000e+00> : vector<128xf32>
    %reduce_sum3A_362 = vector.multi_reduction <add>, %exp3A_360, %reduce_sum3A_361 [1] : vector<128x128xf32> to vector<128xf32>
    %broadcast_in_dim3A_363 = vector.shape_cast %reduce_sum3A_362 : vector<128xf32> to vector<128x1xf32>
    %div3A_364 = arith.constant 1.000000e+00 : f32
    %div3A_365 = vector.broadcast %div3A_364 : f32 to vector<128x1xf32>
    %div3A_366 = arith.divf %div3A_365, %broadcast_in_dim3A_363 : vector<128x1xf32>
    %convert_element_type3A_367 = arith.truncf %exp3A_360 : vector<128x128xf32> to vector<128x128xbf16>
    %slice3A_368 = vector.extract_strided_slice %convert_element_type3A_55 {offsets = [128, 64], sizes = [128, 64], strides = [1, 1]} : vector<512x768xbf16> to vector<128x64xbf16>
    %dot_general3A_369 = arith.constant dense<0.000000e+00> : vector<128x64xf32>
    %dot_general3A_370 = tpu.matmul %convert_element_type3A_367, %slice3A_368, %dot_general3A_369 {dimension_numbers = #tpu.dot_dimension_numbers<[1], [0], [0], [1], [0, 0, 1, 1], [], []>, transpose_lhs_hint = false} : vector<128x128xbf16>, vector<128x64xbf16>, vector<128x64xf32> -> vector<128x64xf32>
    %mul3A_371 = vector.broadcast %div3A_366 : vector<128x1xf32> to vector<128x64xf32>
    %mul3A_372 = arith.mulf %dot_general3A_370, %mul3A_371 : vector<128x64xf32>
    %slice3A_373 = vector.extract_strided_slice %convert_element_type3A_39 {offsets = [128, 128], sizes = [128, 64], strides = [1, 1]} : vector<512x768xbf16> to vector<128x64xbf16>
    %slice3A_374 = vector.extract_strided_slice %convert_element_type3A_47 {offsets = [128, 128], sizes = [64, 128], strides = [1, 1]} : vector<768x512xbf16> to vector<64x128xbf16>
    %dot_general3A_375 = arith.constant dense<0.000000e+00> : vector<128x128xf32>
    %dot_general3A_376 = tpu.matmul %slice3A_373, %slice3A_374, %dot_general3A_375 {dimension_numbers = #tpu.dot_dimension_numbers<[1], [0], [0], [1], [0, 0, 1, 1], [], []>, transpose_lhs_hint = false} : vector<128x64xbf16>, vector<64x128xbf16>, vector<128x128xf32> -> vector<128x128xf32>
    %jit3A_377 = arith.constant -6.000000e+01 : f32
    %jit3A_378 = arith.constant 6.000000e+01 : f32
    %max3A_379 = vector.broadcast %jit3A_377 : f32 to vector<128x128xf32>
    %max3A_380 = arith.maximumf %max3A_379, %dot_general3A_376 : vector<128x128xf32>
    %min3A_381 = vector.broadcast %jit3A_378 : f32 to vector<128x128xf32>
    %min3A_382 = arith.minimumf %min3A_381, %max3A_380 : vector<128x128xf32>
    %exp3A_383 = math.exp %min3A_382 : vector<128x128xf32>
    %reduce_sum3A_384 = arith.constant dense<0.000000e+00> : vector<128xf32>
    %reduce_sum3A_385 = vector.multi_reduction <add>, %exp3A_383, %reduce_sum3A_384 [1] : vector<128x128xf32> to vector<128xf32>
    %broadcast_in_dim3A_386 = vector.shape_cast %reduce_sum3A_385 : vector<128xf32> to vector<128x1xf32>
    %div3A_387 = arith.constant 1.000000e+00 : f32
    %div3A_388 = vector.broadcast %div3A_387 : f32 to vector<128x1xf32>
    %div3A_389 = arith.divf %div3A_388, %broadcast_in_dim3A_386 : vector<128x1xf32>
    %convert_element_type3A_390 = arith.truncf %exp3A_383 : vector<128x128xf32> to vector<128x128xbf16>
    %slice3A_391 = vector.extract_strided_slice %convert_element_type3A_55 {offsets = [128, 128], sizes = [128, 64], strides = [1, 1]} : vector<512x768xbf16> to vector<128x64xbf16>
    %dot_general3A_392 = arith.constant dense<0.000000e+00> : vector<128x64xf32>
    %dot_general3A_393 = tpu.matmul %convert_element_type3A_390, %slice3A_391, %dot_general3A_392 {dimension_numbers = #tpu.dot_dimension_numbers<[1], [0], [0], [1], [0, 0, 1, 1], [], []>, transpose_lhs_hint = false} : vector<128x128xbf16>, vector<128x64xbf16>, vector<128x64xf32> -> vector<128x64xf32>
    %mul3A_394 = vector.broadcast %div3A_389 : vector<128x1xf32> to vector<128x64xf32>
    %mul3A_395 = arith.mulf %dot_general3A_393, %mul3A_394 : vector<128x64xf32>
    %slice3A_396 = vector.extract_strided_slice %convert_element_type3A_39 {offsets = [128, 192], sizes = [128, 64], strides = [1, 1]} : vector<512x768xbf16> to vector<128x64xbf16>
    %slice3A_397 = vector.extract_strided_slice %convert_element_type3A_47 {offsets = [192, 128], sizes = [64, 128], strides = [1, 1]} : vector<768x512xbf16> to vector<64x128xbf16>
    %dot_general3A_398 = arith.constant dense<0.000000e+00> : vector<128x128xf32>
    %dot_general3A_399 = tpu.matmul %slice3A_396, %slice3A_397, %dot_general3A_398 {dimension_numbers = #tpu.dot_dimension_numbers<[1], [0], [0], [1], [0, 0, 1, 1], [], []>, transpose_lhs_hint = false} : vector<128x64xbf16>, vector<64x128xbf16>, vector<128x128xf32> -> vector<128x128xf32>
    %jit3A_400 = arith.constant -6.000000e+01 : f32
    %jit3A_401 = arith.constant 6.000000e+01 : f32
    %max3A_402 = vector.broadcast %jit3A_400 : f32 to vector<128x128xf32>
    %max3A_403 = arith.maximumf %max3A_402, %dot_general3A_399 : vector<128x128xf32>
    %min3A_404 = vector.broadcast %jit3A_401 : f32 to vector<128x128xf32>
    %min3A_405 = arith.minimumf %min3A_404, %max3A_403 : vector<128x128xf32>
    %exp3A_406 = math.exp %min3A_405 : vector<128x128xf32>
    %reduce_sum3A_407 = arith.constant dense<0.000000e+00> : vector<128xf32>
    %reduce_sum3A_408 = vector.multi_reduction <add>, %exp3A_406, %reduce_sum3A_407 [1] : vector<128x128xf32> to vector<128xf32>
    %broadcast_in_dim3A_409 = vector.shape_cast %reduce_sum3A_408 : vector<128xf32> to vector<128x1xf32>
    %div3A_410 = arith.constant 1.000000e+00 : f32
    %div3A_411 = vector.broadcast %div3A_410 : f32 to vector<128x1xf32>
    %div3A_412 = arith.divf %div3A_411, %broadcast_in_dim3A_409 : vector<128x1xf32>
    %convert_element_type3A_413 = arith.truncf %exp3A_406 : vector<128x128xf32> to vector<128x128xbf16>
    %slice3A_414 = vector.extract_strided_slice %convert_element_type3A_55 {offsets = [128, 192], sizes = [128, 64], strides = [1, 1]} : vector<512x768xbf16> to vector<128x64xbf16>
    %dot_general3A_415 = arith.constant dense<0.000000e+00> : vector<128x64xf32>
    %dot_general3A_416 = tpu.matmul %convert_element_type3A_413, %slice3A_414, %dot_general3A_415 {dimension_numbers = #tpu.dot_dimension_numbers<[1], [0], [0], [1], [0, 0, 1, 1], [], []>, transpose_lhs_hint = false} : vector<128x128xbf16>, vector<128x64xbf16>, vector<128x64xf32> -> vector<128x64xf32>
    %mul3A_417 = vector.broadcast %div3A_412 : vector<128x1xf32> to vector<128x64xf32>
    %mul3A_418 = arith.mulf %dot_general3A_416, %mul3A_417 : vector<128x64xf32>
    %slice3A_419 = vector.extract_strided_slice %convert_element_type3A_39 {offsets = [128, 256], sizes = [128, 64], strides = [1, 1]} : vector<512x768xbf16> to vector<128x64xbf16>
    %slice3A_420 = vector.extract_strided_slice %convert_element_type3A_47 {offsets = [256, 128], sizes = [64, 128], strides = [1, 1]} : vector<768x512xbf16> to vector<64x128xbf16>
    %dot_general3A_421 = arith.constant dense<0.000000e+00> : vector<128x128xf32>
    %dot_general3A_422 = tpu.matmul %slice3A_419, %slice3A_420, %dot_general3A_421 {dimension_numbers = #tpu.dot_dimension_numbers<[1], [0], [0], [1], [0, 0, 1, 1], [], []>, transpose_lhs_hint = false} : vector<128x64xbf16>, vector<64x128xbf16>, vector<128x128xf32> -> vector<128x128xf32>
    %jit3A_423 = arith.constant -6.000000e+01 : f32
    %jit3A_424 = arith.constant 6.000000e+01 : f32
    %max3A_425 = vector.broadcast %jit3A_423 : f32 to vector<128x128xf32>
    %max3A_426 = arith.maximumf %max3A_425, %dot_general3A_422 : vector<128x128xf32>
    %min3A_427 = vector.broadcast %jit3A_424 : f32 to vector<128x128xf32>
    %min3A_428 = arith.minimumf %min3A_427, %max3A_426 : vector<128x128xf32>
    %exp3A_429 = math.exp %min3A_428 : vector<128x128xf32>
    %reduce_sum3A_430 = arith.constant dense<0.000000e+00> : vector<128xf32>
    %reduce_sum3A_431 = vector.multi_reduction <add>, %exp3A_429, %reduce_sum3A_430 [1] : vector<128x128xf32> to vector<128xf32>
    %broadcast_in_dim3A_432 = vector.shape_cast %reduce_sum3A_431 : vector<128xf32> to vector<128x1xf32>
    %div3A_433 = arith.constant 1.000000e+00 : f32
    %div3A_434 = vector.broadcast %div3A_433 : f32 to vector<128x1xf32>
    %div3A_435 = arith.divf %div3A_434, %broadcast_in_dim3A_432 : vector<128x1xf32>
    %convert_element_type3A_436 = arith.truncf %exp3A_429 : vector<128x128xf32> to vector<128x128xbf16>
    %slice3A_437 = vector.extract_strided_slice %convert_element_type3A_55 {offsets = [128, 256], sizes = [128, 64], strides = [1, 1]} : vector<512x768xbf16> to vector<128x64xbf16>
    %dot_general3A_438 = arith.constant dense<0.000000e+00> : vector<128x64xf32>
    %dot_general3A_439 = tpu.matmul %convert_element_type3A_436, %slice3A_437, %dot_general3A_438 {dimension_numbers = #tpu.dot_dimension_numbers<[1], [0], [0], [1], [0, 0, 1, 1], [], []>, transpose_lhs_hint = false} : vector<128x128xbf16>, vector<128x64xbf16>, vector<128x64xf32> -> vector<128x64xf32>
    %mul3A_440 = vector.broadcast %div3A_435 : vector<128x1xf32> to vector<128x64xf32>
    %mul3A_441 = arith.mulf %dot_general3A_439, %mul3A_440 : vector<128x64xf32>
    %slice3A_442 = vector.extract_strided_slice %convert_element_type3A_39 {offsets = [128, 320], sizes = [128, 64], strides = [1, 1]} : vector<512x768xbf16> to vector<128x64xbf16>
    %slice3A_443 = vector.extract_strided_slice %convert_element_type3A_47 {offsets = [320, 128], sizes = [64, 128], strides = [1, 1]} : vector<768x512xbf16> to vector<64x128xbf16>
    %dot_general3A_444 = arith.constant dense<0.000000e+00> : vector<128x128xf32>
    %dot_general3A_445 = tpu.matmul %slice3A_442, %slice3A_443, %dot_general3A_444 {dimension_numbers = #tpu.dot_dimension_numbers<[1], [0], [0], [1], [0, 0, 1, 1], [], []>, transpose_lhs_hint = false} : vector<128x64xbf16>, vector<64x128xbf16>, vector<128x128xf32> -> vector<128x128xf32>
    %jit3A_446 = arith.constant -6.000000e+01 : f32
    %jit3A_447 = arith.constant 6.000000e+01 : f32
    %max3A_448 = vector.broadcast %jit3A_446 : f32 to vector<128x128xf32>
    %max3A_449 = arith.maximumf %max3A_448, %dot_general3A_445 : vector<128x128xf32>
    %min3A_450 = vector.broadcast %jit3A_447 : f32 to vector<128x128xf32>
    %min3A_451 = arith.minimumf %min3A_450, %max3A_449 : vector<128x128xf32>
    %exp3A_452 = math.exp %min3A_451 : vector<128x128xf32>
    %reduce_sum3A_453 = arith.constant dense<0.000000e+00> : vector<128xf32>
    %reduce_sum3A_454 = vector.multi_reduction <add>, %exp3A_452, %reduce_sum3A_453 [1] : vector<128x128xf32> to vector<128xf32>
    %broadcast_in_dim3A_455 = vector.shape_cast %reduce_sum3A_454 : vector<128xf32> to vector<128x1xf32>
    %div3A_456 = arith.constant 1.000000e+00 : f32
    %div3A_457 = vector.broadcast %div3A_456 : f32 to vector<128x1xf32>
    %div3A_458 = arith.divf %div3A_457, %broadcast_in_dim3A_455 : vector<128x1xf32>
    %convert_element_type3A_459 = arith.truncf %exp3A_452 : vector<128x128xf32> to vector<128x128xbf16>
    %slice3A_460 = vector.extract_strided_slice %convert_element_type3A_55 {offsets = [128, 320], sizes = [128, 64], strides = [1, 1]} : vector<512x768xbf16> to vector<128x64xbf16>
    %dot_general3A_461 = arith.constant dense<0.000000e+00> : vector<128x64xf32>
    %dot_general3A_462 = tpu.matmul %convert_element_type3A_459, %slice3A_460, %dot_general3A_461 {dimension_numbers = #tpu.dot_dimension_numbers<[1], [0], [0], [1], [0, 0, 1, 1], [], []>, transpose_lhs_hint = false} : vector<128x128xbf16>, vector<128x64xbf16>, vector<128x64xf32> -> vector<128x64xf32>
    %mul3A_463 = vector.broadcast %div3A_458 : vector<128x1xf32> to vector<128x64xf32>
    %mul3A_464 = arith.mulf %dot_general3A_462, %mul3A_463 : vector<128x64xf32>
    %slice3A_465 = vector.extract_strided_slice %convert_element_type3A_39 {offsets = [128, 384], sizes = [128, 64], strides = [1, 1]} : vector<512x768xbf16> to vector<128x64xbf16>
    %slice3A_466 = vector.extract_strided_slice %convert_element_type3A_47 {offsets = [384, 128], sizes = [64, 128], strides = [1, 1]} : vector<768x512xbf16> to vector<64x128xbf16>
    %dot_general3A_467 = arith.constant dense<0.000000e+00> : vector<128x128xf32>
    %dot_general3A_468 = tpu.matmul %slice3A_465, %slice3A_466, %dot_general3A_467 {dimension_numbers = #tpu.dot_dimension_numbers<[1], [0], [0], [1], [0, 0, 1, 1], [], []>, transpose_lhs_hint = false} : vector<128x64xbf16>, vector<64x128xbf16>, vector<128x128xf32> -> vector<128x128xf32>
    %jit3A_469 = arith.constant -6.000000e+01 : f32
    %jit3A_470 = arith.constant 6.000000e+01 : f32
    %max3A_471 = vector.broadcast %jit3A_469 : f32 to vector<128x128xf32>
    %max3A_472 = arith.maximumf %max3A_471, %dot_general3A_468 : vector<128x128xf32>
    %min3A_473 = vector.broadcast %jit3A_470 : f32 to vector<128x128xf32>
    %min3A_474 = arith.minimumf %min3A_473, %max3A_472 : vector<128x128xf32>
    %exp3A_475 = math.exp %min3A_474 : vector<128x128xf32>
    %reduce_sum3A_476 = arith.constant dense<0.000000e+00> : vector<128xf32>
    %reduce_sum3A_477 = vector.multi_reduction <add>, %exp3A_475, %reduce_sum3A_476 [1] : vector<128x128xf32> to vector<128xf32>
    %broadcast_in_dim3A_478 = vector.shape_cast %reduce_sum3A_477 : vector<128xf32> to vector<128x1xf32>
    %div3A_479 = arith.constant 1.000000e+00 : f32
    %div3A_480 = vector.broadcast %div3A_479 : f32 to vector<128x1xf32>
    %div3A_481 = arith.divf %div3A_480, %broadcast_in_dim3A_478 : vector<128x1xf32>
    %convert_element_type3A_482 = arith.truncf %exp3A_475 : vector<128x128xf32> to vector<128x128xbf16>
    %slice3A_483 = vector.extract_strided_slice %convert_element_type3A_55 {offsets = [128, 384], sizes = [128, 64], strides = [1, 1]} : vector<512x768xbf16> to vector<128x64xbf16>
    %dot_general3A_484 = arith.constant dense<0.000000e+00> : vector<128x64xf32>
    %dot_general3A_485 = tpu.matmul %convert_element_type3A_482, %slice3A_483, %dot_general3A_484 {dimension_numbers = #tpu.dot_dimension_numbers<[1], [0], [0], [1], [0, 0, 1, 1], [], []>, transpose_lhs_hint = false} : vector<128x128xbf16>, vector<128x64xbf16>, vector<128x64xf32> -> vector<128x64xf32>
    %mul3A_486 = vector.broadcast %div3A_481 : vector<128x1xf32> to vector<128x64xf32>
    %mul3A_487 = arith.mulf %dot_general3A_485, %mul3A_486 : vector<128x64xf32>
    %slice3A_488 = vector.extract_strided_slice %convert_element_type3A_39 {offsets = [128, 448], sizes = [128, 64], strides = [1, 1]} : vector<512x768xbf16> to vector<128x64xbf16>
    %slice3A_489 = vector.extract_strided_slice %convert_element_type3A_47 {offsets = [448, 128], sizes = [64, 128], strides = [1, 1]} : vector<768x512xbf16> to vector<64x128xbf16>
    %dot_general3A_490 = arith.constant dense<0.000000e+00> : vector<128x128xf32>
    %dot_general3A_491 = tpu.matmul %slice3A_488, %slice3A_489, %dot_general3A_490 {dimension_numbers = #tpu.dot_dimension_numbers<[1], [0], [0], [1], [0, 0, 1, 1], [], []>, transpose_lhs_hint = false} : vector<128x64xbf16>, vector<64x128xbf16>, vector<128x128xf32> -> vector<128x128xf32>
    %jit3A_492 = arith.constant -6.000000e+01 : f32
    %jit3A_493 = arith.constant 6.000000e+01 : f32
    %max3A_494 = vector.broadcast %jit3A_492 : f32 to vector<128x128xf32>
    %max3A_495 = arith.maximumf %max3A_494, %dot_general3A_491 : vector<128x128xf32>
    %min3A_496 = vector.broadcast %jit3A_493 : f32 to vector<128x128xf32>
    %min3A_497 = arith.minimumf %min3A_496, %max3A_495 : vector<128x128xf32>
    %exp3A_498 = math.exp %min3A_497 : vector<128x128xf32>
    %reduce_sum3A_499 = arith.constant dense<0.000000e+00> : vector<128xf32>
    %reduce_sum3A_500 = vector.multi_reduction <add>, %exp3A_498, %reduce_sum3A_499 [1] : vector<128x128xf32> to vector<128xf32>
    %broadcast_in_dim3A_501 = vector.shape_cast %reduce_sum3A_500 : vector<128xf32> to vector<128x1xf32>
    %div3A_502 = arith.constant 1.000000e+00 : f32
    %div3A_503 = vector.broadcast %div3A_502 : f32 to vector<128x1xf32>
    %div3A_504 = arith.divf %div3A_503, %broadcast_in_dim3A_501 : vector<128x1xf32>
    %convert_element_type3A_505 = arith.truncf %exp3A_498 : vector<128x128xf32> to vector<128x128xbf16>
    %slice3A_506 = vector.extract_strided_slice %convert_element_type3A_55 {offsets = [128, 448], sizes = [128, 64], strides = [1, 1]} : vector<512x768xbf16> to vector<128x64xbf16>
    %dot_general3A_507 = arith.constant dense<0.000000e+00> : vector<128x64xf32>
    %dot_general3A_508 = tpu.matmul %convert_element_type3A_505, %slice3A_506, %dot_general3A_507 {dimension_numbers = #tpu.dot_dimension_numbers<[1], [0], [0], [1], [0, 0, 1, 1], [], []>, transpose_lhs_hint = false} : vector<128x128xbf16>, vector<128x64xbf16>, vector<128x64xf32> -> vector<128x64xf32>
    %mul3A_509 = vector.broadcast %div3A_504 : vector<128x1xf32> to vector<128x64xf32>
    %mul3A_510 = arith.mulf %dot_general3A_508, %mul3A_509 : vector<128x64xf32>
    %slice3A_511 = vector.extract_strided_slice %convert_element_type3A_39 {offsets = [128, 512], sizes = [128, 64], strides = [1, 1]} : vector<512x768xbf16> to vector<128x64xbf16>
    %slice3A_512 = vector.extract_strided_slice %convert_element_type3A_47 {offsets = [512, 128], sizes = [64, 128], strides = [1, 1]} : vector<768x512xbf16> to vector<64x128xbf16>
    %dot_general3A_513 = arith.constant dense<0.000000e+00> : vector<128x128xf32>
    %dot_general3A_514 = tpu.matmul %slice3A_511, %slice3A_512, %dot_general3A_513 {dimension_numbers = #tpu.dot_dimension_numbers<[1], [0], [0], [1], [0, 0, 1, 1], [], []>, transpose_lhs_hint = false} : vector<128x64xbf16>, vector<64x128xbf16>, vector<128x128xf32> -> vector<128x128xf32>
    %jit3A_515 = arith.constant -6.000000e+01 : f32
    %jit3A_516 = arith.constant 6.000000e+01 : f32
    %max3A_517 = vector.broadcast %jit3A_515 : f32 to vector<128x128xf32>
    %max3A_518 = arith.maximumf %max3A_517, %dot_general3A_514 : vector<128x128xf32>
    %min3A_519 = vector.broadcast %jit3A_516 : f32 to vector<128x128xf32>
    %min3A_520 = arith.minimumf %min3A_519, %max3A_518 : vector<128x128xf32>
    %exp3A_521 = math.exp %min3A_520 : vector<128x128xf32>
    %reduce_sum3A_522 = arith.constant dense<0.000000e+00> : vector<128xf32>
    %reduce_sum3A_523 = vector.multi_reduction <add>, %exp3A_521, %reduce_sum3A_522 [1] : vector<128x128xf32> to vector<128xf32>
    %broadcast_in_dim3A_524 = vector.shape_cast %reduce_sum3A_523 : vector<128xf32> to vector<128x1xf32>
    %div3A_525 = arith.constant 1.000000e+00 : f32
    %div3A_526 = vector.broadcast %div3A_525 : f32 to vector<128x1xf32>
    %div3A_527 = arith.divf %div3A_526, %broadcast_in_dim3A_524 : vector<128x1xf32>
    %convert_element_type3A_528 = arith.truncf %exp3A_521 : vector<128x128xf32> to vector<128x128xbf16>
    %slice3A_529 = vector.extract_strided_slice %convert_element_type3A_55 {offsets = [128, 512], sizes = [128, 64], strides = [1, 1]} : vector<512x768xbf16> to vector<128x64xbf16>
    %dot_general3A_530 = arith.constant dense<0.000000e+00> : vector<128x64xf32>
    %dot_general3A_531 = tpu.matmul %convert_element_type3A_528, %slice3A_529, %dot_general3A_530 {dimension_numbers = #tpu.dot_dimension_numbers<[1], [0], [0], [1], [0, 0, 1, 1], [], []>, transpose_lhs_hint = false} : vector<128x128xbf16>, vector<128x64xbf16>, vector<128x64xf32> -> vector<128x64xf32>
    %mul3A_532 = vector.broadcast %div3A_527 : vector<128x1xf32> to vector<128x64xf32>
    %mul3A_533 = arith.mulf %dot_general3A_531, %mul3A_532 : vector<128x64xf32>
    %slice3A_534 = vector.extract_strided_slice %convert_element_type3A_39 {offsets = [128, 576], sizes = [128, 64], strides = [1, 1]} : vector<512x768xbf16> to vector<128x64xbf16>
    %slice3A_535 = vector.extract_strided_slice %convert_element_type3A_47 {offsets = [576, 128], sizes = [64, 128], strides = [1, 1]} : vector<768x512xbf16> to vector<64x128xbf16>
    %dot_general3A_536 = arith.constant dense<0.000000e+00> : vector<128x128xf32>
    %dot_general3A_537 = tpu.matmul %slice3A_534, %slice3A_535, %dot_general3A_536 {dimension_numbers = #tpu.dot_dimension_numbers<[1], [0], [0], [1], [0, 0, 1, 1], [], []>, transpose_lhs_hint = false} : vector<128x64xbf16>, vector<64x128xbf16>, vector<128x128xf32> -> vector<128x128xf32>
    %jit3A_538 = arith.constant -6.000000e+01 : f32
    %jit3A_539 = arith.constant 6.000000e+01 : f32
    %max3A_540 = vector.broadcast %jit3A_538 : f32 to vector<128x128xf32>
    %max3A_541 = arith.maximumf %max3A_540, %dot_general3A_537 : vector<128x128xf32>
    %min3A_542 = vector.broadcast %jit3A_539 : f32 to vector<128x128xf32>
    %min3A_543 = arith.minimumf %min3A_542, %max3A_541 : vector<128x128xf32>
    %exp3A_544 = math.exp %min3A_543 : vector<128x128xf32>
    %reduce_sum3A_545 = arith.constant dense<0.000000e+00> : vector<128xf32>
    %reduce_sum3A_546 = vector.multi_reduction <add>, %exp3A_544, %reduce_sum3A_545 [1] : vector<128x128xf32> to vector<128xf32>
    %broadcast_in_dim3A_547 = vector.shape_cast %reduce_sum3A_546 : vector<128xf32> to vector<128x1xf32>
    %div3A_548 = arith.constant 1.000000e+00 : f32
    %div3A_549 = vector.broadcast %div3A_548 : f32 to vector<128x1xf32>
    %div3A_550 = arith.divf %div3A_549, %broadcast_in_dim3A_547 : vector<128x1xf32>
    %convert_element_type3A_551 = arith.truncf %exp3A_544 : vector<128x128xf32> to vector<128x128xbf16>
    %slice3A_552 = vector.extract_strided_slice %convert_element_type3A_55 {offsets = [128, 576], sizes = [128, 64], strides = [1, 1]} : vector<512x768xbf16> to vector<128x64xbf16>
    %dot_general3A_553 = arith.constant dense<0.000000e+00> : vector<128x64xf32>
    %dot_general3A_554 = tpu.matmul %convert_element_type3A_551, %slice3A_552, %dot_general3A_553 {dimension_numbers = #tpu.dot_dimension_numbers<[1], [0], [0], [1], [0, 0, 1, 1], [], []>, transpose_lhs_hint = false} : vector<128x128xbf16>, vector<128x64xbf16>, vector<128x64xf32> -> vector<128x64xf32>
    %mul3A_555 = vector.broadcast %div3A_550 : vector<128x1xf32> to vector<128x64xf32>
    %mul3A_556 = arith.mulf %dot_general3A_554, %mul3A_555 : vector<128x64xf32>
    %slice3A_557 = vector.extract_strided_slice %convert_element_type3A_39 {offsets = [128, 640], sizes = [128, 64], strides = [1, 1]} : vector<512x768xbf16> to vector<128x64xbf16>
    %slice3A_558 = vector.extract_strided_slice %convert_element_type3A_47 {offsets = [640, 128], sizes = [64, 128], strides = [1, 1]} : vector<768x512xbf16> to vector<64x128xbf16>
    %dot_general3A_559 = arith.constant dense<0.000000e+00> : vector<128x128xf32>
    %dot_general3A_560 = tpu.matmul %slice3A_557, %slice3A_558, %dot_general3A_559 {dimension_numbers = #tpu.dot_dimension_numbers<[1], [0], [0], [1], [0, 0, 1, 1], [], []>, transpose_lhs_hint = false} : vector<128x64xbf16>, vector<64x128xbf16>, vector<128x128xf32> -> vector<128x128xf32>
    %jit3A_561 = arith.constant -6.000000e+01 : f32
    %jit3A_562 = arith.constant 6.000000e+01 : f32
    %max3A_563 = vector.broadcast %jit3A_561 : f32 to vector<128x128xf32>
    %max3A_564 = arith.maximumf %max3A_563, %dot_general3A_560 : vector<128x128xf32>
    %min3A_565 = vector.broadcast %jit3A_562 : f32 to vector<128x128xf32>
    %min3A_566 = arith.minimumf %min3A_565, %max3A_564 : vector<128x128xf32>
    %exp3A_567 = math.exp %min3A_566 : vector<128x128xf32>
    %reduce_sum3A_568 = arith.constant dense<0.000000e+00> : vector<128xf32>
    %reduce_sum3A_569 = vector.multi_reduction <add>, %exp3A_567, %reduce_sum3A_568 [1] : vector<128x128xf32> to vector<128xf32>
    %broadcast_in_dim3A_570 = vector.shape_cast %reduce_sum3A_569 : vector<128xf32> to vector<128x1xf32>
    %div3A_571 = arith.constant 1.000000e+00 : f32
    %div3A_572 = vector.broadcast %div3A_571 : f32 to vector<128x1xf32>
    %div3A_573 = arith.divf %div3A_572, %broadcast_in_dim3A_570 : vector<128x1xf32>
    %convert_element_type3A_574 = arith.truncf %exp3A_567 : vector<128x128xf32> to vector<128x128xbf16>
    %slice3A_575 = vector.extract_strided_slice %convert_element_type3A_55 {offsets = [128, 640], sizes = [128, 64], strides = [1, 1]} : vector<512x768xbf16> to vector<128x64xbf16>
    %dot_general3A_576 = arith.constant dense<0.000000e+00> : vector<128x64xf32>
    %dot_general3A_577 = tpu.matmul %convert_element_type3A_574, %slice3A_575, %dot_general3A_576 {dimension_numbers = #tpu.dot_dimension_numbers<[1], [0], [0], [1], [0, 0, 1, 1], [], []>, transpose_lhs_hint = false} : vector<128x128xbf16>, vector<128x64xbf16>, vector<128x64xf32> -> vector<128x64xf32>
    %mul3A_578 = vector.broadcast %div3A_573 : vector<128x1xf32> to vector<128x64xf32>
    %mul3A_579 = arith.mulf %dot_general3A_577, %mul3A_578 : vector<128x64xf32>
    %slice3A_580 = vector.extract_strided_slice %convert_element_type3A_39 {offsets = [128, 704], sizes = [128, 64], strides = [1, 1]} : vector<512x768xbf16> to vector<128x64xbf16>
    %slice3A_581 = vector.extract_strided_slice %convert_element_type3A_47 {offsets = [704, 128], sizes = [64, 128], strides = [1, 1]} : vector<768x512xbf16> to vector<64x128xbf16>
    %dot_general3A_582 = arith.constant dense<0.000000e+00> : vector<128x128xf32>
    %dot_general3A_583 = tpu.matmul %slice3A_580, %slice3A_581, %dot_general3A_582 {dimension_numbers = #tpu.dot_dimension_numbers<[1], [0], [0], [1], [0, 0, 1, 1], [], []>, transpose_lhs_hint = false} : vector<128x64xbf16>, vector<64x128xbf16>, vector<128x128xf32> -> vector<128x128xf32>
    %jit3A_584 = arith.constant -6.000000e+01 : f32
    %jit3A_585 = arith.constant 6.000000e+01 : f32
    %max3A_586 = vector.broadcast %jit3A_584 : f32 to vector<128x128xf32>
    %max3A_587 = arith.maximumf %max3A_586, %dot_general3A_583 : vector<128x128xf32>
    %min3A_588 = vector.broadcast %jit3A_585 : f32 to vector<128x128xf32>
    %min3A_589 = arith.minimumf %min3A_588, %max3A_587 : vector<128x128xf32>
    %exp3A_590 = math.exp %min3A_589 : vector<128x128xf32>
    %reduce_sum3A_591 = arith.constant dense<0.000000e+00> : vector<128xf32>
    %reduce_sum3A_592 = vector.multi_reduction <add>, %exp3A_590, %reduce_sum3A_591 [1] : vector<128x128xf32> to vector<128xf32>
    %broadcast_in_dim3A_593 = vector.shape_cast %reduce_sum3A_592 : vector<128xf32> to vector<128x1xf32>
    %div3A_594 = arith.constant 1.000000e+00 : f32
    %div3A_595 = vector.broadcast %div3A_594 : f32 to vector<128x1xf32>
    %div3A_596 = arith.divf %div3A_595, %broadcast_in_dim3A_593 : vector<128x1xf32>
    %convert_element_type3A_597 = arith.truncf %exp3A_590 : vector<128x128xf32> to vector<128x128xbf16>
    %slice3A_598 = vector.extract_strided_slice %convert_element_type3A_55 {offsets = [128, 704], sizes = [128, 64], strides = [1, 1]} : vector<512x768xbf16> to vector<128x64xbf16>
    %dot_general3A_599 = arith.constant dense<0.000000e+00> : vector<128x64xf32>
    %dot_general3A_600 = tpu.matmul %convert_element_type3A_597, %slice3A_598, %dot_general3A_599 {dimension_numbers = #tpu.dot_dimension_numbers<[1], [0], [0], [1], [0, 0, 1, 1], [], []>, transpose_lhs_hint = false} : vector<128x128xbf16>, vector<128x64xbf16>, vector<128x64xf32> -> vector<128x64xf32>
    %mul3A_601 = vector.broadcast %div3A_596 : vector<128x1xf32> to vector<128x64xf32>
    %mul3A_602 = arith.mulf %dot_general3A_600, %mul3A_601 : vector<128x64xf32>
    %concatenate3A_603 = tpu.concatenate %mul3A_349, %mul3A_372, %mul3A_395, %mul3A_418, %mul3A_441, %mul3A_464, %mul3A_487, %mul3A_510, %mul3A_533, %mul3A_556, %mul3A_579, %mul3A_602 in 1 : vector<128x64xf32>, vector<128x64xf32>, vector<128x64xf32>, vector<128x64xf32>, vector<128x64xf32>, vector<128x64xf32>, vector<128x64xf32>, vector<128x64xf32>, vector<128x64xf32>, vector<128x64xf32>, vector<128x64xf32>, vector<128x64xf32> -> vector<128x768xf32>
    %slice3A_604 = vector.extract_strided_slice %convert_element_type3A_39 {offsets = [256, 0], sizes = [128, 64], strides = [1, 1]} : vector<512x768xbf16> to vector<128x64xbf16>
    %slice3A_605 = vector.extract_strided_slice %convert_element_type3A_47 {offsets = [0, 256], sizes = [64, 128], strides = [1, 1]} : vector<768x512xbf16> to vector<64x128xbf16>
    %dot_general3A_606 = arith.constant dense<0.000000e+00> : vector<128x128xf32>
    %dot_general3A_607 = tpu.matmul %slice3A_604, %slice3A_605, %dot_general3A_606 {dimension_numbers = #tpu.dot_dimension_numbers<[1], [0], [0], [1], [0, 0, 1, 1], [], []>, transpose_lhs_hint = false} : vector<128x64xbf16>, vector<64x128xbf16>, vector<128x128xf32> -> vector<128x128xf32>
    %jit3A_608 = arith.constant -6.000000e+01 : f32
    %jit3A_609 = arith.constant 6.000000e+01 : f32
    %max3A_610 = vector.broadcast %jit3A_608 : f32 to vector<128x128xf32>
    %max3A_611 = arith.maximumf %max3A_610, %dot_general3A_607 : vector<128x128xf32>
    %min3A_612 = vector.broadcast %jit3A_609 : f32 to vector<128x128xf32>
    %min3A_613 = arith.minimumf %min3A_612, %max3A_611 : vector<128x128xf32>
    %exp3A_614 = math.exp %min3A_613 : vector<128x128xf32>
    %reduce_sum3A_615 = arith.constant dense<0.000000e+00> : vector<128xf32>
    %reduce_sum3A_616 = vector.multi_reduction <add>, %exp3A_614, %reduce_sum3A_615 [1] : vector<128x128xf32> to vector<128xf32>
    %broadcast_in_dim3A_617 = vector.shape_cast %reduce_sum3A_616 : vector<128xf32> to vector<128x1xf32>
    %div3A_618 = arith.constant 1.000000e+00 : f32
    %div3A_619 = vector.broadcast %div3A_618 : f32 to vector<128x1xf32>
    %div3A_620 = arith.divf %div3A_619, %broadcast_in_dim3A_617 : vector<128x1xf32>
    %convert_element_type3A_621 = arith.truncf %exp3A_614 : vector<128x128xf32> to vector<128x128xbf16>
    %slice3A_622 = vector.extract_strided_slice %convert_element_type3A_55 {offsets = [256, 0], sizes = [128, 64], strides = [1, 1]} : vector<512x768xbf16> to vector<128x64xbf16>
    %dot_general3A_623 = arith.constant dense<0.000000e+00> : vector<128x64xf32>
    %dot_general3A_624 = tpu.matmul %convert_element_type3A_621, %slice3A_622, %dot_general3A_623 {dimension_numbers = #tpu.dot_dimension_numbers<[1], [0], [0], [1], [0, 0, 1, 1], [], []>, transpose_lhs_hint = false} : vector<128x128xbf16>, vector<128x64xbf16>, vector<128x64xf32> -> vector<128x64xf32>
    %mul3A_625 = vector.broadcast %div3A_620 : vector<128x1xf32> to vector<128x64xf32>
    %mul3A_626 = arith.mulf %dot_general3A_624, %mul3A_625 : vector<128x64xf32>
    %slice3A_627 = vector.extract_strided_slice %convert_element_type3A_39 {offsets = [256, 64], sizes = [128, 64], strides = [1, 1]} : vector<512x768xbf16> to vector<128x64xbf16>
    %slice3A_628 = vector.extract_strided_slice %convert_element_type3A_47 {offsets = [64, 256], sizes = [64, 128], strides = [1, 1]} : vector<768x512xbf16> to vector<64x128xbf16>
    %dot_general3A_629 = arith.constant dense<0.000000e+00> : vector<128x128xf32>
    %dot_general3A_630 = tpu.matmul %slice3A_627, %slice3A_628, %dot_general3A_629 {dimension_numbers = #tpu.dot_dimension_numbers<[1], [0], [0], [1], [0, 0, 1, 1], [], []>, transpose_lhs_hint = false} : vector<128x64xbf16>, vector<64x128xbf16>, vector<128x128xf32> -> vector<128x128xf32>
    %jit3A_631 = arith.constant -6.000000e+01 : f32
    %jit3A_632 = arith.constant 6.000000e+01 : f32
    %max3A_633 = vector.broadcast %jit3A_631 : f32 to vector<128x128xf32>
    %max3A_634 = arith.maximumf %max3A_633, %dot_general3A_630 : vector<128x128xf32>
    %min3A_635 = vector.broadcast %jit3A_632 : f32 to vector<128x128xf32>
    %min3A_636 = arith.minimumf %min3A_635, %max3A_634 : vector<128x128xf32>
    %exp3A_637 = math.exp %min3A_636 : vector<128x128xf32>
    %reduce_sum3A_638 = arith.constant dense<0.000000e+00> : vector<128xf32>
    %reduce_sum3A_639 = vector.multi_reduction <add>, %exp3A_637, %reduce_sum3A_638 [1] : vector<128x128xf32> to vector<128xf32>
    %broadcast_in_dim3A_640 = vector.shape_cast %reduce_sum3A_639 : vector<128xf32> to vector<128x1xf32>
    %div3A_641 = arith.constant 1.000000e+00 : f32
    %div3A_642 = vector.broadcast %div3A_641 : f32 to vector<128x1xf32>
    %div3A_643 = arith.divf %div3A_642, %broadcast_in_dim3A_640 : vector<128x1xf32>
    %convert_element_type3A_644 = arith.truncf %exp3A_637 : vector<128x128xf32> to vector<128x128xbf16>
    %slice3A_645 = vector.extract_strided_slice %convert_element_type3A_55 {offsets = [256, 64], sizes = [128, 64], strides = [1, 1]} : vector<512x768xbf16> to vector<128x64xbf16>
    %dot_general3A_646 = arith.constant dense<0.000000e+00> : vector<128x64xf32>
    %dot_general3A_647 = tpu.matmul %convert_element_type3A_644, %slice3A_645, %dot_general3A_646 {dimension_numbers = #tpu.dot_dimension_numbers<[1], [0], [0], [1], [0, 0, 1, 1], [], []>, transpose_lhs_hint = false} : vector<128x128xbf16>, vector<128x64xbf16>, vector<128x64xf32> -> vector<128x64xf32>
    %mul3A_648 = vector.broadcast %div3A_643 : vector<128x1xf32> to vector<128x64xf32>
    %mul3A_649 = arith.mulf %dot_general3A_647, %mul3A_648 : vector<128x64xf32>
    %slice3A_650 = vector.extract_strided_slice %convert_element_type3A_39 {offsets = [256, 128], sizes = [128, 64], strides = [1, 1]} : vector<512x768xbf16> to vector<128x64xbf16>
    %slice3A_651 = vector.extract_strided_slice %convert_element_type3A_47 {offsets = [128, 256], sizes = [64, 128], strides = [1, 1]} : vector<768x512xbf16> to vector<64x128xbf16>
    %dot_general3A_652 = arith.constant dense<0.000000e+00> : vector<128x128xf32>
    %dot_general3A_653 = tpu.matmul %slice3A_650, %slice3A_651, %dot_general3A_652 {dimension_numbers = #tpu.dot_dimension_numbers<[1], [0], [0], [1], [0, 0, 1, 1], [], []>, transpose_lhs_hint = false} : vector<128x64xbf16>, vector<64x128xbf16>, vector<128x128xf32> -> vector<128x128xf32>
    %jit3A_654 = arith.constant -6.000000e+01 : f32
    %jit3A_655 = arith.constant 6.000000e+01 : f32
    %max3A_656 = vector.broadcast %jit3A_654 : f32 to vector<128x128xf32>
    %max3A_657 = arith.maximumf %max3A_656, %dot_general3A_653 : vector<128x128xf32>
    %min3A_658 = vector.broadcast %jit3A_655 : f32 to vector<128x128xf32>
    %min3A_659 = arith.minimumf %min3A_658, %max3A_657 : vector<128x128xf32>
    %exp3A_660 = math.exp %min3A_659 : vector<128x128xf32>
    %reduce_sum3A_661 = arith.constant dense<0.000000e+00> : vector<128xf32>
    %reduce_sum3A_662 = vector.multi_reduction <add>, %exp3A_660, %reduce_sum3A_661 [1] : vector<128x128xf32> to vector<128xf32>
    %broadcast_in_dim3A_663 = vector.shape_cast %reduce_sum3A_662 : vector<128xf32> to vector<128x1xf32>
    %div3A_664 = arith.constant 1.000000e+00 : f32
    %div3A_665 = vector.broadcast %div3A_664 : f32 to vector<128x1xf32>
    %div3A_666 = arith.divf %div3A_665, %broadcast_in_dim3A_663 : vector<128x1xf32>
    %convert_element_type3A_667 = arith.truncf %exp3A_660 : vector<128x128xf32> to vector<128x128xbf16>
    %slice3A_668 = vector.extract_strided_slice %convert_element_type3A_55 {offsets = [256, 128], sizes = [128, 64], strides = [1, 1]} : vector<512x768xbf16> to vector<128x64xbf16>
    %dot_general3A_669 = arith.constant dense<0.000000e+00> : vector<128x64xf32>
    %dot_general3A_670 = tpu.matmul %convert_element_type3A_667, %slice3A_668, %dot_general3A_669 {dimension_numbers = #tpu.dot_dimension_numbers<[1], [0], [0], [1], [0, 0, 1, 1], [], []>, transpose_lhs_hint = false} : vector<128x128xbf16>, vector<128x64xbf16>, vector<128x64xf32> -> vector<128x64xf32>
    %mul3A_671 = vector.broadcast %div3A_666 : vector<128x1xf32> to vector<128x64xf32>
    %mul3A_672 = arith.mulf %dot_general3A_670, %mul3A_671 : vector<128x64xf32>
    %slice3A_673 = vector.extract_strided_slice %convert_element_type3A_39 {offsets = [256, 192], sizes = [128, 64], strides = [1, 1]} : vector<512x768xbf16> to vector<128x64xbf16>
    %slice3A_674 = vector.extract_strided_slice %convert_element_type3A_47 {offsets = [192, 256], sizes = [64, 128], strides = [1, 1]} : vector<768x512xbf16> to vector<64x128xbf16>
    %dot_general3A_675 = arith.constant dense<0.000000e+00> : vector<128x128xf32>
    %dot_general3A_676 = tpu.matmul %slice3A_673, %slice3A_674, %dot_general3A_675 {dimension_numbers = #tpu.dot_dimension_numbers<[1], [0], [0], [1], [0, 0, 1, 1], [], []>, transpose_lhs_hint = false} : vector<128x64xbf16>, vector<64x128xbf16>, vector<128x128xf32> -> vector<128x128xf32>
    %jit3A_677 = arith.constant -6.000000e+01 : f32
    %jit3A_678 = arith.constant 6.000000e+01 : f32
    %max3A_679 = vector.broadcast %jit3A_677 : f32 to vector<128x128xf32>
    %max3A_680 = arith.maximumf %max3A_679, %dot_general3A_676 : vector<128x128xf32>
    %min3A_681 = vector.broadcast %jit3A_678 : f32 to vector<128x128xf32>
    %min3A_682 = arith.minimumf %min3A_681, %max3A_680 : vector<128x128xf32>
    %exp3A_683 = math.exp %min3A_682 : vector<128x128xf32>
    %reduce_sum3A_684 = arith.constant dense<0.000000e+00> : vector<128xf32>
    %reduce_sum3A_685 = vector.multi_reduction <add>, %exp3A_683, %reduce_sum3A_684 [1] : vector<128x128xf32> to vector<128xf32>
    %broadcast_in_dim3A_686 = vector.shape_cast %reduce_sum3A_685 : vector<128xf32> to vector<128x1xf32>
    %div3A_687 = arith.constant 1.000000e+00 : f32
    %div3A_688 = vector.broadcast %div3A_687 : f32 to vector<128x1xf32>
    %div3A_689 = arith.divf %div3A_688, %broadcast_in_dim3A_686 : vector<128x1xf32>
    %convert_element_type3A_690 = arith.truncf %exp3A_683 : vector<128x128xf32> to vector<128x128xbf16>
    %slice3A_691 = vector.extract_strided_slice %convert_element_type3A_55 {offsets = [256, 192], sizes = [128, 64], strides = [1, 1]} : vector<512x768xbf16> to vector<128x64xbf16>
    %dot_general3A_692 = arith.constant dense<0.000000e+00> : vector<128x64xf32>
    %dot_general3A_693 = tpu.matmul %convert_element_type3A_690, %slice3A_691, %dot_general3A_692 {dimension_numbers = #tpu.dot_dimension_numbers<[1], [0], [0], [1], [0, 0, 1, 1], [], []>, transpose_lhs_hint = false} : vector<128x128xbf16>, vector<128x64xbf16>, vector<128x64xf32> -> vector<128x64xf32>
    %mul3A_694 = vector.broadcast %div3A_689 : vector<128x1xf32> to vector<128x64xf32>
    %mul3A_695 = arith.mulf %dot_general3A_693, %mul3A_694 : vector<128x64xf32>
    %slice3A_696 = vector.extract_strided_slice %convert_element_type3A_39 {offsets = [256, 256], sizes = [128, 64], strides = [1, 1]} : vector<512x768xbf16> to vector<128x64xbf16>
    %slice3A_697 = vector.extract_strided_slice %convert_element_type3A_47 {offsets = [256, 256], sizes = [64, 128], strides = [1, 1]} : vector<768x512xbf16> to vector<64x128xbf16>
    %dot_general3A_698 = arith.constant dense<0.000000e+00> : vector<128x128xf32>
    %dot_general3A_699 = tpu.matmul %slice3A_696, %slice3A_697, %dot_general3A_698 {dimension_numbers = #tpu.dot_dimension_numbers<[1], [0], [0], [1], [0, 0, 1, 1], [], []>, transpose_lhs_hint = false} : vector<128x64xbf16>, vector<64x128xbf16>, vector<128x128xf32> -> vector<128x128xf32>
    %jit3A_700 = arith.constant -6.000000e+01 : f32
    %jit3A_701 = arith.constant 6.000000e+01 : f32
    %max3A_702 = vector.broadcast %jit3A_700 : f32 to vector<128x128xf32>
    %max3A_703 = arith.maximumf %max3A_702, %dot_general3A_699 : vector<128x128xf32>
    %min3A_704 = vector.broadcast %jit3A_701 : f32 to vector<128x128xf32>
    %min3A_705 = arith.minimumf %min3A_704, %max3A_703 : vector<128x128xf32>
    %exp3A_706 = math.exp %min3A_705 : vector<128x128xf32>
    %reduce_sum3A_707 = arith.constant dense<0.000000e+00> : vector<128xf32>
    %reduce_sum3A_708 = vector.multi_reduction <add>, %exp3A_706, %reduce_sum3A_707 [1] : vector<128x128xf32> to vector<128xf32>
    %broadcast_in_dim3A_709 = vector.shape_cast %reduce_sum3A_708 : vector<128xf32> to vector<128x1xf32>
    %div3A_710 = arith.constant 1.000000e+00 : f32
    %div3A_711 = vector.broadcast %div3A_710 : f32 to vector<128x1xf32>
    %div3A_712 = arith.divf %div3A_711, %broadcast_in_dim3A_709 : vector<128x1xf32>
    %convert_element_type3A_713 = arith.truncf %exp3A_706 : vector<128x128xf32> to vector<128x128xbf16>
    %slice3A_714 = vector.extract_strided_slice %convert_element_type3A_55 {offsets = [256, 256], sizes = [128, 64], strides = [1, 1]} : vector<512x768xbf16> to vector<128x64xbf16>
    %dot_general3A_715 = arith.constant dense<0.000000e+00> : vector<128x64xf32>
    %dot_general3A_716 = tpu.matmul %convert_element_type3A_713, %slice3A_714, %dot_general3A_715 {dimension_numbers = #tpu.dot_dimension_numbers<[1], [0], [0], [1], [0, 0, 1, 1], [], []>, transpose_lhs_hint = false} : vector<128x128xbf16>, vector<128x64xbf16>, vector<128x64xf32> -> vector<128x64xf32>
    %mul3A_717 = vector.broadcast %div3A_712 : vector<128x1xf32> to vector<128x64xf32>
    %mul3A_718 = arith.mulf %dot_general3A_716, %mul3A_717 : vector<128x64xf32>
    %slice3A_719 = vector.extract_strided_slice %convert_element_type3A_39 {offsets = [256, 320], sizes = [128, 64], strides = [1, 1]} : vector<512x768xbf16> to vector<128x64xbf16>
    %slice3A_720 = vector.extract_strided_slice %convert_element_type3A_47 {offsets = [320, 256], sizes = [64, 128], strides = [1, 1]} : vector<768x512xbf16> to vector<64x128xbf16>
    %dot_general3A_721 = arith.constant dense<0.000000e+00> : vector<128x128xf32>
    %dot_general3A_722 = tpu.matmul %slice3A_719, %slice3A_720, %dot_general3A_721 {dimension_numbers = #tpu.dot_dimension_numbers<[1], [0], [0], [1], [0, 0, 1, 1], [], []>, transpose_lhs_hint = false} : vector<128x64xbf16>, vector<64x128xbf16>, vector<128x128xf32> -> vector<128x128xf32>
    %jit3A_723 = arith.constant -6.000000e+01 : f32
    %jit3A_724 = arith.constant 6.000000e+01 : f32
    %max3A_725 = vector.broadcast %jit3A_723 : f32 to vector<128x128xf32>
    %max3A_726 = arith.maximumf %max3A_725, %dot_general3A_722 : vector<128x128xf32>
    %min3A_727 = vector.broadcast %jit3A_724 : f32 to vector<128x128xf32>
    %min3A_728 = arith.minimumf %min3A_727, %max3A_726 : vector<128x128xf32>
    %exp3A_729 = math.exp %min3A_728 : vector<128x128xf32>
    %reduce_sum3A_730 = arith.constant dense<0.000000e+00> : vector<128xf32>
    %reduce_sum3A_731 = vector.multi_reduction <add>, %exp3A_729, %reduce_sum3A_730 [1] : vector<128x128xf32> to vector<128xf32>
    %broadcast_in_dim3A_732 = vector.shape_cast %reduce_sum3A_731 : vector<128xf32> to vector<128x1xf32>
    %div3A_733 = arith.constant 1.000000e+00 : f32
    %div3A_734 = vector.broadcast %div3A_733 : f32 to vector<128x1xf32>
    %div3A_735 = arith.divf %div3A_734, %broadcast_in_dim3A_732 : vector<128x1xf32>
    %convert_element_type3A_736 = arith.truncf %exp3A_729 : vector<128x128xf32> to vector<128x128xbf16>
    %slice3A_737 = vector.extract_strided_slice %convert_element_type3A_55 {offsets = [256, 320], sizes = [128, 64], strides = [1, 1]} : vector<512x768xbf16> to vector<128x64xbf16>
    %dot_general3A_738 = arith.constant dense<0.000000e+00> : vector<128x64xf32>
    %dot_general3A_739 = tpu.matmul %convert_element_type3A_736, %slice3A_737, %dot_general3A_738 {dimension_numbers = #tpu.dot_dimension_numbers<[1], [0], [0], [1], [0, 0, 1, 1], [], []>, transpose_lhs_hint = false} : vector<128x128xbf16>, vector<128x64xbf16>, vector<128x64xf32> -> vector<128x64xf32>
    %mul3A_740 = vector.broadcast %div3A_735 : vector<128x1xf32> to vector<128x64xf32>
    %mul3A_741 = arith.mulf %dot_general3A_739, %mul3A_740 : vector<128x64xf32>
    %slice3A_742 = vector.extract_strided_slice %convert_element_type3A_39 {offsets = [256, 384], sizes = [128, 64], strides = [1, 1]} : vector<512x768xbf16> to vector<128x64xbf16>
    %slice3A_743 = vector.extract_strided_slice %convert_element_type3A_47 {offsets = [384, 256], sizes = [64, 128], strides = [1, 1]} : vector<768x512xbf16> to vector<64x128xbf16>
    %dot_general3A_744 = arith.constant dense<0.000000e+00> : vector<128x128xf32>
    %dot_general3A_745 = tpu.matmul %slice3A_742, %slice3A_743, %dot_general3A_744 {dimension_numbers = #tpu.dot_dimension_numbers<[1], [0], [0], [1], [0, 0, 1, 1], [], []>, transpose_lhs_hint = false} : vector<128x64xbf16>, vector<64x128xbf16>, vector<128x128xf32> -> vector<128x128xf32>
    %jit3A_746 = arith.constant -6.000000e+01 : f32
    %jit3A_747 = arith.constant 6.000000e+01 : f32
    %max3A_748 = vector.broadcast %jit3A_746 : f32 to vector<128x128xf32>
    %max3A_749 = arith.maximumf %max3A_748, %dot_general3A_745 : vector<128x128xf32>
    %min3A_750 = vector.broadcast %jit3A_747 : f32 to vector<128x128xf32>
    %min3A_751 = arith.minimumf %min3A_750, %max3A_749 : vector<128x128xf32>
    %exp3A_752 = math.exp %min3A_751 : vector<128x128xf32>
    %reduce_sum3A_753 = arith.constant dense<0.000000e+00> : vector<128xf32>
    %reduce_sum3A_754 = vector.multi_reduction <add>, %exp3A_752, %reduce_sum3A_753 [1] : vector<128x128xf32> to vector<128xf32>
    %broadcast_in_dim3A_755 = vector.shape_cast %reduce_sum3A_754 : vector<128xf32> to vector<128x1xf32>
    %div3A_756 = arith.constant 1.000000e+00 : f32
    %div3A_757 = vector.broadcast %div3A_756 : f32 to vector<128x1xf32>
    %div3A_758 = arith.divf %div3A_757, %broadcast_in_dim3A_755 : vector<128x1xf32>
    %convert_element_type3A_759 = arith.truncf %exp3A_752 : vector<128x128xf32> to vector<128x128xbf16>
    %slice3A_760 = vector.extract_strided_slice %convert_element_type3A_55 {offsets = [256, 384], sizes = [128, 64], strides = [1, 1]} : vector<512x768xbf16> to vector<128x64xbf16>
    %dot_general3A_761 = arith.constant dense<0.000000e+00> : vector<128x64xf32>
    %dot_general3A_762 = tpu.matmul %convert_element_type3A_759, %slice3A_760, %dot_general3A_761 {dimension_numbers = #tpu.dot_dimension_numbers<[1], [0], [0], [1], [0, 0, 1, 1], [], []>, transpose_lhs_hint = false} : vector<128x128xbf16>, vector<128x64xbf16>, vector<128x64xf32> -> vector<128x64xf32>
    %mul3A_763 = vector.broadcast %div3A_758 : vector<128x1xf32> to vector<128x64xf32>
    %mul3A_764 = arith.mulf %dot_general3A_762, %mul3A_763 : vector<128x64xf32>
    %slice3A_765 = vector.extract_strided_slice %convert_element_type3A_39 {offsets = [256, 448], sizes = [128, 64], strides = [1, 1]} : vector<512x768xbf16> to vector<128x64xbf16>
    %slice3A_766 = vector.extract_strided_slice %convert_element_type3A_47 {offsets = [448, 256], sizes = [64, 128], strides = [1, 1]} : vector<768x512xbf16> to vector<64x128xbf16>
    %dot_general3A_767 = arith.constant dense<0.000000e+00> : vector<128x128xf32>
    %dot_general3A_768 = tpu.matmul %slice3A_765, %slice3A_766, %dot_general3A_767 {dimension_numbers = #tpu.dot_dimension_numbers<[1], [0], [0], [1], [0, 0, 1, 1], [], []>, transpose_lhs_hint = false} : vector<128x64xbf16>, vector<64x128xbf16>, vector<128x128xf32> -> vector<128x128xf32>
    %jit3A_769 = arith.constant -6.000000e+01 : f32
    %jit3A_770 = arith.constant 6.000000e+01 : f32
    %max3A_771 = vector.broadcast %jit3A_769 : f32 to vector<128x128xf32>
    %max3A_772 = arith.maximumf %max3A_771, %dot_general3A_768 : vector<128x128xf32>
    %min3A_773 = vector.broadcast %jit3A_770 : f32 to vector<128x128xf32>
    %min3A_774 = arith.minimumf %min3A_773, %max3A_772 : vector<128x128xf32>
    %exp3A_775 = math.exp %min3A_774 : vector<128x128xf32>
    %reduce_sum3A_776 = arith.constant dense<0.000000e+00> : vector<128xf32>
    %reduce_sum3A_777 = vector.multi_reduction <add>, %exp3A_775, %reduce_sum3A_776 [1] : vector<128x128xf32> to vector<128xf32>
    %broadcast_in_dim3A_778 = vector.shape_cast %reduce_sum3A_777 : vector<128xf32> to vector<128x1xf32>
    %div3A_779 = arith.constant 1.000000e+00 : f32
    %div3A_780 = vector.broadcast %div3A_779 : f32 to vector<128x1xf32>
    %div3A_781 = arith.divf %div3A_780, %broadcast_in_dim3A_778 : vector<128x1xf32>
    %convert_element_type3A_782 = arith.truncf %exp3A_775 : vector<128x128xf32> to vector<128x128xbf16>
    %slice3A_783 = vector.extract_strided_slice %convert_element_type3A_55 {offsets = [256, 448], sizes = [128, 64], strides = [1, 1]} : vector<512x768xbf16> to vector<128x64xbf16>
    %dot_general3A_784 = arith.constant dense<0.000000e+00> : vector<128x64xf32>
    %dot_general3A_785 = tpu.matmul %convert_element_type3A_782, %slice3A_783, %dot_general3A_784 {dimension_numbers = #tpu.dot_dimension_numbers<[1], [0], [0], [1], [0, 0, 1, 1], [], []>, transpose_lhs_hint = false} : vector<128x128xbf16>, vector<128x64xbf16>, vector<128x64xf32> -> vector<128x64xf32>
    %mul3A_786 = vector.broadcast %div3A_781 : vector<128x1xf32> to vector<128x64xf32>
    %mul3A_787 = arith.mulf %dot_general3A_785, %mul3A_786 : vector<128x64xf32>
    %slice3A_788 = vector.extract_strided_slice %convert_element_type3A_39 {offsets = [256, 512], sizes = [128, 64], strides = [1, 1]} : vector<512x768xbf16> to vector<128x64xbf16>
    %slice3A_789 = vector.extract_strided_slice %convert_element_type3A_47 {offsets = [512, 256], sizes = [64, 128], strides = [1, 1]} : vector<768x512xbf16> to vector<64x128xbf16>
    %dot_general3A_790 = arith.constant dense<0.000000e+00> : vector<128x128xf32>
    %dot_general3A_791 = tpu.matmul %slice3A_788, %slice3A_789, %dot_general3A_790 {dimension_numbers = #tpu.dot_dimension_numbers<[1], [0], [0], [1], [0, 0, 1, 1], [], []>, transpose_lhs_hint = false} : vector<128x64xbf16>, vector<64x128xbf16>, vector<128x128xf32> -> vector<128x128xf32>
    %jit3A_792 = arith.constant -6.000000e+01 : f32
    %jit3A_793 = arith.constant 6.000000e+01 : f32
    %max3A_794 = vector.broadcast %jit3A_792 : f32 to vector<128x128xf32>
    %max3A_795 = arith.maximumf %max3A_794, %dot_general3A_791 : vector<128x128xf32>
    %min3A_796 = vector.broadcast %jit3A_793 : f32 to vector<128x128xf32>
    %min3A_797 = arith.minimumf %min3A_796, %max3A_795 : vector<128x128xf32>
    %exp3A_798 = math.exp %min3A_797 : vector<128x128xf32>
    %reduce_sum3A_799 = arith.constant dense<0.000000e+00> : vector<128xf32>
    %reduce_sum3A_800 = vector.multi_reduction <add>, %exp3A_798, %reduce_sum3A_799 [1] : vector<128x128xf32> to vector<128xf32>
    %broadcast_in_dim3A_801 = vector.shape_cast %reduce_sum3A_800 : vector<128xf32> to vector<128x1xf32>
    %div3A_802 = arith.constant 1.000000e+00 : f32
    %div3A_803 = vector.broadcast %div3A_802 : f32 to vector<128x1xf32>
    %div3A_804 = arith.divf %div3A_803, %broadcast_in_dim3A_801 : vector<128x1xf32>
    %convert_element_type3A_805 = arith.truncf %exp3A_798 : vector<128x128xf32> to vector<128x128xbf16>
    %slice3A_806 = vector.extract_strided_slice %convert_element_type3A_55 {offsets = [256, 512], sizes = [128, 64], strides = [1, 1]} : vector<512x768xbf16> to vector<128x64xbf16>
    %dot_general3A_807 = arith.constant dense<0.000000e+00> : vector<128x64xf32>
    %dot_general3A_808 = tpu.matmul %convert_element_type3A_805, %slice3A_806, %dot_general3A_807 {dimension_numbers = #tpu.dot_dimension_numbers<[1], [0], [0], [1], [0, 0, 1, 1], [], []>, transpose_lhs_hint = false} : vector<128x128xbf16>, vector<128x64xbf16>, vector<128x64xf32> -> vector<128x64xf32>
    %mul3A_809 = vector.broadcast %div3A_804 : vector<128x1xf32> to vector<128x64xf32>
    %mul3A_810 = arith.mulf %dot_general3A_808, %mul3A_809 : vector<128x64xf32>
    %slice3A_811 = vector.extract_strided_slice %convert_element_type3A_39 {offsets = [256, 576], sizes = [128, 64], strides = [1, 1]} : vector<512x768xbf16> to vector<128x64xbf16>
    %slice3A_812 = vector.extract_strided_slice %convert_element_type3A_47 {offsets = [576, 256], sizes = [64, 128], strides = [1, 1]} : vector<768x512xbf16> to vector<64x128xbf16>
    %dot_general3A_813 = arith.constant dense<0.000000e+00> : vector<128x128xf32>
    %dot_general3A_814 = tpu.matmul %slice3A_811, %slice3A_812, %dot_general3A_813 {dimension_numbers = #tpu.dot_dimension_numbers<[1], [0], [0], [1], [0, 0, 1, 1], [], []>, transpose_lhs_hint = false} : vector<128x64xbf16>, vector<64x128xbf16>, vector<128x128xf32> -> vector<128x128xf32>
    %jit3A_815 = arith.constant -6.000000e+01 : f32
    %jit3A_816 = arith.constant 6.000000e+01 : f32
    %max3A_817 = vector.broadcast %jit3A_815 : f32 to vector<128x128xf32>
    %max3A_818 = arith.maximumf %max3A_817, %dot_general3A_814 : vector<128x128xf32>
    %min3A_819 = vector.broadcast %jit3A_816 : f32 to vector<128x128xf32>
    %min3A_820 = arith.minimumf %min3A_819, %max3A_818 : vector<128x128xf32>
    %exp3A_821 = math.exp %min3A_820 : vector<128x128xf32>
    %reduce_sum3A_822 = arith.constant dense<0.000000e+00> : vector<128xf32>
    %reduce_sum3A_823 = vector.multi_reduction <add>, %exp3A_821, %reduce_sum3A_822 [1] : vector<128x128xf32> to vector<128xf32>
    %broadcast_in_dim3A_824 = vector.shape_cast %reduce_sum3A_823 : vector<128xf32> to vector<128x1xf32>
    %div3A_825 = arith.constant 1.000000e+00 : f32
    %div3A_826 = vector.broadcast %div3A_825 : f32 to vector<128x1xf32>
    %div3A_827 = arith.divf %div3A_826, %broadcast_in_dim3A_824 : vector<128x1xf32>
    %convert_element_type3A_828 = arith.truncf %exp3A_821 : vector<128x128xf32> to vector<128x128xbf16>
    %slice3A_829 = vector.extract_strided_slice %convert_element_type3A_55 {offsets = [256, 576], sizes = [128, 64], strides = [1, 1]} : vector<512x768xbf16> to vector<128x64xbf16>
    %dot_general3A_830 = arith.constant dense<0.000000e+00> : vector<128x64xf32>
    %dot_general3A_831 = tpu.matmul %convert_element_type3A_828, %slice3A_829, %dot_general3A_830 {dimension_numbers = #tpu.dot_dimension_numbers<[1], [0], [0], [1], [0, 0, 1, 1], [], []>, transpose_lhs_hint = false} : vector<128x128xbf16>, vector<128x64xbf16>, vector<128x64xf32> -> vector<128x64xf32>
    %mul3A_832 = vector.broadcast %div3A_827 : vector<128x1xf32> to vector<128x64xf32>
    %mul3A_833 = arith.mulf %dot_general3A_831, %mul3A_832 : vector<128x64xf32>
    %slice3A_834 = vector.extract_strided_slice %convert_element_type3A_39 {offsets = [256, 640], sizes = [128, 64], strides = [1, 1]} : vector<512x768xbf16> to vector<128x64xbf16>
    %slice3A_835 = vector.extract_strided_slice %convert_element_type3A_47 {offsets = [640, 256], sizes = [64, 128], strides = [1, 1]} : vector<768x512xbf16> to vector<64x128xbf16>
    %dot_general3A_836 = arith.constant dense<0.000000e+00> : vector<128x128xf32>
    %dot_general3A_837 = tpu.matmul %slice3A_834, %slice3A_835, %dot_general3A_836 {dimension_numbers = #tpu.dot_dimension_numbers<[1], [0], [0], [1], [0, 0, 1, 1], [], []>, transpose_lhs_hint = false} : vector<128x64xbf16>, vector<64x128xbf16>, vector<128x128xf32> -> vector<128x128xf32>
    %jit3A_838 = arith.constant -6.000000e+01 : f32
    %jit3A_839 = arith.constant 6.000000e+01 : f32
    %max3A_840 = vector.broadcast %jit3A_838 : f32 to vector<128x128xf32>
    %max3A_841 = arith.maximumf %max3A_840, %dot_general3A_837 : vector<128x128xf32>
    %min3A_842 = vector.broadcast %jit3A_839 : f32 to vector<128x128xf32>
    %min3A_843 = arith.minimumf %min3A_842, %max3A_841 : vector<128x128xf32>
    %exp3A_844 = math.exp %min3A_843 : vector<128x128xf32>
    %reduce_sum3A_845 = arith.constant dense<0.000000e+00> : vector<128xf32>
    %reduce_sum3A_846 = vector.multi_reduction <add>, %exp3A_844, %reduce_sum3A_845 [1] : vector<128x128xf32> to vector<128xf32>
    %broadcast_in_dim3A_847 = vector.shape_cast %reduce_sum3A_846 : vector<128xf32> to vector<128x1xf32>
    %div3A_848 = arith.constant 1.000000e+00 : f32
    %div3A_849 = vector.broadcast %div3A_848 : f32 to vector<128x1xf32>
    %div3A_850 = arith.divf %div3A_849, %broadcast_in_dim3A_847 : vector<128x1xf32>
    %convert_element_type3A_851 = arith.truncf %exp3A_844 : vector<128x128xf32> to vector<128x128xbf16>
    %slice3A_852 = vector.extract_strided_slice %convert_element_type3A_55 {offsets = [256, 640], sizes = [128, 64], strides = [1, 1]} : vector<512x768xbf16> to vector<128x64xbf16>
    %dot_general3A_853 = arith.constant dense<0.000000e+00> : vector<128x64xf32>
    %dot_general3A_854 = tpu.matmul %convert_element_type3A_851, %slice3A_852, %dot_general3A_853 {dimension_numbers = #tpu.dot_dimension_numbers<[1], [0], [0], [1], [0, 0, 1, 1], [], []>, transpose_lhs_hint = false} : vector<128x128xbf16>, vector<128x64xbf16>, vector<128x64xf32> -> vector<128x64xf32>
    %mul3A_855 = vector.broadcast %div3A_850 : vector<128x1xf32> to vector<128x64xf32>
    %mul3A_856 = arith.mulf %dot_general3A_854, %mul3A_855 : vector<128x64xf32>
    %slice3A_857 = vector.extract_strided_slice %convert_element_type3A_39 {offsets = [256, 704], sizes = [128, 64], strides = [1, 1]} : vector<512x768xbf16> to vector<128x64xbf16>
    %slice3A_858 = vector.extract_strided_slice %convert_element_type3A_47 {offsets = [704, 256], sizes = [64, 128], strides = [1, 1]} : vector<768x512xbf16> to vector<64x128xbf16>
    %dot_general3A_859 = arith.constant dense<0.000000e+00> : vector<128x128xf32>
    %dot_general3A_860 = tpu.matmul %slice3A_857, %slice3A_858, %dot_general3A_859 {dimension_numbers = #tpu.dot_dimension_numbers<[1], [0], [0], [1], [0, 0, 1, 1], [], []>, transpose_lhs_hint = false} : vector<128x64xbf16>, vector<64x128xbf16>, vector<128x128xf32> -> vector<128x128xf32>
    %jit3A_861 = arith.constant -6.000000e+01 : f32
    %jit3A_862 = arith.constant 6.000000e+01 : f32
    %max3A_863 = vector.broadcast %jit3A_861 : f32 to vector<128x128xf32>
    %max3A_864 = arith.maximumf %max3A_863, %dot_general3A_860 : vector<128x128xf32>
    %min3A_865 = vector.broadcast %jit3A_862 : f32 to vector<128x128xf32>
    %min3A_866 = arith.minimumf %min3A_865, %max3A_864 : vector<128x128xf32>
    %exp3A_867 = math.exp %min3A_866 : vector<128x128xf32>
    %reduce_sum3A_868 = arith.constant dense<0.000000e+00> : vector<128xf32>
    %reduce_sum3A_869 = vector.multi_reduction <add>, %exp3A_867, %reduce_sum3A_868 [1] : vector<128x128xf32> to vector<128xf32>
    %broadcast_in_dim3A_870 = vector.shape_cast %reduce_sum3A_869 : vector<128xf32> to vector<128x1xf32>
    %div3A_871 = arith.constant 1.000000e+00 : f32
    %div3A_872 = vector.broadcast %div3A_871 : f32 to vector<128x1xf32>
    %div3A_873 = arith.divf %div3A_872, %broadcast_in_dim3A_870 : vector<128x1xf32>
    %convert_element_type3A_874 = arith.truncf %exp3A_867 : vector<128x128xf32> to vector<128x128xbf16>
    %slice3A_875 = vector.extract_strided_slice %convert_element_type3A_55 {offsets = [256, 704], sizes = [128, 64], strides = [1, 1]} : vector<512x768xbf16> to vector<128x64xbf16>
    %dot_general3A_876 = arith.constant dense<0.000000e+00> : vector<128x64xf32>
    %dot_general3A_877 = tpu.matmul %convert_element_type3A_874, %slice3A_875, %dot_general3A_876 {dimension_numbers = #tpu.dot_dimension_numbers<[1], [0], [0], [1], [0, 0, 1, 1], [], []>, transpose_lhs_hint = false} : vector<128x128xbf16>, vector<128x64xbf16>, vector<128x64xf32> -> vector<128x64xf32>
    %mul3A_878 = vector.broadcast %div3A_873 : vector<128x1xf32> to vector<128x64xf32>
    %mul3A_879 = arith.mulf %dot_general3A_877, %mul3A_878 : vector<128x64xf32>
    %concatenate3A_880 = tpu.concatenate %mul3A_626, %mul3A_649, %mul3A_672, %mul3A_695, %mul3A_718, %mul3A_741, %mul3A_764, %mul3A_787, %mul3A_810, %mul3A_833, %mul3A_856, %mul3A_879 in 1 : vector<128x64xf32>, vector<128x64xf32>, vector<128x64xf32>, vector<128x64xf32>, vector<128x64xf32>, vector<128x64xf32>, vector<128x64xf32>, vector<128x64xf32>, vector<128x64xf32>, vector<128x64xf32>, vector<128x64xf32>, vector<128x64xf32> -> vector<128x768xf32>
    %slice3A_881 = vector.extract_strided_slice %convert_element_type3A_39 {offsets = [384, 0], sizes = [128, 64], strides = [1, 1]} : vector<512x768xbf16> to vector<128x64xbf16>
    %slice3A_882 = vector.extract_strided_slice %convert_element_type3A_47 {offsets = [0, 384], sizes = [64, 128], strides = [1, 1]} : vector<768x512xbf16> to vector<64x128xbf16>
    %dot_general3A_883 = arith.constant dense<0.000000e+00> : vector<128x128xf32>
    %dot_general3A_884 = tpu.matmul %slice3A_881, %slice3A_882, %dot_general3A_883 {dimension_numbers = #tpu.dot_dimension_numbers<[1], [0], [0], [1], [0, 0, 1, 1], [], []>, transpose_lhs_hint = false} : vector<128x64xbf16>, vector<64x128xbf16>, vector<128x128xf32> -> vector<128x128xf32>
    %jit3A_885 = arith.constant -6.000000e+01 : f32
    %jit3A_886 = arith.constant 6.000000e+01 : f32
    %max3A_887 = vector.broadcast %jit3A_885 : f32 to vector<128x128xf32>
    %max3A_888 = arith.maximumf %max3A_887, %dot_general3A_884 : vector<128x128xf32>
    %min3A_889 = vector.broadcast %jit3A_886 : f32 to vector<128x128xf32>
    %min3A_890 = arith.minimumf %min3A_889, %max3A_888 : vector<128x128xf32>
    %exp3A_891 = math.exp %min3A_890 : vector<128x128xf32>
    %reduce_sum3A_892 = arith.constant dense<0.000000e+00> : vector<128xf32>
    %reduce_sum3A_893 = vector.multi_reduction <add>, %exp3A_891, %reduce_sum3A_892 [1] : vector<128x128xf32> to vector<128xf32>
    %broadcast_in_dim3A_894 = vector.shape_cast %reduce_sum3A_893 : vector<128xf32> to vector<128x1xf32>
    %div3A_895 = arith.constant 1.000000e+00 : f32
    %div3A_896 = vector.broadcast %div3A_895 : f32 to vector<128x1xf32>
    %div3A_897 = arith.divf %div3A_896, %broadcast_in_dim3A_894 : vector<128x1xf32>
    %convert_element_type3A_898 = arith.truncf %exp3A_891 : vector<128x128xf32> to vector<128x128xbf16>
    %slice3A_899 = vector.extract_strided_slice %convert_element_type3A_55 {offsets = [384, 0], sizes = [128, 64], strides = [1, 1]} : vector<512x768xbf16> to vector<128x64xbf16>
    %dot_general3A_900 = arith.constant dense<0.000000e+00> : vector<128x64xf32>
    %dot_general3A_901 = tpu.matmul %convert_element_type3A_898, %slice3A_899, %dot_general3A_900 {dimension_numbers = #tpu.dot_dimension_numbers<[1], [0], [0], [1], [0, 0, 1, 1], [], []>, transpose_lhs_hint = false} : vector<128x128xbf16>, vector<128x64xbf16>, vector<128x64xf32> -> vector<128x64xf32>
    %mul3A_902 = vector.broadcast %div3A_897 : vector<128x1xf32> to vector<128x64xf32>
    %mul3A_903 = arith.mulf %dot_general3A_901, %mul3A_902 : vector<128x64xf32>
    %slice3A_904 = vector.extract_strided_slice %convert_element_type3A_39 {offsets = [384, 64], sizes = [128, 64], strides = [1, 1]} : vector<512x768xbf16> to vector<128x64xbf16>
    %slice3A_905 = vector.extract_strided_slice %convert_element_type3A_47 {offsets = [64, 384], sizes = [64, 128], strides = [1, 1]} : vector<768x512xbf16> to vector<64x128xbf16>
    %dot_general3A_906 = arith.constant dense<0.000000e+00> : vector<128x128xf32>
    %dot_general3A_907 = tpu.matmul %slice3A_904, %slice3A_905, %dot_general3A_906 {dimension_numbers = #tpu.dot_dimension_numbers<[1], [0], [0], [1], [0, 0, 1, 1], [], []>, transpose_lhs_hint = false} : vector<128x64xbf16>, vector<64x128xbf16>, vector<128x128xf32> -> vector<128x128xf32>
    %jit3A_908 = arith.constant -6.000000e+01 : f32
    %jit3A_909 = arith.constant 6.000000e+01 : f32
    %max3A_910 = vector.broadcast %jit3A_908 : f32 to vector<128x128xf32>
    %max3A_911 = arith.maximumf %max3A_910, %dot_general3A_907 : vector<128x128xf32>
    %min3A_912 = vector.broadcast %jit3A_909 : f32 to vector<128x128xf32>
    %min3A_913 = arith.minimumf %min3A_912, %max3A_911 : vector<128x128xf32>
    %exp3A_914 = math.exp %min3A_913 : vector<128x128xf32>
    %reduce_sum3A_915 = arith.constant dense<0.000000e+00> : vector<128xf32>
    %reduce_sum3A_916 = vector.multi_reduction <add>, %exp3A_914, %reduce_sum3A_915 [1] : vector<128x128xf32> to vector<128xf32>
    %broadcast_in_dim3A_917 = vector.shape_cast %reduce_sum3A_916 : vector<128xf32> to vector<128x1xf32>
    %div3A_918 = arith.constant 1.000000e+00 : f32
    %div3A_919 = vector.broadcast %div3A_918 : f32 to vector<128x1xf32>
    %div3A_920 = arith.divf %div3A_919, %broadcast_in_dim3A_917 : vector<128x1xf32>
    %convert_element_type3A_921 = arith.truncf %exp3A_914 : vector<128x128xf32> to vector<128x128xbf16>
    %slice3A_922 = vector.extract_strided_slice %convert_element_type3A_55 {offsets = [384, 64], sizes = [128, 64], strides = [1, 1]} : vector<512x768xbf16> to vector<128x64xbf16>
    %dot_general3A_923 = arith.constant dense<0.000000e+00> : vector<128x64xf32>
    %dot_general3A_924 = tpu.matmul %convert_element_type3A_921, %slice3A_922, %dot_general3A_923 {dimension_numbers = #tpu.dot_dimension_numbers<[1], [0], [0], [1], [0, 0, 1, 1], [], []>, transpose_lhs_hint = false} : vector<128x128xbf16>, vector<128x64xbf16>, vector<128x64xf32> -> vector<128x64xf32>
    %mul3A_925 = vector.broadcast %div3A_920 : vector<128x1xf32> to vector<128x64xf32>
    %mul3A_926 = arith.mulf %dot_general3A_924, %mul3A_925 : vector<128x64xf32>
    %slice3A_927 = vector.extract_strided_slice %convert_element_type3A_39 {offsets = [384, 128], sizes = [128, 64], strides = [1, 1]} : vector<512x768xbf16> to vector<128x64xbf16>
    %slice3A_928 = vector.extract_strided_slice %convert_element_type3A_47 {offsets = [128, 384], sizes = [64, 128], strides = [1, 1]} : vector<768x512xbf16> to vector<64x128xbf16>
    %dot_general3A_929 = arith.constant dense<0.000000e+00> : vector<128x128xf32>
    %dot_general3A_930 = tpu.matmul %slice3A_927, %slice3A_928, %dot_general3A_929 {dimension_numbers = #tpu.dot_dimension_numbers<[1], [0], [0], [1], [0, 0, 1, 1], [], []>, transpose_lhs_hint = false} : vector<128x64xbf16>, vector<64x128xbf16>, vector<128x128xf32> -> vector<128x128xf32>
    %jit3A_931 = arith.constant -6.000000e+01 : f32
    %jit3A_932 = arith.constant 6.000000e+01 : f32
    %max3A_933 = vector.broadcast %jit3A_931 : f32 to vector<128x128xf32>
    %max3A_934 = arith.maximumf %max3A_933, %dot_general3A_930 : vector<128x128xf32>
    %min3A_935 = vector.broadcast %jit3A_932 : f32 to vector<128x128xf32>
    %min3A_936 = arith.minimumf %min3A_935, %max3A_934 : vector<128x128xf32>
    %exp3A_937 = math.exp %min3A_936 : vector<128x128xf32>
    %reduce_sum3A_938 = arith.constant dense<0.000000e+00> : vector<128xf32>
    %reduce_sum3A_939 = vector.multi_reduction <add>, %exp3A_937, %reduce_sum3A_938 [1] : vector<128x128xf32> to vector<128xf32>
    %broadcast_in_dim3A_940 = vector.shape_cast %reduce_sum3A_939 : vector<128xf32> to vector<128x1xf32>
    %div3A_941 = arith.constant 1.000000e+00 : f32
    %div3A_942 = vector.broadcast %div3A_941 : f32 to vector<128x1xf32>
    %div3A_943 = arith.divf %div3A_942, %broadcast_in_dim3A_940 : vector<128x1xf32>
    %convert_element_type3A_944 = arith.truncf %exp3A_937 : vector<128x128xf32> to vector<128x128xbf16>
    %slice3A_945 = vector.extract_strided_slice %convert_element_type3A_55 {offsets = [384, 128], sizes = [128, 64], strides = [1, 1]} : vector<512x768xbf16> to vector<128x64xbf16>
    %dot_general3A_946 = arith.constant dense<0.000000e+00> : vector<128x64xf32>
    %dot_general3A_947 = tpu.matmul %convert_element_type3A_944, %slice3A_945, %dot_general3A_946 {dimension_numbers = #tpu.dot_dimension_numbers<[1], [0], [0], [1], [0, 0, 1, 1], [], []>, transpose_lhs_hint = false} : vector<128x128xbf16>, vector<128x64xbf16>, vector<128x64xf32> -> vector<128x64xf32>
    %mul3A_948 = vector.broadcast %div3A_943 : vector<128x1xf32> to vector<128x64xf32>
    %mul3A_949 = arith.mulf %dot_general3A_947, %mul3A_948 : vector<128x64xf32>
    %slice3A_950 = vector.extract_strided_slice %convert_element_type3A_39 {offsets = [384, 192], sizes = [128, 64], strides = [1, 1]} : vector<512x768xbf16> to vector<128x64xbf16>
    %slice3A_951 = vector.extract_strided_slice %convert_element_type3A_47 {offsets = [192, 384], sizes = [64, 128], strides = [1, 1]} : vector<768x512xbf16> to vector<64x128xbf16>
    %dot_general3A_952 = arith.constant dense<0.000000e+00> : vector<128x128xf32>
    %dot_general3A_953 = tpu.matmul %slice3A_950, %slice3A_951, %dot_general3A_952 {dimension_numbers = #tpu.dot_dimension_numbers<[1], [0], [0], [1], [0, 0, 1, 1], [], []>, transpose_lhs_hint = false} : vector<128x64xbf16>, vector<64x128xbf16>, vector<128x128xf32> -> vector<128x128xf32>
    %jit3A_954 = arith.constant -6.000000e+01 : f32
    %jit3A_955 = arith.constant 6.000000e+01 : f32
    %max3A_956 = vector.broadcast %jit3A_954 : f32 to vector<128x128xf32>
    %max3A_957 = arith.maximumf %max3A_956, %dot_general3A_953 : vector<128x128xf32>
    %min3A_958 = vector.broadcast %jit3A_955 : f32 to vector<128x128xf32>
    %min3A_959 = arith.minimumf %min3A_958, %max3A_957 : vector<128x128xf32>
    %exp3A_960 = math.exp %min3A_959 : vector<128x128xf32>
    %reduce_sum3A_961 = arith.constant dense<0.000000e+00> : vector<128xf32>
    %reduce_sum3A_962 = vector.multi_reduction <add>, %exp3A_960, %reduce_sum3A_961 [1] : vector<128x128xf32> to vector<128xf32>
    %broadcast_in_dim3A_963 = vector.shape_cast %reduce_sum3A_962 : vector<128xf32> to vector<128x1xf32>
    %div3A_964 = arith.constant 1.000000e+00 : f32
    %div3A_965 = vector.broadcast %div3A_964 : f32 to vector<128x1xf32>
    %div3A_966 = arith.divf %div3A_965, %broadcast_in_dim3A_963 : vector<128x1xf32>
    %convert_element_type3A_967 = arith.truncf %exp3A_960 : vector<128x128xf32> to vector<128x128xbf16>
    %slice3A_968 = vector.extract_strided_slice %convert_element_type3A_55 {offsets = [384, 192], sizes = [128, 64], strides = [1, 1]} : vector<512x768xbf16> to vector<128x64xbf16>
    %dot_general3A_969 = arith.constant dense<0.000000e+00> : vector<128x64xf32>
    %dot_general3A_970 = tpu.matmul %convert_element_type3A_967, %slice3A_968, %dot_general3A_969 {dimension_numbers = #tpu.dot_dimension_numbers<[1], [0], [0], [1], [0, 0, 1, 1], [], []>, transpose_lhs_hint = false} : vector<128x128xbf16>, vector<128x64xbf16>, vector<128x64xf32> -> vector<128x64xf32>
    %mul3A_971 = vector.broadcast %div3A_966 : vector<128x1xf32> to vector<128x64xf32>
    %mul3A_972 = arith.mulf %dot_general3A_970, %mul3A_971 : vector<128x64xf32>
    %slice3A_973 = vector.extract_strided_slice %convert_element_type3A_39 {offsets = [384, 256], sizes = [128, 64], strides = [1, 1]} : vector<512x768xbf16> to vector<128x64xbf16>
    %slice3A_974 = vector.extract_strided_slice %convert_element_type3A_47 {offsets = [256, 384], sizes = [64, 128], strides = [1, 1]} : vector<768x512xbf16> to vector<64x128xbf16>
    %dot_general3A_975 = arith.constant dense<0.000000e+00> : vector<128x128xf32>
    %dot_general3A_976 = tpu.matmul %slice3A_973, %slice3A_974, %dot_general3A_975 {dimension_numbers = #tpu.dot_dimension_numbers<[1], [0], [0], [1], [0, 0, 1, 1], [], []>, transpose_lhs_hint = false} : vector<128x64xbf16>, vector<64x128xbf16>, vector<128x128xf32> -> vector<128x128xf32>
    %jit3A_977 = arith.constant -6.000000e+01 : f32
    %jit3A_978 = arith.constant 6.000000e+01 : f32
    %max3A_979 = vector.broadcast %jit3A_977 : f32 to vector<128x128xf32>
    %max3A_980 = arith.maximumf %max3A_979, %dot_general3A_976 : vector<128x128xf32>
    %min3A_981 = vector.broadcast %jit3A_978 : f32 to vector<128x128xf32>
    %min3A_982 = arith.minimumf %min3A_981, %max3A_980 : vector<128x128xf32>
    %exp3A_983 = math.exp %min3A_982 : vector<128x128xf32>
    %reduce_sum3A_984 = arith.constant dense<0.000000e+00> : vector<128xf32>
    %reduce_sum3A_985 = vector.multi_reduction <add>, %exp3A_983, %reduce_sum3A_984 [1] : vector<128x128xf32> to vector<128xf32>
    %broadcast_in_dim3A_986 = vector.shape_cast %reduce_sum3A_985 : vector<128xf32> to vector<128x1xf32>
    %div3A_987 = arith.constant 1.000000e+00 : f32
    %div3A_988 = vector.broadcast %div3A_987 : f32 to vector<128x1xf32>
    %div3A_989 = arith.divf %div3A_988, %broadcast_in_dim3A_986 : vector<128x1xf32>
    %convert_element_type3A_990 = arith.truncf %exp3A_983 : vector<128x128xf32> to vector<128x128xbf16>
    %slice3A_991 = vector.extract_strided_slice %convert_element_type3A_55 {offsets = [384, 256], sizes = [128, 64], strides = [1, 1]} : vector<512x768xbf16> to vector<128x64xbf16>
    %dot_general3A_992 = arith.constant dense<0.000000e+00> : vector<128x64xf32>
    %dot_general3A_993 = tpu.matmul %convert_element_type3A_990, %slice3A_991, %dot_general3A_992 {dimension_numbers = #tpu.dot_dimension_numbers<[1], [0], [0], [1], [0, 0, 1, 1], [], []>, transpose_lhs_hint = false} : vector<128x128xbf16>, vector<128x64xbf16>, vector<128x64xf32> -> vector<128x64xf32>
    %mul3A_994 = vector.broadcast %div3A_989 : vector<128x1xf32> to vector<128x64xf32>
    %mul3A_995 = arith.mulf %dot_general3A_993, %mul3A_994 : vector<128x64xf32>
    %slice3A_996 = vector.extract_strided_slice %convert_element_type3A_39 {offsets = [384, 320], sizes = [128, 64], strides = [1, 1]} : vector<512x768xbf16> to vector<128x64xbf16>
    %slice3A_997 = vector.extract_strided_slice %convert_element_type3A_47 {offsets = [320, 384], sizes = [64, 128], strides = [1, 1]} : vector<768x512xbf16> to vector<64x128xbf16>
    %dot_general3A_998 = arith.constant dense<0.000000e+00> : vector<128x128xf32>
    %dot_general3A_999 = tpu.matmul %slice3A_996, %slice3A_997, %dot_general3A_998 {dimension_numbers = #tpu.dot_dimension_numbers<[1], [0], [0], [1], [0, 0, 1, 1], [], []>, transpose_lhs_hint = false} : vector<128x64xbf16>, vector<64x128xbf16>, vector<128x128xf32> -> vector<128x128xf32>
    %jit3A_1000 = arith.constant -6.000000e+01 : f32
    %jit3A_1001 = arith.constant 6.000000e+01 : f32
    %max3A_1002 = vector.broadcast %jit3A_1000 : f32 to vector<128x128xf32>
    %max3A_1003 = arith.maximumf %max3A_1002, %dot_general3A_999 : vector<128x128xf32>
    %min3A_1004 = vector.broadcast %jit3A_1001 : f32 to vector<128x128xf32>
    %min3A_1005 = arith.minimumf %min3A_1004, %max3A_1003 : vector<128x128xf32>
    %exp3A_1006 = math.exp %min3A_1005 : vector<128x128xf32>
    %reduce_sum3A_1007 = arith.constant dense<0.000000e+00> : vector<128xf32>
    %reduce_sum3A_1008 = vector.multi_reduction <add>, %exp3A_1006, %reduce_sum3A_1007 [1] : vector<128x128xf32> to vector<128xf32>
    %broadcast_in_dim3A_1009 = vector.shape_cast %reduce_sum3A_1008 : vector<128xf32> to vector<128x1xf32>
    %div3A_1010 = arith.constant 1.000000e+00 : f32
    %div3A_1011 = vector.broadcast %div3A_1010 : f32 to vector<128x1xf32>
    %div3A_1012 = arith.divf %div3A_1011, %broadcast_in_dim3A_1009 : vector<128x1xf32>
    %convert_element_type3A_1013 = arith.truncf %exp3A_1006 : vector<128x128xf32> to vector<128x128xbf16>
    %slice3A_1014 = vector.extract_strided_slice %convert_element_type3A_55 {offsets = [384, 320], sizes = [128, 64], strides = [1, 1]} : vector<512x768xbf16> to vector<128x64xbf16>
    %dot_general3A_1015 = arith.constant dense<0.000000e+00> : vector<128x64xf32>
    %dot_general3A_1016 = tpu.matmul %convert_element_type3A_1013, %slice3A_1014, %dot_general3A_1015 {dimension_numbers = #tpu.dot_dimension_numbers<[1], [0], [0], [1], [0, 0, 1, 1], [], []>, transpose_lhs_hint = false} : vector<128x128xbf16>, vector<128x64xbf16>, vector<128x64xf32> -> vector<128x64xf32>
    %mul3A_1017 = vector.broadcast %div3A_1012 : vector<128x1xf32> to vector<128x64xf32>
    %mul3A_1018 = arith.mulf %dot_general3A_1016, %mul3A_1017 : vector<128x64xf32>
    %slice3A_1019 = vector.extract_strided_slice %convert_element_type3A_39 {offsets = [384, 384], sizes = [128, 64], strides = [1, 1]} : vector<512x768xbf16> to vector<128x64xbf16>
    %slice3A_1020 = vector.extract_strided_slice %convert_element_type3A_47 {offsets = [384, 384], sizes = [64, 128], strides = [1, 1]} : vector<768x512xbf16> to vector<64x128xbf16>
    %dot_general3A_1021 = arith.constant dense<0.000000e+00> : vector<128x128xf32>
    %dot_general3A_1022 = tpu.matmul %slice3A_1019, %slice3A_1020, %dot_general3A_1021 {dimension_numbers = #tpu.dot_dimension_numbers<[1], [0], [0], [1], [0, 0, 1, 1], [], []>, transpose_lhs_hint = false} : vector<128x64xbf16>, vector<64x128xbf16>, vector<128x128xf32> -> vector<128x128xf32>
    %jit3A_1023 = arith.constant -6.000000e+01 : f32
    %jit3A_1024 = arith.constant 6.000000e+01 : f32
    %max3A_1025 = vector.broadcast %jit3A_1023 : f32 to vector<128x128xf32>
    %max3A_1026 = arith.maximumf %max3A_1025, %dot_general3A_1022 : vector<128x128xf32>
    %min3A_1027 = vector.broadcast %jit3A_1024 : f32 to vector<128x128xf32>
    %min3A_1028 = arith.minimumf %min3A_1027, %max3A_1026 : vector<128x128xf32>
    %exp3A_1029 = math.exp %min3A_1028 : vector<128x128xf32>
    %reduce_sum3A_1030 = arith.constant dense<0.000000e+00> : vector<128xf32>
    %reduce_sum3A_1031 = vector.multi_reduction <add>, %exp3A_1029, %reduce_sum3A_1030 [1] : vector<128x128xf32> to vector<128xf32>
    %broadcast_in_dim3A_1032 = vector.shape_cast %reduce_sum3A_1031 : vector<128xf32> to vector<128x1xf32>
    %div3A_1033 = arith.constant 1.000000e+00 : f32
    %div3A_1034 = vector.broadcast %div3A_1033 : f32 to vector<128x1xf32>
    %div3A_1035 = arith.divf %div3A_1034, %broadcast_in_dim3A_1032 : vector<128x1xf32>
    %convert_element_type3A_1036 = arith.truncf %exp3A_1029 : vector<128x128xf32> to vector<128x128xbf16>
    %slice3A_1037 = vector.extract_strided_slice %convert_element_type3A_55 {offsets = [384, 384], sizes = [128, 64], strides = [1, 1]} : vector<512x768xbf16> to vector<128x64xbf16>
    %dot_general3A_1038 = arith.constant dense<0.000000e+00> : vector<128x64xf32>
    %dot_general3A_1039 = tpu.matmul %convert_element_type3A_1036, %slice3A_1037, %dot_general3A_1038 {dimension_numbers = #tpu.dot_dimension_numbers<[1], [0], [0], [1], [0, 0, 1, 1], [], []>, transpose_lhs_hint = false} : vector<128x128xbf16>, vector<128x64xbf16>, vector<128x64xf32> -> vector<128x64xf32>
    %mul3A_1040 = vector.broadcast %div3A_1035 : vector<128x1xf32> to vector<128x64xf32>
    %mul3A_1041 = arith.mulf %dot_general3A_1039, %mul3A_1040 : vector<128x64xf32>
    %slice3A_1042 = vector.extract_strided_slice %convert_element_type3A_39 {offsets = [384, 448], sizes = [128, 64], strides = [1, 1]} : vector<512x768xbf16> to vector<128x64xbf16>
    %slice3A_1043 = vector.extract_strided_slice %convert_element_type3A_47 {offsets = [448, 384], sizes = [64, 128], strides = [1, 1]} : vector<768x512xbf16> to vector<64x128xbf16>
    %dot_general3A_1044 = arith.constant dense<0.000000e+00> : vector<128x128xf32>
    %dot_general3A_1045 = tpu.matmul %slice3A_1042, %slice3A_1043, %dot_general3A_1044 {dimension_numbers = #tpu.dot_dimension_numbers<[1], [0], [0], [1], [0, 0, 1, 1], [], []>, transpose_lhs_hint = false} : vector<128x64xbf16>, vector<64x128xbf16>, vector<128x128xf32> -> vector<128x128xf32>
    %jit3A_1046 = arith.constant -6.000000e+01 : f32
    %jit3A_1047 = arith.constant 6.000000e+01 : f32
    %max3A_1048 = vector.broadcast %jit3A_1046 : f32 to vector<128x128xf32>
    %max3A_1049 = arith.maximumf %max3A_1048, %dot_general3A_1045 : vector<128x128xf32>
    %min3A_1050 = vector.broadcast %jit3A_1047 : f32 to vector<128x128xf32>
    %min3A_1051 = arith.minimumf %min3A_1050, %max3A_1049 : vector<128x128xf32>
    %exp3A_1052 = math.exp %min3A_1051 : vector<128x128xf32>
    %reduce_sum3A_1053 = arith.constant dense<0.000000e+00> : vector<128xf32>
    %reduce_sum3A_1054 = vector.multi_reduction <add>, %exp3A_1052, %reduce_sum3A_1053 [1] : vector<128x128xf32> to vector<128xf32>
    %broadcast_in_dim3A_1055 = vector.shape_cast %reduce_sum3A_1054 : vector<128xf32> to vector<128x1xf32>
    %div3A_1056 = arith.constant 1.000000e+00 : f32
    %div3A_1057 = vector.broadcast %div3A_1056 : f32 to vector<128x1xf32>
    %div3A_1058 = arith.divf %div3A_1057, %broadcast_in_dim3A_1055 : vector<128x1xf32>
    %convert_element_type3A_1059 = arith.truncf %exp3A_1052 : vector<128x128xf32> to vector<128x128xbf16>
    %slice3A_1060 = vector.extract_strided_slice %convert_element_type3A_55 {offsets = [384, 448], sizes = [128, 64], strides = [1, 1]} : vector<512x768xbf16> to vector<128x64xbf16>
    %dot_general3A_1061 = arith.constant dense<0.000000e+00> : vector<128x64xf32>
    %dot_general3A_1062 = tpu.matmul %convert_element_type3A_1059, %slice3A_1060, %dot_general3A_1061 {dimension_numbers = #tpu.dot_dimension_numbers<[1], [0], [0], [1], [0, 0, 1, 1], [], []>, transpose_lhs_hint = false} : vector<128x128xbf16>, vector<128x64xbf16>, vector<128x64xf32> -> vector<128x64xf32>
    %mul3A_1063 = vector.broadcast %div3A_1058 : vector<128x1xf32> to vector<128x64xf32>
    %mul3A_1064 = arith.mulf %dot_general3A_1062, %mul3A_1063 : vector<128x64xf32>
    %slice3A_1065 = vector.extract_strided_slice %convert_element_type3A_39 {offsets = [384, 512], sizes = [128, 64], strides = [1, 1]} : vector<512x768xbf16> to vector<128x64xbf16>
    %slice3A_1066 = vector.extract_strided_slice %convert_element_type3A_47 {offsets = [512, 384], sizes = [64, 128], strides = [1, 1]} : vector<768x512xbf16> to vector<64x128xbf16>
    %dot_general3A_1067 = arith.constant dense<0.000000e+00> : vector<128x128xf32>
    %dot_general3A_1068 = tpu.matmul %slice3A_1065, %slice3A_1066, %dot_general3A_1067 {dimension_numbers = #tpu.dot_dimension_numbers<[1], [0], [0], [1], [0, 0, 1, 1], [], []>, transpose_lhs_hint = false} : vector<128x64xbf16>, vector<64x128xbf16>, vector<128x128xf32> -> vector<128x128xf32>
    %jit3A_1069 = arith.constant -6.000000e+01 : f32
    %jit3A_1070 = arith.constant 6.000000e+01 : f32
    %max3A_1071 = vector.broadcast %jit3A_1069 : f32 to vector<128x128xf32>
    %max3A_1072 = arith.maximumf %max3A_1071, %dot_general3A_1068 : vector<128x128xf32>
    %min3A_1073 = vector.broadcast %jit3A_1070 : f32 to vector<128x128xf32>
    %min3A_1074 = arith.minimumf %min3A_1073, %max3A_1072 : vector<128x128xf32>
    %exp3A_1075 = math.exp %min3A_1074 : vector<128x128xf32>
    %reduce_sum3A_1076 = arith.constant dense<0.000000e+00> : vector<128xf32>
    %reduce_sum3A_1077 = vector.multi_reduction <add>, %exp3A_1075, %reduce_sum3A_1076 [1] : vector<128x128xf32> to vector<128xf32>
    %broadcast_in_dim3A_1078 = vector.shape_cast %reduce_sum3A_1077 : vector<128xf32> to vector<128x1xf32>
    %div3A_1079 = arith.constant 1.000000e+00 : f32
    %div3A_1080 = vector.broadcast %div3A_1079 : f32 to vector<128x1xf32>
    %div3A_1081 = arith.divf %div3A_1080, %broadcast_in_dim3A_1078 : vector<128x1xf32>
    %convert_element_type3A_1082 = arith.truncf %exp3A_1075 : vector<128x128xf32> to vector<128x128xbf16>
    %slice3A_1083 = vector.extract_strided_slice %convert_element_type3A_55 {offsets = [384, 512], sizes = [128, 64], strides = [1, 1]} : vector<512x768xbf16> to vector<128x64xbf16>
    %dot_general3A_1084 = arith.constant dense<0.000000e+00> : vector<128x64xf32>
    %dot_general3A_1085 = tpu.matmul %convert_element_type3A_1082, %slice3A_1083, %dot_general3A_1084 {dimension_numbers = #tpu.dot_dimension_numbers<[1], [0], [0], [1], [0, 0, 1, 1], [], []>, transpose_lhs_hint = false} : vector<128x128xbf16>, vector<128x64xbf16>, vector<128x64xf32> -> vector<128x64xf32>
    %mul3A_1086 = vector.broadcast %div3A_1081 : vector<128x1xf32> to vector<128x64xf32>
    %mul3A_1087 = arith.mulf %dot_general3A_1085, %mul3A_1086 : vector<128x64xf32>
    %slice3A_1088 = vector.extract_strided_slice %convert_element_type3A_39 {offsets = [384, 576], sizes = [128, 64], strides = [1, 1]} : vector<512x768xbf16> to vector<128x64xbf16>
    %slice3A_1089 = vector.extract_strided_slice %convert_element_type3A_47 {offsets = [576, 384], sizes = [64, 128], strides = [1, 1]} : vector<768x512xbf16> to vector<64x128xbf16>
    %dot_general3A_1090 = arith.constant dense<0.000000e+00> : vector<128x128xf32>
    %dot_general3A_1091 = tpu.matmul %slice3A_1088, %slice3A_1089, %dot_general3A_1090 {dimension_numbers = #tpu.dot_dimension_numbers<[1], [0], [0], [1], [0, 0, 1, 1], [], []>, transpose_lhs_hint = false} : vector<128x64xbf16>, vector<64x128xbf16>, vector<128x128xf32> -> vector<128x128xf32>
    %jit3A_1092 = arith.constant -6.000000e+01 : f32
    %jit3A_1093 = arith.constant 6.000000e+01 : f32
    %max3A_1094 = vector.broadcast %jit3A_1092 : f32 to vector<128x128xf32>
    %max3A_1095 = arith.maximumf %max3A_1094, %dot_general3A_1091 : vector<128x128xf32>
    %min3A_1096 = vector.broadcast %jit3A_1093 : f32 to vector<128x128xf32>
    %min3A_1097 = arith.minimumf %min3A_1096, %max3A_1095 : vector<128x128xf32>
    %exp3A_1098 = math.exp %min3A_1097 : vector<128x128xf32>
    %reduce_sum3A_1099 = arith.constant dense<0.000000e+00> : vector<128xf32>
    %reduce_sum3A_1100 = vector.multi_reduction <add>, %exp3A_1098, %reduce_sum3A_1099 [1] : vector<128x128xf32> to vector<128xf32>
    %broadcast_in_dim3A_1101 = vector.shape_cast %reduce_sum3A_1100 : vector<128xf32> to vector<128x1xf32>
    %div3A_1102 = arith.constant 1.000000e+00 : f32
    %div3A_1103 = vector.broadcast %div3A_1102 : f32 to vector<128x1xf32>
    %div3A_1104 = arith.divf %div3A_1103, %broadcast_in_dim3A_1101 : vector<128x1xf32>
    %convert_element_type3A_1105 = arith.truncf %exp3A_1098 : vector<128x128xf32> to vector<128x128xbf16>
    %slice3A_1106 = vector.extract_strided_slice %convert_element_type3A_55 {offsets = [384, 576], sizes = [128, 64], strides = [1, 1]} : vector<512x768xbf16> to vector<128x64xbf16>
    %dot_general3A_1107 = arith.constant dense<0.000000e+00> : vector<128x64xf32>
    %dot_general3A_1108 = tpu.matmul %convert_element_type3A_1105, %slice3A_1106, %dot_general3A_1107 {dimension_numbers = #tpu.dot_dimension_numbers<[1], [0], [0], [1], [0, 0, 1, 1], [], []>, transpose_lhs_hint = false} : vector<128x128xbf16>, vector<128x64xbf16>, vector<128x64xf32> -> vector<128x64xf32>
    %mul3A_1109 = vector.broadcast %div3A_1104 : vector<128x1xf32> to vector<128x64xf32>
    %mul3A_1110 = arith.mulf %dot_general3A_1108, %mul3A_1109 : vector<128x64xf32>
    %slice3A_1111 = vector.extract_strided_slice %convert_element_type3A_39 {offsets = [384, 640], sizes = [128, 64], strides = [1, 1]} : vector<512x768xbf16> to vector<128x64xbf16>
    %slice3A_1112 = vector.extract_strided_slice %convert_element_type3A_47 {offsets = [640, 384], sizes = [64, 128], strides = [1, 1]} : vector<768x512xbf16> to vector<64x128xbf16>
    %dot_general3A_1113 = arith.constant dense<0.000000e+00> : vector<128x128xf32>
    %dot_general3A_1114 = tpu.matmul %slice3A_1111, %slice3A_1112, %dot_general3A_1113 {dimension_numbers = #tpu.dot_dimension_numbers<[1], [0], [0], [1], [0, 0, 1, 1], [], []>, transpose_lhs_hint = false} : vector<128x64xbf16>, vector<64x128xbf16>, vector<128x128xf32> -> vector<128x128xf32>
    %jit3A_1115 = arith.constant -6.000000e+01 : f32
    %jit3A_1116 = arith.constant 6.000000e+01 : f32
    %max3A_1117 = vector.broadcast %jit3A_1115 : f32 to vector<128x128xf32>
    %max3A_1118 = arith.maximumf %max3A_1117, %dot_general3A_1114 : vector<128x128xf32>
    %min3A_1119 = vector.broadcast %jit3A_1116 : f32 to vector<128x128xf32>
    %min3A_1120 = arith.minimumf %min3A_1119, %max3A_1118 : vector<128x128xf32>
    %exp3A_1121 = math.exp %min3A_1120 : vector<128x128xf32>
    %reduce_sum3A_1122 = arith.constant dense<0.000000e+00> : vector<128xf32>
    %reduce_sum3A_1123 = vector.multi_reduction <add>, %exp3A_1121, %reduce_sum3A_1122 [1] : vector<128x128xf32> to vector<128xf32>
    %broadcast_in_dim3A_1124 = vector.shape_cast %reduce_sum3A_1123 : vector<128xf32> to vector<128x1xf32>
    %div3A_1125 = arith.constant 1.000000e+00 : f32
    %div3A_1126 = vector.broadcast %div3A_1125 : f32 to vector<128x1xf32>
    %div3A_1127 = arith.divf %div3A_1126, %broadcast_in_dim3A_1124 : vector<128x1xf32>
    %convert_element_type3A_1128 = arith.truncf %exp3A_1121 : vector<128x128xf32> to vector<128x128xbf16>
    %slice3A_1129 = vector.extract_strided_slice %convert_element_type3A_55 {offsets = [384, 640], sizes = [128, 64], strides = [1, 1]} : vector<512x768xbf16> to vector<128x64xbf16>
    %dot_general3A_1130 = arith.constant dense<0.000000e+00> : vector<128x64xf32>
    %dot_general3A_1131 = tpu.matmul %convert_element_type3A_1128, %slice3A_1129, %dot_general3A_1130 {dimension_numbers = #tpu.dot_dimension_numbers<[1], [0], [0], [1], [0, 0, 1, 1], [], []>, transpose_lhs_hint = false} : vector<128x128xbf16>, vector<128x64xbf16>, vector<128x64xf32> -> vector<128x64xf32>
    %mul3A_1132 = vector.broadcast %div3A_1127 : vector<128x1xf32> to vector<128x64xf32>
    %mul3A_1133 = arith.mulf %dot_general3A_1131, %mul3A_1132 : vector<128x64xf32>
    %slice3A_1134 = vector.extract_strided_slice %convert_element_type3A_39 {offsets = [384, 704], sizes = [128, 64], strides = [1, 1]} : vector<512x768xbf16> to vector<128x64xbf16>
    %slice3A_1135 = vector.extract_strided_slice %convert_element_type3A_47 {offsets = [704, 384], sizes = [64, 128], strides = [1, 1]} : vector<768x512xbf16> to vector<64x128xbf16>
    %dot_general3A_1136 = arith.constant dense<0.000000e+00> : vector<128x128xf32>
    %dot_general3A_1137 = tpu.matmul %slice3A_1134, %slice3A_1135, %dot_general3A_1136 {dimension_numbers = #tpu.dot_dimension_numbers<[1], [0], [0], [1], [0, 0, 1, 1], [], []>, transpose_lhs_hint = false} : vector<128x64xbf16>, vector<64x128xbf16>, vector<128x128xf32> -> vector<128x128xf32>
    %jit3A_1138 = arith.constant -6.000000e+01 : f32
    %jit3A_1139 = arith.constant 6.000000e+01 : f32
    %max3A_1140 = vector.broadcast %jit3A_1138 : f32 to vector<128x128xf32>
    %max3A_1141 = arith.maximumf %max3A_1140, %dot_general3A_1137 : vector<128x128xf32>
    %min3A_1142 = vector.broadcast %jit3A_1139 : f32 to vector<128x128xf32>
    %min3A_1143 = arith.minimumf %min3A_1142, %max3A_1141 : vector<128x128xf32>
    %exp3A_1144 = math.exp %min3A_1143 : vector<128x128xf32>
    %reduce_sum3A_1145 = arith.constant dense<0.000000e+00> : vector<128xf32>
    %reduce_sum3A_1146 = vector.multi_reduction <add>, %exp3A_1144, %reduce_sum3A_1145 [1] : vector<128x128xf32> to vector<128xf32>
    %broadcast_in_dim3A_1147 = vector.shape_cast %reduce_sum3A_1146 : vector<128xf32> to vector<128x1xf32>
    %div3A_1148 = arith.constant 1.000000e+00 : f32
    %div3A_1149 = vector.broadcast %div3A_1148 : f32 to vector<128x1xf32>
    %div3A_1150 = arith.divf %div3A_1149, %broadcast_in_dim3A_1147 : vector<128x1xf32>
    %convert_element_type3A_1151 = arith.truncf %exp3A_1144 : vector<128x128xf32> to vector<128x128xbf16>
    %slice3A_1152 = vector.extract_strided_slice %convert_element_type3A_55 {offsets = [384, 704], sizes = [128, 64], strides = [1, 1]} : vector<512x768xbf16> to vector<128x64xbf16>
    %dot_general3A_1153 = arith.constant dense<0.000000e+00> : vector<128x64xf32>
    %dot_general3A_1154 = tpu.matmul %convert_element_type3A_1151, %slice3A_1152, %dot_general3A_1153 {dimension_numbers = #tpu.dot_dimension_numbers<[1], [0], [0], [1], [0, 0, 1, 1], [], []>, transpose_lhs_hint = false} : vector<128x128xbf16>, vector<128x64xbf16>, vector<128x64xf32> -> vector<128x64xf32>
    %mul3A_1155 = vector.broadcast %div3A_1150 : vector<128x1xf32> to vector<128x64xf32>
    %mul3A_1156 = arith.mulf %dot_general3A_1154, %mul3A_1155 : vector<128x64xf32>
    %concatenate3A_1157 = tpu.concatenate %mul3A_903, %mul3A_926, %mul3A_949, %mul3A_972, %mul3A_995, %mul3A_1018, %mul3A_1041, %mul3A_1064, %mul3A_1087, %mul3A_1110, %mul3A_1133, %mul3A_1156 in 1 : vector<128x64xf32>, vector<128x64xf32>, vector<128x64xf32>, vector<128x64xf32>, vector<128x64xf32>, vector<128x64xf32>, vector<128x64xf32>, vector<128x64xf32>, vector<128x64xf32>, vector<128x64xf32>, vector<128x64xf32>, vector<128x64xf32> -> vector<128x768xf32>
    %concatenate3A_1158 = tpu.concatenate %concatenate3A, %concatenate3A_603, %concatenate3A_880, %concatenate3A_1157 in 0 : vector<128x768xf32>, vector<128x768xf32>, vector<128x768xf32>, vector<128x768xf32> -> vector<512x768xf32>
    %get3A_1159 = arith.constant 0 : index
    %get3A_1160 = arith.constant 0 : index
    %get3A_1161 = arith.constant 0 : index
    %get3A_1162 = vector.load %arg5[%get3A_1159, %get3A_1160, %get3A_1161] : memref<2x768x768xbf16, #tpu.memory_space<vmem>>, vector<1x768x768xbf16>
    %get3A_1163 = vector.shape_cast %get3A_1162 : vector<1x768x768xbf16> to vector<768x768xbf16>
    %convert_element_type3A_1164 = arith.truncf %concatenate3A_1158 : vector<512x768xf32> to vector<512x768xbf16>
    %dot_general3A_1165 = arith.constant dense<0.000000e+00> : vector<512x768xf32>
    %dot_general3A_1166 = tpu.matmul %convert_element_type3A_1164, %get3A_1163, %dot_general3A_1165 {dimension_numbers = #tpu.dot_dimension_numbers<[1], [0], [0], [1], [0, 0, 1, 1], [], []>, transpose_lhs_hint = false} : vector<512x768xbf16>, vector<768x768xbf16>, vector<512x768xf32> -> vector<512x768xf32>
    %add3A_1167 = arith.addf %get3A_1, %dot_general3A_1166 : vector<512x768xf32>
    %reduce_sum3A_1168 = arith.constant dense<0.000000e+00> : vector<512xf32>
    %reduce_sum3A_1169 = vector.multi_reduction <add>, %add3A_1167, %reduce_sum3A_1168 [1] : vector<512x768xf32> to vector<512xf32>
    %broadcast_in_dim3A_1170 = vector.shape_cast %reduce_sum3A_1169 : vector<512xf32> to vector<512x1xf32>
    %div3A_1171 = arith.constant 7.680000e+02 : f32
    %div3A_1172 = vector.broadcast %div3A_1171 : f32 to vector<512x1xf32>
    %div3A_1173 = arith.divf %broadcast_in_dim3A_1170, %div3A_1172 : vector<512x1xf32>
    %sub3A_1174 = vector.broadcast %div3A_1173 : vector<512x1xf32> to vector<512x768xf32>
    %sub3A_1175 = arith.subf %add3A_1167, %sub3A_1174 : vector<512x768xf32>
    %mul3A_1176 = arith.mulf %sub3A_1175, %sub3A_1175 : vector<512x768xf32>
    %reduce_sum3A_1177 = arith.constant dense<0.000000e+00> : vector<512xf32>
    %reduce_sum3A_1178 = vector.multi_reduction <add>, %mul3A_1176, %reduce_sum3A_1177 [1] : vector<512x768xf32> to vector<512xf32>
    %broadcast_in_dim3A_1179 = vector.shape_cast %reduce_sum3A_1178 : vector<512xf32> to vector<512x1xf32>
    %div3A_1180 = arith.constant 7.680000e+02 : f32
    %div3A_1181 = vector.broadcast %div3A_1180 : f32 to vector<512x1xf32>
    %div3A_1182 = arith.divf %broadcast_in_dim3A_1179, %div3A_1181 : vector<512x1xf32>
    %add3A_1183 = arith.constant 9.99999974E-6 : f32
    %add3A_1184 = vector.broadcast %add3A_1183 : f32 to vector<512x1xf32>
    %add3A_1185 = arith.addf %div3A_1182, %add3A_1184 : vector<512x1xf32>
    %rsqrt3A_1186 = math.rsqrt %add3A_1185 : vector<512x1xf32>
    %mul3A_1187 = vector.broadcast %rsqrt3A_1186 : vector<512x1xf32> to vector<512x768xf32>
    %mul3A_1188 = arith.mulf %sub3A_1175, %mul3A_1187 : vector<512x768xf32>
    %get3A_1189 = arith.constant 0 : index
    %get3A_1190 = arith.constant 0 : index
    %get3A_1191 = arith.constant 0 : index
    %get3A_1192 = vector.load %arg10[%get3A_1189, %get3A_1190, %get3A_1191] : memref<2x1x768xf32, #tpu.memory_space<vmem>>, vector<1x1x768xf32>
    %get3A_1193 = vector.shape_cast %get3A_1192 : vector<1x1x768xf32> to vector<1x768xf32>
    %mul3A_1194 = vector.broadcast %get3A_1193 : vector<1x768xf32> to vector<512x768xf32>
    %mul3A_1195 = arith.mulf %mul3A_1188, %mul3A_1194 : vector<512x768xf32>
    %get3A_1196 = arith.constant 0 : index
    %get3A_1197 = arith.constant 0 : index
    %get3A_1198 = arith.constant 0 : index
    %get3A_1199 = vector.load %arg11[%get3A_1196, %get3A_1197, %get3A_1198] : memref<2x1x768xf32, #tpu.memory_space<vmem>>, vector<1x1x768xf32>
    %get3A_1200 = vector.shape_cast %get3A_1199 : vector<1x1x768xf32> to vector<1x768xf32>
    %add3A_1201 = vector.broadcast %get3A_1200 : vector<1x768xf32> to vector<512x768xf32>
    %add3A_1202 = arith.addf %mul3A_1195, %add3A_1201 : vector<512x768xf32>
    %get3A_1203 = arith.constant 0 : index
    %get3A_1204 = arith.constant 0 : index
    %get3A_1205 = arith.constant 0 : index
    %get3A_1206 = vector.load %arg6[%get3A_1203, %get3A_1204, %get3A_1205] : memref<2x768x3072xbf16, #tpu.memory_space<vmem>>, vector<1x768x3072xbf16>
    %get3A_1207 = vector.shape_cast %get3A_1206 : vector<1x768x3072xbf16> to vector<768x3072xbf16>
    %convert_element_type3A_1208 = arith.truncf %add3A_1202 : vector<512x768xf32> to vector<512x768xbf16>
    %dot_general3A_1209 = arith.constant dense<0.000000e+00> : vector<512x3072xf32>
    %dot_general3A_1210 = tpu.matmul %convert_element_type3A_1208, %get3A_1207, %dot_general3A_1209 {dimension_numbers = #tpu.dot_dimension_numbers<[1], [0], [0], [1], [0, 0, 1, 1], [], []>, transpose_lhs_hint = false} : vector<512x768xbf16>, vector<768x3072xbf16>, vector<512x3072xf32> -> vector<512x3072xf32>
    %max3A_1211 = arith.constant 0.000000e+00 : f32
    %max3A_1212 = vector.broadcast %max3A_1211 : f32 to vector<512x3072xf32>
    %max3A_1213 = arith.maximumf %dot_general3A_1210, %max3A_1212 : vector<512x3072xf32>
    %get3A_1214 = arith.constant 0 : index
    %get3A_1215 = arith.constant 0 : index
    %get3A_1216 = arith.constant 0 : index
    %get3A_1217 = vector.load %arg7[%get3A_1214, %get3A_1215, %get3A_1216] : memref<2x3072x768xbf16, #tpu.memory_space<vmem>>, vector<1x3072x768xbf16>
    %get3A_1218 = vector.shape_cast %get3A_1217 : vector<1x3072x768xbf16> to vector<3072x768xbf16>
    %convert_element_type3A_1219 = arith.truncf %max3A_1213 : vector<512x3072xf32> to vector<512x3072xbf16>
    %dot_general3A_1220 = arith.constant dense<0.000000e+00> : vector<512x768xf32>
    %dot_general3A_1221 = tpu.matmul %convert_element_type3A_1219, %get3A_1218, %dot_general3A_1220 {dimension_numbers = #tpu.dot_dimension_numbers<[1], [0], [0], [1], [0, 0, 1, 1], [], []>, transpose_lhs_hint = false} : vector<512x3072xbf16>, vector<3072x768xbf16>, vector<512x768xf32> -> vector<512x768xf32>
    %add3A_1222 = arith.addf %add3A_1167, %dot_general3A_1221 : vector<512x768xf32>
    %reduce_sum3A_1223 = arith.constant dense<0.000000e+00> : vector<512xf32>
    %reduce_sum3A_1224 = vector.multi_reduction <add>, %add3A_1222, %reduce_sum3A_1223 [1] : vector<512x768xf32> to vector<512xf32>
    %broadcast_in_dim3A_1225 = vector.shape_cast %reduce_sum3A_1224 : vector<512xf32> to vector<512x1xf32>
    %div3A_1226 = arith.constant 7.680000e+02 : f32
    %div3A_1227 = vector.broadcast %div3A_1226 : f32 to vector<512x1xf32>
    %div3A_1228 = arith.divf %broadcast_in_dim3A_1225, %div3A_1227 : vector<512x1xf32>
    %sub3A_1229 = vector.broadcast %div3A_1228 : vector<512x1xf32> to vector<512x768xf32>
    %sub3A_1230 = arith.subf %add3A_1222, %sub3A_1229 : vector<512x768xf32>
    %mul3A_1231 = arith.mulf %sub3A_1230, %sub3A_1230 : vector<512x768xf32>
    %reduce_sum3A_1232 = arith.constant dense<0.000000e+00> : vector<512xf32>
    %reduce_sum3A_1233 = vector.multi_reduction <add>, %mul3A_1231, %reduce_sum3A_1232 [1] : vector<512x768xf32> to vector<512xf32>
    %broadcast_in_dim3A_1234 = vector.shape_cast %reduce_sum3A_1233 : vector<512xf32> to vector<512x1xf32>
    %div3A_1235 = arith.constant 7.680000e+02 : f32
    %div3A_1236 = vector.broadcast %div3A_1235 : f32 to vector<512x1xf32>
    %div3A_1237 = arith.divf %broadcast_in_dim3A_1234, %div3A_1236 : vector<512x1xf32>
    %add3A_1238 = arith.constant 9.99999974E-6 : f32
    %add3A_1239 = vector.broadcast %add3A_1238 : f32 to vector<512x1xf32>
    %add3A_1240 = arith.addf %div3A_1237, %add3A_1239 : vector<512x1xf32>
    %rsqrt3A_1241 = math.rsqrt %add3A_1240 : vector<512x1xf32>
    %mul3A_1242 = vector.broadcast %rsqrt3A_1241 : vector<512x1xf32> to vector<512x768xf32>
    %mul3A_1243 = arith.mulf %sub3A_1230, %mul3A_1242 : vector<512x768xf32>
    %get3A_1244 = arith.constant 1 : index
    %get3A_1245 = arith.constant 0 : index
    %get3A_1246 = arith.constant 0 : index
    %get3A_1247 = vector.load %arg8[%get3A_1244, %get3A_1245, %get3A_1246] : memref<2x1x768xf32, #tpu.memory_space<vmem>>, vector<1x1x768xf32>
    %get3A_1248 = vector.shape_cast %get3A_1247 : vector<1x1x768xf32> to vector<1x768xf32>
    %mul3A_1249 = vector.broadcast %get3A_1248 : vector<1x768xf32> to vector<512x768xf32>
    %mul3A_1250 = arith.mulf %mul3A_1243, %mul3A_1249 : vector<512x768xf32>
    %get3A_1251 = arith.constant 1 : index
    %get3A_1252 = arith.constant 0 : index
    %get3A_1253 = arith.constant 0 : index
    %get3A_1254 = vector.load %arg9[%get3A_1251, %get3A_1252, %get3A_1253] : memref<2x1x768xf32, #tpu.memory_space<vmem>>, vector<1x1x768xf32>
    %get3A_1255 = vector.shape_cast %get3A_1254 : vector<1x1x768xf32> to vector<1x768xf32>
    %add3A_1256 = vector.broadcast %get3A_1255 : vector<1x768xf32> to vector<512x768xf32>
    %add3A_1257 = arith.addf %mul3A_1250, %add3A_1256 : vector<512x768xf32>
    %convert_element_type3A_1258 = arith.truncf %add3A_1257 : vector<512x768xf32> to vector<512x768xbf16>
    %get3A_1259 = arith.constant 1 : index
    %get3A_1260 = arith.constant 0 : index
    %get3A_1261 = arith.constant 0 : index
    %get3A_1262 = vector.load %arg2[%get3A_1259, %get3A_1260, %get3A_1261] : memref<2x768x768xbf16, #tpu.memory_space<vmem>>, vector<1x768x768xbf16>
    %get3A_1263 = vector.shape_cast %get3A_1262 : vector<1x768x768xbf16> to vector<768x768xbf16>
    %dot_general3A_1264 = arith.constant dense<0.000000e+00> : vector<512x768xf32>
    %dot_general3A_1265 = tpu.matmul %convert_element_type3A_1258, %get3A_1263, %dot_general3A_1264 {dimension_numbers = #tpu.dot_dimension_numbers<[1], [0], [0], [1], [0, 0, 1, 1], [], []>, transpose_lhs_hint = false} : vector<512x768xbf16>, vector<768x768xbf16>, vector<512x768xf32> -> vector<512x768xf32>
    %mul3A_1266 = arith.constant 1.250000e-01 : f32
    %mul3A_1267 = vector.broadcast %mul3A_1266 : f32 to vector<512x768xf32>
    %mul3A_1268 = arith.mulf %dot_general3A_1265, %mul3A_1267 : vector<512x768xf32>
    %convert_element_type3A_1269 = arith.truncf %mul3A_1268 : vector<512x768xf32> to vector<512x768xbf16>
    %get3A_1270 = arith.constant 1 : index
    %get3A_1271 = arith.constant 0 : index
    %get3A_1272 = arith.constant 0 : index
    %get3A_1273 = vector.load %arg3[%get3A_1270, %get3A_1271, %get3A_1272] : memref<2x768x768xbf16, #tpu.memory_space<vmem>>, vector<1x768x768xbf16>
    %get3A_1274 = vector.shape_cast %get3A_1273 : vector<1x768x768xbf16> to vector<768x768xbf16>
    %dot_general3A_1275 = arith.constant dense<0.000000e+00> : vector<768x512xf32>
    %dot_general3A_1276 = tpu.matmul %get3A_1274, %convert_element_type3A_1258, %dot_general3A_1275 {dimension_numbers = #tpu.dot_dimension_numbers<[0], [1], [1], [0], [0, 1, 1, 0], [], []>, transpose_lhs_hint = false} : vector<768x768xbf16>, vector<512x768xbf16>, vector<768x512xf32> -> vector<768x512xf32>
    %convert_element_type3A_1277 = arith.truncf %dot_general3A_1276 : vector<768x512xf32> to vector<768x512xbf16>
    %get3A_1278 = arith.constant 1 : index
    %get3A_1279 = arith.constant 0 : index
    %get3A_1280 = arith.constant 0 : index
    %get3A_1281 = vector.load %arg4[%get3A_1278, %get3A_1279, %get3A_1280] : memref<2x768x768xbf16, #tpu.memory_space<vmem>>, vector<1x768x768xbf16>
    %get3A_1282 = vector.shape_cast %get3A_1281 : vector<1x768x768xbf16> to vector<768x768xbf16>
    %dot_general3A_1283 = arith.constant dense<0.000000e+00> : vector<512x768xf32>
    %dot_general3A_1284 = tpu.matmul %convert_element_type3A_1258, %get3A_1282, %dot_general3A_1283 {dimension_numbers = #tpu.dot_dimension_numbers<[1], [0], [0], [1], [0, 0, 1, 1], [], []>, transpose_lhs_hint = false} : vector<512x768xbf16>, vector<768x768xbf16>, vector<512x768xf32> -> vector<512x768xf32>
    %convert_element_type3A_1285 = arith.truncf %dot_general3A_1284 : vector<512x768xf32> to vector<512x768xbf16>
    %slice3A_1286 = vector.extract_strided_slice %convert_element_type3A_1269 {offsets = [0, 0], sizes = [128, 64], strides = [1, 1]} : vector<512x768xbf16> to vector<128x64xbf16>
    %slice3A_1287 = vector.extract_strided_slice %convert_element_type3A_1277 {offsets = [0, 0], sizes = [64, 128], strides = [1, 1]} : vector<768x512xbf16> to vector<64x128xbf16>
    %dot_general3A_1288 = arith.constant dense<0.000000e+00> : vector<128x128xf32>
    %dot_general3A_1289 = tpu.matmul %slice3A_1286, %slice3A_1287, %dot_general3A_1288 {dimension_numbers = #tpu.dot_dimension_numbers<[1], [0], [0], [1], [0, 0, 1, 1], [], []>, transpose_lhs_hint = false} : vector<128x64xbf16>, vector<64x128xbf16>, vector<128x128xf32> -> vector<128x128xf32>
    %jit3A_1290 = arith.constant -6.000000e+01 : f32
    %jit3A_1291 = arith.constant 6.000000e+01 : f32
    %max3A_1292 = vector.broadcast %jit3A_1290 : f32 to vector<128x128xf32>
    %max3A_1293 = arith.maximumf %max3A_1292, %dot_general3A_1289 : vector<128x128xf32>
    %min3A_1294 = vector.broadcast %jit3A_1291 : f32 to vector<128x128xf32>
    %min3A_1295 = arith.minimumf %min3A_1294, %max3A_1293 : vector<128x128xf32>
    %exp3A_1296 = math.exp %min3A_1295 : vector<128x128xf32>
    %reduce_sum3A_1297 = arith.constant dense<0.000000e+00> : vector<128xf32>
    %reduce_sum3A_1298 = vector.multi_reduction <add>, %exp3A_1296, %reduce_sum3A_1297 [1] : vector<128x128xf32> to vector<128xf32>
    %broadcast_in_dim3A_1299 = vector.shape_cast %reduce_sum3A_1298 : vector<128xf32> to vector<128x1xf32>
    %div3A_1300 = arith.constant 1.000000e+00 : f32
    %div3A_1301 = vector.broadcast %div3A_1300 : f32 to vector<128x1xf32>
    %div3A_1302 = arith.divf %div3A_1301, %broadcast_in_dim3A_1299 : vector<128x1xf32>
    %convert_element_type3A_1303 = arith.truncf %exp3A_1296 : vector<128x128xf32> to vector<128x128xbf16>
    %slice3A_1304 = vector.extract_strided_slice %convert_element_type3A_1285 {offsets = [0, 0], sizes = [128, 64], strides = [1, 1]} : vector<512x768xbf16> to vector<128x64xbf16>
    %dot_general3A_1305 = arith.constant dense<0.000000e+00> : vector<128x64xf32>
    %dot_general3A_1306 = tpu.matmul %convert_element_type3A_1303, %slice3A_1304, %dot_general3A_1305 {dimension_numbers = #tpu.dot_dimension_numbers<[1], [0], [0], [1], [0, 0, 1, 1], [], []>, transpose_lhs_hint = false} : vector<128x128xbf16>, vector<128x64xbf16>, vector<128x64xf32> -> vector<128x64xf32>
    %mul3A_1307 = vector.broadcast %div3A_1302 : vector<128x1xf32> to vector<128x64xf32>
    %mul3A_1308 = arith.mulf %dot_general3A_1306, %mul3A_1307 : vector<128x64xf32>
    %slice3A_1309 = vector.extract_strided_slice %convert_element_type3A_1269 {offsets = [0, 64], sizes = [128, 64], strides = [1, 1]} : vector<512x768xbf16> to vector<128x64xbf16>
    %slice3A_1310 = vector.extract_strided_slice %convert_element_type3A_1277 {offsets = [64, 0], sizes = [64, 128], strides = [1, 1]} : vector<768x512xbf16> to vector<64x128xbf16>
    %dot_general3A_1311 = arith.constant dense<0.000000e+00> : vector<128x128xf32>
    %dot_general3A_1312 = tpu.matmul %slice3A_1309, %slice3A_1310, %dot_general3A_1311 {dimension_numbers = #tpu.dot_dimension_numbers<[1], [0], [0], [1], [0, 0, 1, 1], [], []>, transpose_lhs_hint = false} : vector<128x64xbf16>, vector<64x128xbf16>, vector<128x128xf32> -> vector<128x128xf32>
    %jit3A_1313 = arith.constant -6.000000e+01 : f32
    %jit3A_1314 = arith.constant 6.000000e+01 : f32
    %max3A_1315 = vector.broadcast %jit3A_1313 : f32 to vector<128x128xf32>
    %max3A_1316 = arith.maximumf %max3A_1315, %dot_general3A_1312 : vector<128x128xf32>
    %min3A_1317 = vector.broadcast %jit3A_1314 : f32 to vector<128x128xf32>
    %min3A_1318 = arith.minimumf %min3A_1317, %max3A_1316 : vector<128x128xf32>
    %exp3A_1319 = math.exp %min3A_1318 : vector<128x128xf32>
    %reduce_sum3A_1320 = arith.constant dense<0.000000e+00> : vector<128xf32>
    %reduce_sum3A_1321 = vector.multi_reduction <add>, %exp3A_1319, %reduce_sum3A_1320 [1] : vector<128x128xf32> to vector<128xf32>
    %broadcast_in_dim3A_1322 = vector.shape_cast %reduce_sum3A_1321 : vector<128xf32> to vector<128x1xf32>
    %div3A_1323 = arith.constant 1.000000e+00 : f32
    %div3A_1324 = vector.broadcast %div3A_1323 : f32 to vector<128x1xf32>
    %div3A_1325 = arith.divf %div3A_1324, %broadcast_in_dim3A_1322 : vector<128x1xf32>
    %convert_element_type3A_1326 = arith.truncf %exp3A_1319 : vector<128x128xf32> to vector<128x128xbf16>
    %slice3A_1327 = vector.extract_strided_slice %convert_element_type3A_1285 {offsets = [0, 64], sizes = [128, 64], strides = [1, 1]} : vector<512x768xbf16> to vector<128x64xbf16>
    %dot_general3A_1328 = arith.constant dense<0.000000e+00> : vector<128x64xf32>
    %dot_general3A_1329 = tpu.matmul %convert_element_type3A_1326, %slice3A_1327, %dot_general3A_1328 {dimension_numbers = #tpu.dot_dimension_numbers<[1], [0], [0], [1], [0, 0, 1, 1], [], []>, transpose_lhs_hint = false} : vector<128x128xbf16>, vector<128x64xbf16>, vector<128x64xf32> -> vector<128x64xf32>
    %mul3A_1330 = vector.broadcast %div3A_1325 : vector<128x1xf32> to vector<128x64xf32>
    %mul3A_1331 = arith.mulf %dot_general3A_1329, %mul3A_1330 : vector<128x64xf32>
    %slice3A_1332 = vector.extract_strided_slice %convert_element_type3A_1269 {offsets = [0, 128], sizes = [128, 64], strides = [1, 1]} : vector<512x768xbf16> to vector<128x64xbf16>
    %slice3A_1333 = vector.extract_strided_slice %convert_element_type3A_1277 {offsets = [128, 0], sizes = [64, 128], strides = [1, 1]} : vector<768x512xbf16> to vector<64x128xbf16>
    %dot_general3A_1334 = arith.constant dense<0.000000e+00> : vector<128x128xf32>
    %dot_general3A_1335 = tpu.matmul %slice3A_1332, %slice3A_1333, %dot_general3A_1334 {dimension_numbers = #tpu.dot_dimension_numbers<[1], [0], [0], [1], [0, 0, 1, 1], [], []>, transpose_lhs_hint = false} : vector<128x64xbf16>, vector<64x128xbf16>, vector<128x128xf32> -> vector<128x128xf32>
    %jit3A_1336 = arith.constant -6.000000e+01 : f32
    %jit3A_1337 = arith.constant 6.000000e+01 : f32
    %max3A_1338 = vector.broadcast %jit3A_1336 : f32 to vector<128x128xf32>
    %max3A_1339 = arith.maximumf %max3A_1338, %dot_general3A_1335 : vector<128x128xf32>
    %min3A_1340 = vector.broadcast %jit3A_1337 : f32 to vector<128x128xf32>
    %min3A_1341 = arith.minimumf %min3A_1340, %max3A_1339 : vector<128x128xf32>
    %exp3A_1342 = math.exp %min3A_1341 : vector<128x128xf32>
    %reduce_sum3A_1343 = arith.constant dense<0.000000e+00> : vector<128xf32>
    %reduce_sum3A_1344 = vector.multi_reduction <add>, %exp3A_1342, %reduce_sum3A_1343 [1] : vector<128x128xf32> to vector<128xf32>
    %broadcast_in_dim3A_1345 = vector.shape_cast %reduce_sum3A_1344 : vector<128xf32> to vector<128x1xf32>
    %div3A_1346 = arith.constant 1.000000e+00 : f32
    %div3A_1347 = vector.broadcast %div3A_1346 : f32 to vector<128x1xf32>
    %div3A_1348 = arith.divf %div3A_1347, %broadcast_in_dim3A_1345 : vector<128x1xf32>
    %convert_element_type3A_1349 = arith.truncf %exp3A_1342 : vector<128x128xf32> to vector<128x128xbf16>
    %slice3A_1350 = vector.extract_strided_slice %convert_element_type3A_1285 {offsets = [0, 128], sizes = [128, 64], strides = [1, 1]} : vector<512x768xbf16> to vector<128x64xbf16>
    %dot_general3A_1351 = arith.constant dense<0.000000e+00> : vector<128x64xf32>
    %dot_general3A_1352 = tpu.matmul %convert_element_type3A_1349, %slice3A_1350, %dot_general3A_1351 {dimension_numbers = #tpu.dot_dimension_numbers<[1], [0], [0], [1], [0, 0, 1, 1], [], []>, transpose_lhs_hint = false} : vector<128x128xbf16>, vector<128x64xbf16>, vector<128x64xf32> -> vector<128x64xf32>
    %mul3A_1353 = vector.broadcast %div3A_1348 : vector<128x1xf32> to vector<128x64xf32>
    %mul3A_1354 = arith.mulf %dot_general3A_1352, %mul3A_1353 : vector<128x64xf32>
    %slice3A_1355 = vector.extract_strided_slice %convert_element_type3A_1269 {offsets = [0, 192], sizes = [128, 64], strides = [1, 1]} : vector<512x768xbf16> to vector<128x64xbf16>
    %slice3A_1356 = vector.extract_strided_slice %convert_element_type3A_1277 {offsets = [192, 0], sizes = [64, 128], strides = [1, 1]} : vector<768x512xbf16> to vector<64x128xbf16>
    %dot_general3A_1357 = arith.constant dense<0.000000e+00> : vector<128x128xf32>
    %dot_general3A_1358 = tpu.matmul %slice3A_1355, %slice3A_1356, %dot_general3A_1357 {dimension_numbers = #tpu.dot_dimension_numbers<[1], [0], [0], [1], [0, 0, 1, 1], [], []>, transpose_lhs_hint = false} : vector<128x64xbf16>, vector<64x128xbf16>, vector<128x128xf32> -> vector<128x128xf32>
    %jit3A_1359 = arith.constant -6.000000e+01 : f32
    %jit3A_1360 = arith.constant 6.000000e+01 : f32
    %max3A_1361 = vector.broadcast %jit3A_1359 : f32 to vector<128x128xf32>
    %max3A_1362 = arith.maximumf %max3A_1361, %dot_general3A_1358 : vector<128x128xf32>
    %min3A_1363 = vector.broadcast %jit3A_1360 : f32 to vector<128x128xf32>
    %min3A_1364 = arith.minimumf %min3A_1363, %max3A_1362 : vector<128x128xf32>
    %exp3A_1365 = math.exp %min3A_1364 : vector<128x128xf32>
    %reduce_sum3A_1366 = arith.constant dense<0.000000e+00> : vector<128xf32>
    %reduce_sum3A_1367 = vector.multi_reduction <add>, %exp3A_1365, %reduce_sum3A_1366 [1] : vector<128x128xf32> to vector<128xf32>
    %broadcast_in_dim3A_1368 = vector.shape_cast %reduce_sum3A_1367 : vector<128xf32> to vector<128x1xf32>
    %div3A_1369 = arith.constant 1.000000e+00 : f32
    %div3A_1370 = vector.broadcast %div3A_1369 : f32 to vector<128x1xf32>
    %div3A_1371 = arith.divf %div3A_1370, %broadcast_in_dim3A_1368 : vector<128x1xf32>
    %convert_element_type3A_1372 = arith.truncf %exp3A_1365 : vector<128x128xf32> to vector<128x128xbf16>
    %slice3A_1373 = vector.extract_strided_slice %convert_element_type3A_1285 {offsets = [0, 192], sizes = [128, 64], strides = [1, 1]} : vector<512x768xbf16> to vector<128x64xbf16>
    %dot_general3A_1374 = arith.constant dense<0.000000e+00> : vector<128x64xf32>
    %dot_general3A_1375 = tpu.matmul %convert_element_type3A_1372, %slice3A_1373, %dot_general3A_1374 {dimension_numbers = #tpu.dot_dimension_numbers<[1], [0], [0], [1], [0, 0, 1, 1], [], []>, transpose_lhs_hint = false} : vector<128x128xbf16>, vector<128x64xbf16>, vector<128x64xf32> -> vector<128x64xf32>
    %mul3A_1376 = vector.broadcast %div3A_1371 : vector<128x1xf32> to vector<128x64xf32>
    %mul3A_1377 = arith.mulf %dot_general3A_1375, %mul3A_1376 : vector<128x64xf32>
    %slice3A_1378 = vector.extract_strided_slice %convert_element_type3A_1269 {offsets = [0, 256], sizes = [128, 64], strides = [1, 1]} : vector<512x768xbf16> to vector<128x64xbf16>
    %slice3A_1379 = vector.extract_strided_slice %convert_element_type3A_1277 {offsets = [256, 0], sizes = [64, 128], strides = [1, 1]} : vector<768x512xbf16> to vector<64x128xbf16>
    %dot_general3A_1380 = arith.constant dense<0.000000e+00> : vector<128x128xf32>
    %dot_general3A_1381 = tpu.matmul %slice3A_1378, %slice3A_1379, %dot_general3A_1380 {dimension_numbers = #tpu.dot_dimension_numbers<[1], [0], [0], [1], [0, 0, 1, 1], [], []>, transpose_lhs_hint = false} : vector<128x64xbf16>, vector<64x128xbf16>, vector<128x128xf32> -> vector<128x128xf32>
    %jit3A_1382 = arith.constant -6.000000e+01 : f32
    %jit3A_1383 = arith.constant 6.000000e+01 : f32
    %max3A_1384 = vector.broadcast %jit3A_1382 : f32 to vector<128x128xf32>
    %max3A_1385 = arith.maximumf %max3A_1384, %dot_general3A_1381 : vector<128x128xf32>
    %min3A_1386 = vector.broadcast %jit3A_1383 : f32 to vector<128x128xf32>
    %min3A_1387 = arith.minimumf %min3A_1386, %max3A_1385 : vector<128x128xf32>
    %exp3A_1388 = math.exp %min3A_1387 : vector<128x128xf32>
    %reduce_sum3A_1389 = arith.constant dense<0.000000e+00> : vector<128xf32>
    %reduce_sum3A_1390 = vector.multi_reduction <add>, %exp3A_1388, %reduce_sum3A_1389 [1] : vector<128x128xf32> to vector<128xf32>
    %broadcast_in_dim3A_1391 = vector.shape_cast %reduce_sum3A_1390 : vector<128xf32> to vector<128x1xf32>
    %div3A_1392 = arith.constant 1.000000e+00 : f32
    %div3A_1393 = vector.broadcast %div3A_1392 : f32 to vector<128x1xf32>
    %div3A_1394 = arith.divf %div3A_1393, %broadcast_in_dim3A_1391 : vector<128x1xf32>
    %convert_element_type3A_1395 = arith.truncf %exp3A_1388 : vector<128x128xf32> to vector<128x128xbf16>
    %slice3A_1396 = vector.extract_strided_slice %convert_element_type3A_1285 {offsets = [0, 256], sizes = [128, 64], strides = [1, 1]} : vector<512x768xbf16> to vector<128x64xbf16>
    %dot_general3A_1397 = arith.constant dense<0.000000e+00> : vector<128x64xf32>
    %dot_general3A_1398 = tpu.matmul %convert_element_type3A_1395, %slice3A_1396, %dot_general3A_1397 {dimension_numbers = #tpu.dot_dimension_numbers<[1], [0], [0], [1], [0, 0, 1, 1], [], []>, transpose_lhs_hint = false} : vector<128x128xbf16>, vector<128x64xbf16>, vector<128x64xf32> -> vector<128x64xf32>
    %mul3A_1399 = vector.broadcast %div3A_1394 : vector<128x1xf32> to vector<128x64xf32>
    %mul3A_1400 = arith.mulf %dot_general3A_1398, %mul3A_1399 : vector<128x64xf32>
    %slice3A_1401 = vector.extract_strided_slice %convert_element_type3A_1269 {offsets = [0, 320], sizes = [128, 64], strides = [1, 1]} : vector<512x768xbf16> to vector<128x64xbf16>
    %slice3A_1402 = vector.extract_strided_slice %convert_element_type3A_1277 {offsets = [320, 0], sizes = [64, 128], strides = [1, 1]} : vector<768x512xbf16> to vector<64x128xbf16>
    %dot_general3A_1403 = arith.constant dense<0.000000e+00> : vector<128x128xf32>
    %dot_general3A_1404 = tpu.matmul %slice3A_1401, %slice3A_1402, %dot_general3A_1403 {dimension_numbers = #tpu.dot_dimension_numbers<[1], [0], [0], [1], [0, 0, 1, 1], [], []>, transpose_lhs_hint = false} : vector<128x64xbf16>, vector<64x128xbf16>, vector<128x128xf32> -> vector<128x128xf32>
    %jit3A_1405 = arith.constant -6.000000e+01 : f32
    %jit3A_1406 = arith.constant 6.000000e+01 : f32
    %max3A_1407 = vector.broadcast %jit3A_1405 : f32 to vector<128x128xf32>
    %max3A_1408 = arith.maximumf %max3A_1407, %dot_general3A_1404 : vector<128x128xf32>
    %min3A_1409 = vector.broadcast %jit3A_1406 : f32 to vector<128x128xf32>
    %min3A_1410 = arith.minimumf %min3A_1409, %max3A_1408 : vector<128x128xf32>
    %exp3A_1411 = math.exp %min3A_1410 : vector<128x128xf32>
    %reduce_sum3A_1412 = arith.constant dense<0.000000e+00> : vector<128xf32>
    %reduce_sum3A_1413 = vector.multi_reduction <add>, %exp3A_1411, %reduce_sum3A_1412 [1] : vector<128x128xf32> to vector<128xf32>
    %broadcast_in_dim3A_1414 = vector.shape_cast %reduce_sum3A_1413 : vector<128xf32> to vector<128x1xf32>
    %div3A_1415 = arith.constant 1.000000e+00 : f32
    %div3A_1416 = vector.broadcast %div3A_1415 : f32 to vector<128x1xf32>
    %div3A_1417 = arith.divf %div3A_1416, %broadcast_in_dim3A_1414 : vector<128x1xf32>
    %convert_element_type3A_1418 = arith.truncf %exp3A_1411 : vector<128x128xf32> to vector<128x128xbf16>
    %slice3A_1419 = vector.extract_strided_slice %convert_element_type3A_1285 {offsets = [0, 320], sizes = [128, 64], strides = [1, 1]} : vector<512x768xbf16> to vector<128x64xbf16>
    %dot_general3A_1420 = arith.constant dense<0.000000e+00> : vector<128x64xf32>
    %dot_general3A_1421 = tpu.matmul %convert_element_type3A_1418, %slice3A_1419, %dot_general3A_1420 {dimension_numbers = #tpu.dot_dimension_numbers<[1], [0], [0], [1], [0, 0, 1, 1], [], []>, transpose_lhs_hint = false} : vector<128x128xbf16>, vector<128x64xbf16>, vector<128x64xf32> -> vector<128x64xf32>
    %mul3A_1422 = vector.broadcast %div3A_1417 : vector<128x1xf32> to vector<128x64xf32>
    %mul3A_1423 = arith.mulf %dot_general3A_1421, %mul3A_1422 : vector<128x64xf32>
    %slice3A_1424 = vector.extract_strided_slice %convert_element_type3A_1269 {offsets = [0, 384], sizes = [128, 64], strides = [1, 1]} : vector<512x768xbf16> to vector<128x64xbf16>
    %slice3A_1425 = vector.extract_strided_slice %convert_element_type3A_1277 {offsets = [384, 0], sizes = [64, 128], strides = [1, 1]} : vector<768x512xbf16> to vector<64x128xbf16>
    %dot_general3A_1426 = arith.constant dense<0.000000e+00> : vector<128x128xf32>
    %dot_general3A_1427 = tpu.matmul %slice3A_1424, %slice3A_1425, %dot_general3A_1426 {dimension_numbers = #tpu.dot_dimension_numbers<[1], [0], [0], [1], [0, 0, 1, 1], [], []>, transpose_lhs_hint = false} : vector<128x64xbf16>, vector<64x128xbf16>, vector<128x128xf32> -> vector<128x128xf32>
    %jit3A_1428 = arith.constant -6.000000e+01 : f32
    %jit3A_1429 = arith.constant 6.000000e+01 : f32
    %max3A_1430 = vector.broadcast %jit3A_1428 : f32 to vector<128x128xf32>
    %max3A_1431 = arith.maximumf %max3A_1430, %dot_general3A_1427 : vector<128x128xf32>
    %min3A_1432 = vector.broadcast %jit3A_1429 : f32 to vector<128x128xf32>
    %min3A_1433 = arith.minimumf %min3A_1432, %max3A_1431 : vector<128x128xf32>
    %exp3A_1434 = math.exp %min3A_1433 : vector<128x128xf32>
    %reduce_sum3A_1435 = arith.constant dense<0.000000e+00> : vector<128xf32>
    %reduce_sum3A_1436 = vector.multi_reduction <add>, %exp3A_1434, %reduce_sum3A_1435 [1] : vector<128x128xf32> to vector<128xf32>
    %broadcast_in_dim3A_1437 = vector.shape_cast %reduce_sum3A_1436 : vector<128xf32> to vector<128x1xf32>
    %div3A_1438 = arith.constant 1.000000e+00 : f32
    %div3A_1439 = vector.broadcast %div3A_1438 : f32 to vector<128x1xf32>
    %div3A_1440 = arith.divf %div3A_1439, %broadcast_in_dim3A_1437 : vector<128x1xf32>
    %convert_element_type3A_1441 = arith.truncf %exp3A_1434 : vector<128x128xf32> to vector<128x128xbf16>
    %slice3A_1442 = vector.extract_strided_slice %convert_element_type3A_1285 {offsets = [0, 384], sizes = [128, 64], strides = [1, 1]} : vector<512x768xbf16> to vector<128x64xbf16>
    %dot_general3A_1443 = arith.constant dense<0.000000e+00> : vector<128x64xf32>
    %dot_general3A_1444 = tpu.matmul %convert_element_type3A_1441, %slice3A_1442, %dot_general3A_1443 {dimension_numbers = #tpu.dot_dimension_numbers<[1], [0], [0], [1], [0, 0, 1, 1], [], []>, transpose_lhs_hint = false} : vector<128x128xbf16>, vector<128x64xbf16>, vector<128x64xf32> -> vector<128x64xf32>
    %mul3A_1445 = vector.broadcast %div3A_1440 : vector<128x1xf32> to vector<128x64xf32>
    %mul3A_1446 = arith.mulf %dot_general3A_1444, %mul3A_1445 : vector<128x64xf32>
    %slice3A_1447 = vector.extract_strided_slice %convert_element_type3A_1269 {offsets = [0, 448], sizes = [128, 64], strides = [1, 1]} : vector<512x768xbf16> to vector<128x64xbf16>
    %slice3A_1448 = vector.extract_strided_slice %convert_element_type3A_1277 {offsets = [448, 0], sizes = [64, 128], strides = [1, 1]} : vector<768x512xbf16> to vector<64x128xbf16>
    %dot_general3A_1449 = arith.constant dense<0.000000e+00> : vector<128x128xf32>
    %dot_general3A_1450 = tpu.matmul %slice3A_1447, %slice3A_1448, %dot_general3A_1449 {dimension_numbers = #tpu.dot_dimension_numbers<[1], [0], [0], [1], [0, 0, 1, 1], [], []>, transpose_lhs_hint = false} : vector<128x64xbf16>, vector<64x128xbf16>, vector<128x128xf32> -> vector<128x128xf32>
    %jit3A_1451 = arith.constant -6.000000e+01 : f32
    %jit3A_1452 = arith.constant 6.000000e+01 : f32
    %max3A_1453 = vector.broadcast %jit3A_1451 : f32 to vector<128x128xf32>
    %max3A_1454 = arith.maximumf %max3A_1453, %dot_general3A_1450 : vector<128x128xf32>
    %min3A_1455 = vector.broadcast %jit3A_1452 : f32 to vector<128x128xf32>
    %min3A_1456 = arith.minimumf %min3A_1455, %max3A_1454 : vector<128x128xf32>
    %exp3A_1457 = math.exp %min3A_1456 : vector<128x128xf32>
    %reduce_sum3A_1458 = arith.constant dense<0.000000e+00> : vector<128xf32>
    %reduce_sum3A_1459 = vector.multi_reduction <add>, %exp3A_1457, %reduce_sum3A_1458 [1] : vector<128x128xf32> to vector<128xf32>
    %broadcast_in_dim3A_1460 = vector.shape_cast %reduce_sum3A_1459 : vector<128xf32> to vector<128x1xf32>
    %div3A_1461 = arith.constant 1.000000e+00 : f32
    %div3A_1462 = vector.broadcast %div3A_1461 : f32 to vector<128x1xf32>
    %div3A_1463 = arith.divf %div3A_1462, %broadcast_in_dim3A_1460 : vector<128x1xf32>
    %convert_element_type3A_1464 = arith.truncf %exp3A_1457 : vector<128x128xf32> to vector<128x128xbf16>
    %slice3A_1465 = vector.extract_strided_slice %convert_element_type3A_1285 {offsets = [0, 448], sizes = [128, 64], strides = [1, 1]} : vector<512x768xbf16> to vector<128x64xbf16>
    %dot_general3A_1466 = arith.constant dense<0.000000e+00> : vector<128x64xf32>
    %dot_general3A_1467 = tpu.matmul %convert_element_type3A_1464, %slice3A_1465, %dot_general3A_1466 {dimension_numbers = #tpu.dot_dimension_numbers<[1], [0], [0], [1], [0, 0, 1, 1], [], []>, transpose_lhs_hint = false} : vector<128x128xbf16>, vector<128x64xbf16>, vector<128x64xf32> -> vector<128x64xf32>
    %mul3A_1468 = vector.broadcast %div3A_1463 : vector<128x1xf32> to vector<128x64xf32>
    %mul3A_1469 = arith.mulf %dot_general3A_1467, %mul3A_1468 : vector<128x64xf32>
    %slice3A_1470 = vector.extract_strided_slice %convert_element_type3A_1269 {offsets = [0, 512], sizes = [128, 64], strides = [1, 1]} : vector<512x768xbf16> to vector<128x64xbf16>
    %slice3A_1471 = vector.extract_strided_slice %convert_element_type3A_1277 {offsets = [512, 0], sizes = [64, 128], strides = [1, 1]} : vector<768x512xbf16> to vector<64x128xbf16>
    %dot_general3A_1472 = arith.constant dense<0.000000e+00> : vector<128x128xf32>
    %dot_general3A_1473 = tpu.matmul %slice3A_1470, %slice3A_1471, %dot_general3A_1472 {dimension_numbers = #tpu.dot_dimension_numbers<[1], [0], [0], [1], [0, 0, 1, 1], [], []>, transpose_lhs_hint = false} : vector<128x64xbf16>, vector<64x128xbf16>, vector<128x128xf32> -> vector<128x128xf32>
    %jit3A_1474 = arith.constant -6.000000e+01 : f32
    %jit3A_1475 = arith.constant 6.000000e+01 : f32
    %max3A_1476 = vector.broadcast %jit3A_1474 : f32 to vector<128x128xf32>
    %max3A_1477 = arith.maximumf %max3A_1476, %dot_general3A_1473 : vector<128x128xf32>
    %min3A_1478 = vector.broadcast %jit3A_1475 : f32 to vector<128x128xf32>
    %min3A_1479 = arith.minimumf %min3A_1478, %max3A_1477 : vector<128x128xf32>
    %exp3A_1480 = math.exp %min3A_1479 : vector<128x128xf32>
    %reduce_sum3A_1481 = arith.constant dense<0.000000e+00> : vector<128xf32>
    %reduce_sum3A_1482 = vector.multi_reduction <add>, %exp3A_1480, %reduce_sum3A_1481 [1] : vector<128x128xf32> to vector<128xf32>
    %broadcast_in_dim3A_1483 = vector.shape_cast %reduce_sum3A_1482 : vector<128xf32> to vector<128x1xf32>
    %div3A_1484 = arith.constant 1.000000e+00 : f32
    %div3A_1485 = vector.broadcast %div3A_1484 : f32 to vector<128x1xf32>
    %div3A_1486 = arith.divf %div3A_1485, %broadcast_in_dim3A_1483 : vector<128x1xf32>
    %convert_element_type3A_1487 = arith.truncf %exp3A_1480 : vector<128x128xf32> to vector<128x128xbf16>
    %slice3A_1488 = vector.extract_strided_slice %convert_element_type3A_1285 {offsets = [0, 512], sizes = [128, 64], strides = [1, 1]} : vector<512x768xbf16> to vector<128x64xbf16>
    %dot_general3A_1489 = arith.constant dense<0.000000e+00> : vector<128x64xf32>
    %dot_general3A_1490 = tpu.matmul %convert_element_type3A_1487, %slice3A_1488, %dot_general3A_1489 {dimension_numbers = #tpu.dot_dimension_numbers<[1], [0], [0], [1], [0, 0, 1, 1], [], []>, transpose_lhs_hint = false} : vector<128x128xbf16>, vector<128x64xbf16>, vector<128x64xf32> -> vector<128x64xf32>
    %mul3A_1491 = vector.broadcast %div3A_1486 : vector<128x1xf32> to vector<128x64xf32>
    %mul3A_1492 = arith.mulf %dot_general3A_1490, %mul3A_1491 : vector<128x64xf32>
    %slice3A_1493 = vector.extract_strided_slice %convert_element_type3A_1269 {offsets = [0, 576], sizes = [128, 64], strides = [1, 1]} : vector<512x768xbf16> to vector<128x64xbf16>
    %slice3A_1494 = vector.extract_strided_slice %convert_element_type3A_1277 {offsets = [576, 0], sizes = [64, 128], strides = [1, 1]} : vector<768x512xbf16> to vector<64x128xbf16>
    %dot_general3A_1495 = arith.constant dense<0.000000e+00> : vector<128x128xf32>
    %dot_general3A_1496 = tpu.matmul %slice3A_1493, %slice3A_1494, %dot_general3A_1495 {dimension_numbers = #tpu.dot_dimension_numbers<[1], [0], [0], [1], [0, 0, 1, 1], [], []>, transpose_lhs_hint = false} : vector<128x64xbf16>, vector<64x128xbf16>, vector<128x128xf32> -> vector<128x128xf32>
    %jit3A_1497 = arith.constant -6.000000e+01 : f32
    %jit3A_1498 = arith.constant 6.000000e+01 : f32
    %max3A_1499 = vector.broadcast %jit3A_1497 : f32 to vector<128x128xf32>
    %max3A_1500 = arith.maximumf %max3A_1499, %dot_general3A_1496 : vector<128x128xf32>
    %min3A_1501 = vector.broadcast %jit3A_1498 : f32 to vector<128x128xf32>
    %min3A_1502 = arith.minimumf %min3A_1501, %max3A_1500 : vector<128x128xf32>
    %exp3A_1503 = math.exp %min3A_1502 : vector<128x128xf32>
    %reduce_sum3A_1504 = arith.constant dense<0.000000e+00> : vector<128xf32>
    %reduce_sum3A_1505 = vector.multi_reduction <add>, %exp3A_1503, %reduce_sum3A_1504 [1] : vector<128x128xf32> to vector<128xf32>
    %broadcast_in_dim3A_1506 = vector.shape_cast %reduce_sum3A_1505 : vector<128xf32> to vector<128x1xf32>
    %div3A_1507 = arith.constant 1.000000e+00 : f32
    %div3A_1508 = vector.broadcast %div3A_1507 : f32 to vector<128x1xf32>
    %div3A_1509 = arith.divf %div3A_1508, %broadcast_in_dim3A_1506 : vector<128x1xf32>
    %convert_element_type3A_1510 = arith.truncf %exp3A_1503 : vector<128x128xf32> to vector<128x128xbf16>
    %slice3A_1511 = vector.extract_strided_slice %convert_element_type3A_1285 {offsets = [0, 576], sizes = [128, 64], strides = [1, 1]} : vector<512x768xbf16> to vector<128x64xbf16>
    %dot_general3A_1512 = arith.constant dense<0.000000e+00> : vector<128x64xf32>
    %dot_general3A_1513 = tpu.matmul %convert_element_type3A_1510, %slice3A_1511, %dot_general3A_1512 {dimension_numbers = #tpu.dot_dimension_numbers<[1], [0], [0], [1], [0, 0, 1, 1], [], []>, transpose_lhs_hint = false} : vector<128x128xbf16>, vector<128x64xbf16>, vector<128x64xf32> -> vector<128x64xf32>
    %mul3A_1514 = vector.broadcast %div3A_1509 : vector<128x1xf32> to vector<128x64xf32>
    %mul3A_1515 = arith.mulf %dot_general3A_1513, %mul3A_1514 : vector<128x64xf32>
    %slice3A_1516 = vector.extract_strided_slice %convert_element_type3A_1269 {offsets = [0, 640], sizes = [128, 64], strides = [1, 1]} : vector<512x768xbf16> to vector<128x64xbf16>
    %slice3A_1517 = vector.extract_strided_slice %convert_element_type3A_1277 {offsets = [640, 0], sizes = [64, 128], strides = [1, 1]} : vector<768x512xbf16> to vector<64x128xbf16>
    %dot_general3A_1518 = arith.constant dense<0.000000e+00> : vector<128x128xf32>
    %dot_general3A_1519 = tpu.matmul %slice3A_1516, %slice3A_1517, %dot_general3A_1518 {dimension_numbers = #tpu.dot_dimension_numbers<[1], [0], [0], [1], [0, 0, 1, 1], [], []>, transpose_lhs_hint = false} : vector<128x64xbf16>, vector<64x128xbf16>, vector<128x128xf32> -> vector<128x128xf32>
    %jit3A_1520 = arith.constant -6.000000e+01 : f32
    %jit3A_1521 = arith.constant 6.000000e+01 : f32
    %max3A_1522 = vector.broadcast %jit3A_1520 : f32 to vector<128x128xf32>
    %max3A_1523 = arith.maximumf %max3A_1522, %dot_general3A_1519 : vector<128x128xf32>
    %min3A_1524 = vector.broadcast %jit3A_1521 : f32 to vector<128x128xf32>
    %min3A_1525 = arith.minimumf %min3A_1524, %max3A_1523 : vector<128x128xf32>
    %exp3A_1526 = math.exp %min3A_1525 : vector<128x128xf32>
    %reduce_sum3A_1527 = arith.constant dense<0.000000e+00> : vector<128xf32>
    %reduce_sum3A_1528 = vector.multi_reduction <add>, %exp3A_1526, %reduce_sum3A_1527 [1] : vector<128x128xf32> to vector<128xf32>
    %broadcast_in_dim3A_1529 = vector.shape_cast %reduce_sum3A_1528 : vector<128xf32> to vector<128x1xf32>
    %div3A_1530 = arith.constant 1.000000e+00 : f32
    %div3A_1531 = vector.broadcast %div3A_1530 : f32 to vector<128x1xf32>
    %div3A_1532 = arith.divf %div3A_1531, %broadcast_in_dim3A_1529 : vector<128x1xf32>
    %convert_element_type3A_1533 = arith.truncf %exp3A_1526 : vector<128x128xf32> to vector<128x128xbf16>
    %slice3A_1534 = vector.extract_strided_slice %convert_element_type3A_1285 {offsets = [0, 640], sizes = [128, 64], strides = [1, 1]} : vector<512x768xbf16> to vector<128x64xbf16>
    %dot_general3A_1535 = arith.constant dense<0.000000e+00> : vector<128x64xf32>
    %dot_general3A_1536 = tpu.matmul %convert_element_type3A_1533, %slice3A_1534, %dot_general3A_1535 {dimension_numbers = #tpu.dot_dimension_numbers<[1], [0], [0], [1], [0, 0, 1, 1], [], []>, transpose_lhs_hint = false} : vector<128x128xbf16>, vector<128x64xbf16>, vector<128x64xf32> -> vector<128x64xf32>
    %mul3A_1537 = vector.broadcast %div3A_1532 : vector<128x1xf32> to vector<128x64xf32>
    %mul3A_1538 = arith.mulf %dot_general3A_1536, %mul3A_1537 : vector<128x64xf32>
    %slice3A_1539 = vector.extract_strided_slice %convert_element_type3A_1269 {offsets = [0, 704], sizes = [128, 64], strides = [1, 1]} : vector<512x768xbf16> to vector<128x64xbf16>
    %slice3A_1540 = vector.extract_strided_slice %convert_element_type3A_1277 {offsets = [704, 0], sizes = [64, 128], strides = [1, 1]} : vector<768x512xbf16> to vector<64x128xbf16>
    %dot_general3A_1541 = arith.constant dense<0.000000e+00> : vector<128x128xf32>
    %dot_general3A_1542 = tpu.matmul %slice3A_1539, %slice3A_1540, %dot_general3A_1541 {dimension_numbers = #tpu.dot_dimension_numbers<[1], [0], [0], [1], [0, 0, 1, 1], [], []>, transpose_lhs_hint = false} : vector<128x64xbf16>, vector<64x128xbf16>, vector<128x128xf32> -> vector<128x128xf32>
    %jit3A_1543 = arith.constant -6.000000e+01 : f32
    %jit3A_1544 = arith.constant 6.000000e+01 : f32
    %max3A_1545 = vector.broadcast %jit3A_1543 : f32 to vector<128x128xf32>
    %max3A_1546 = arith.maximumf %max3A_1545, %dot_general3A_1542 : vector<128x128xf32>
    %min3A_1547 = vector.broadcast %jit3A_1544 : f32 to vector<128x128xf32>
    %min3A_1548 = arith.minimumf %min3A_1547, %max3A_1546 : vector<128x128xf32>
    %exp3A_1549 = math.exp %min3A_1548 : vector<128x128xf32>
    %reduce_sum3A_1550 = arith.constant dense<0.000000e+00> : vector<128xf32>
    %reduce_sum3A_1551 = vector.multi_reduction <add>, %exp3A_1549, %reduce_sum3A_1550 [1] : vector<128x128xf32> to vector<128xf32>
    %broadcast_in_dim3A_1552 = vector.shape_cast %reduce_sum3A_1551 : vector<128xf32> to vector<128x1xf32>
    %div3A_1553 = arith.constant 1.000000e+00 : f32
    %div3A_1554 = vector.broadcast %div3A_1553 : f32 to vector<128x1xf32>
    %div3A_1555 = arith.divf %div3A_1554, %broadcast_in_dim3A_1552 : vector<128x1xf32>
    %convert_element_type3A_1556 = arith.truncf %exp3A_1549 : vector<128x128xf32> to vector<128x128xbf16>
    %slice3A_1557 = vector.extract_strided_slice %convert_element_type3A_1285 {offsets = [0, 704], sizes = [128, 64], strides = [1, 1]} : vector<512x768xbf16> to vector<128x64xbf16>
    %dot_general3A_1558 = arith.constant dense<0.000000e+00> : vector<128x64xf32>
    %dot_general3A_1559 = tpu.matmul %convert_element_type3A_1556, %slice3A_1557, %dot_general3A_1558 {dimension_numbers = #tpu.dot_dimension_numbers<[1], [0], [0], [1], [0, 0, 1, 1], [], []>, transpose_lhs_hint = false} : vector<128x128xbf16>, vector<128x64xbf16>, vector<128x64xf32> -> vector<128x64xf32>
    %mul3A_1560 = vector.broadcast %div3A_1555 : vector<128x1xf32> to vector<128x64xf32>
    %mul3A_1561 = arith.mulf %dot_general3A_1559, %mul3A_1560 : vector<128x64xf32>
    %concatenate3A_1562 = tpu.concatenate %mul3A_1308, %mul3A_1331, %mul3A_1354, %mul3A_1377, %mul3A_1400, %mul3A_1423, %mul3A_1446, %mul3A_1469, %mul3A_1492, %mul3A_1515, %mul3A_1538, %mul3A_1561 in 1 : vector<128x64xf32>, vector<128x64xf32>, vector<128x64xf32>, vector<128x64xf32>, vector<128x64xf32>, vector<128x64xf32>, vector<128x64xf32>, vector<128x64xf32>, vector<128x64xf32>, vector<128x64xf32>, vector<128x64xf32>, vector<128x64xf32> -> vector<128x768xf32>
    %slice3A_1563 = vector.extract_strided_slice %convert_element_type3A_1269 {offsets = [128, 0], sizes = [128, 64], strides = [1, 1]} : vector<512x768xbf16> to vector<128x64xbf16>
    %slice3A_1564 = vector.extract_strided_slice %convert_element_type3A_1277 {offsets = [0, 128], sizes = [64, 128], strides = [1, 1]} : vector<768x512xbf16> to vector<64x128xbf16>
    %dot_general3A_1565 = arith.constant dense<0.000000e+00> : vector<128x128xf32>
    %dot_general3A_1566 = tpu.matmul %slice3A_1563, %slice3A_1564, %dot_general3A_1565 {dimension_numbers = #tpu.dot_dimension_numbers<[1], [0], [0], [1], [0, 0, 1, 1], [], []>, transpose_lhs_hint = false} : vector<128x64xbf16>, vector<64x128xbf16>, vector<128x128xf32> -> vector<128x128xf32>
    %jit3A_1567 = arith.constant -6.000000e+01 : f32
    %jit3A_1568 = arith.constant 6.000000e+01 : f32
    %max3A_1569 = vector.broadcast %jit3A_1567 : f32 to vector<128x128xf32>
    %max3A_1570 = arith.maximumf %max3A_1569, %dot_general3A_1566 : vector<128x128xf32>
    %min3A_1571 = vector.broadcast %jit3A_1568 : f32 to vector<128x128xf32>
    %min3A_1572 = arith.minimumf %min3A_1571, %max3A_1570 : vector<128x128xf32>
    %exp3A_1573 = math.exp %min3A_1572 : vector<128x128xf32>
    %reduce_sum3A_1574 = arith.constant dense<0.000000e+00> : vector<128xf32>
    %reduce_sum3A_1575 = vector.multi_reduction <add>, %exp3A_1573, %reduce_sum3A_1574 [1] : vector<128x128xf32> to vector<128xf32>
    %broadcast_in_dim3A_1576 = vector.shape_cast %reduce_sum3A_1575 : vector<128xf32> to vector<128x1xf32>
    %div3A_1577 = arith.constant 1.000000e+00 : f32
    %div3A_1578 = vector.broadcast %div3A_1577 : f32 to vector<128x1xf32>
    %div3A_1579 = arith.divf %div3A_1578, %broadcast_in_dim3A_1576 : vector<128x1xf32>
    %convert_element_type3A_1580 = arith.truncf %exp3A_1573 : vector<128x128xf32> to vector<128x128xbf16>
    %slice3A_1581 = vector.extract_strided_slice %convert_element_type3A_1285 {offsets = [128, 0], sizes = [128, 64], strides = [1, 1]} : vector<512x768xbf16> to vector<128x64xbf16>
    %dot_general3A_1582 = arith.constant dense<0.000000e+00> : vector<128x64xf32>
    %dot_general3A_1583 = tpu.matmul %convert_element_type3A_1580, %slice3A_1581, %dot_general3A_1582 {dimension_numbers = #tpu.dot_dimension_numbers<[1], [0], [0], [1], [0, 0, 1, 1], [], []>, transpose_lhs_hint = false} : vector<128x128xbf16>, vector<128x64xbf16>, vector<128x64xf32> -> vector<128x64xf32>
    %mul3A_1584 = vector.broadcast %div3A_1579 : vector<128x1xf32> to vector<128x64xf32>
    %mul3A_1585 = arith.mulf %dot_general3A_1583, %mul3A_1584 : vector<128x64xf32>
    %slice3A_1586 = vector.extract_strided_slice %convert_element_type3A_1269 {offsets = [128, 64], sizes = [128, 64], strides = [1, 1]} : vector<512x768xbf16> to vector<128x64xbf16>
    %slice3A_1587 = vector.extract_strided_slice %convert_element_type3A_1277 {offsets = [64, 128], sizes = [64, 128], strides = [1, 1]} : vector<768x512xbf16> to vector<64x128xbf16>
    %dot_general3A_1588 = arith.constant dense<0.000000e+00> : vector<128x128xf32>
    %dot_general3A_1589 = tpu.matmul %slice3A_1586, %slice3A_1587, %dot_general3A_1588 {dimension_numbers = #tpu.dot_dimension_numbers<[1], [0], [0], [1], [0, 0, 1, 1], [], []>, transpose_lhs_hint = false} : vector<128x64xbf16>, vector<64x128xbf16>, vector<128x128xf32> -> vector<128x128xf32>
    %jit3A_1590 = arith.constant -6.000000e+01 : f32
    %jit3A_1591 = arith.constant 6.000000e+01 : f32
    %max3A_1592 = vector.broadcast %jit3A_1590 : f32 to vector<128x128xf32>
    %max3A_1593 = arith.maximumf %max3A_1592, %dot_general3A_1589 : vector<128x128xf32>
    %min3A_1594 = vector.broadcast %jit3A_1591 : f32 to vector<128x128xf32>
    %min3A_1595 = arith.minimumf %min3A_1594, %max3A_1593 : vector<128x128xf32>
    %exp3A_1596 = math.exp %min3A_1595 : vector<128x128xf32>
    %reduce_sum3A_1597 = arith.constant dense<0.000000e+00> : vector<128xf32>
    %reduce_sum3A_1598 = vector.multi_reduction <add>, %exp3A_1596, %reduce_sum3A_1597 [1] : vector<128x128xf32> to vector<128xf32>
    %broadcast_in_dim3A_1599 = vector.shape_cast %reduce_sum3A_1598 : vector<128xf32> to vector<128x1xf32>
    %div3A_1600 = arith.constant 1.000000e+00 : f32
    %div3A_1601 = vector.broadcast %div3A_1600 : f32 to vector<128x1xf32>
    %div3A_1602 = arith.divf %div3A_1601, %broadcast_in_dim3A_1599 : vector<128x1xf32>
    %convert_element_type3A_1603 = arith.truncf %exp3A_1596 : vector<128x128xf32> to vector<128x128xbf16>
    %slice3A_1604 = vector.extract_strided_slice %convert_element_type3A_1285 {offsets = [128, 64], sizes = [128, 64], strides = [1, 1]} : vector<512x768xbf16> to vector<128x64xbf16>
    %dot_general3A_1605 = arith.constant dense<0.000000e+00> : vector<128x64xf32>
    %dot_general3A_1606 = tpu.matmul %convert_element_type3A_1603, %slice3A_1604, %dot_general3A_1605 {dimension_numbers = #tpu.dot_dimension_numbers<[1], [0], [0], [1], [0, 0, 1, 1], [], []>, transpose_lhs_hint = false} : vector<128x128xbf16>, vector<128x64xbf16>, vector<128x64xf32> -> vector<128x64xf32>
    %mul3A_1607 = vector.broadcast %div3A_1602 : vector<128x1xf32> to vector<128x64xf32>
    %mul3A_1608 = arith.mulf %dot_general3A_1606, %mul3A_1607 : vector<128x64xf32>
    %slice3A_1609 = vector.extract_strided_slice %convert_element_type3A_1269 {offsets = [128, 128], sizes = [128, 64], strides = [1, 1]} : vector<512x768xbf16> to vector<128x64xbf16>
    %slice3A_1610 = vector.extract_strided_slice %convert_element_type3A_1277 {offsets = [128, 128], sizes = [64, 128], strides = [1, 1]} : vector<768x512xbf16> to vector<64x128xbf16>
    %dot_general3A_1611 = arith.constant dense<0.000000e+00> : vector<128x128xf32>
    %dot_general3A_1612 = tpu.matmul %slice3A_1609, %slice3A_1610, %dot_general3A_1611 {dimension_numbers = #tpu.dot_dimension_numbers<[1], [0], [0], [1], [0, 0, 1, 1], [], []>, transpose_lhs_hint = false} : vector<128x64xbf16>, vector<64x128xbf16>, vector<128x128xf32> -> vector<128x128xf32>
    %jit3A_1613 = arith.constant -6.000000e+01 : f32
    %jit3A_1614 = arith.constant 6.000000e+01 : f32
    %max3A_1615 = vector.broadcast %jit3A_1613 : f32 to vector<128x128xf32>
    %max3A_1616 = arith.maximumf %max3A_1615, %dot_general3A_1612 : vector<128x128xf32>
    %min3A_1617 = vector.broadcast %jit3A_1614 : f32 to vector<128x128xf32>
    %min3A_1618 = arith.minimumf %min3A_1617, %max3A_1616 : vector<128x128xf32>
    %exp3A_1619 = math.exp %min3A_1618 : vector<128x128xf32>
    %reduce_sum3A_1620 = arith.constant dense<0.000000e+00> : vector<128xf32>
    %reduce_sum3A_1621 = vector.multi_reduction <add>, %exp3A_1619, %reduce_sum3A_1620 [1] : vector<128x128xf32> to vector<128xf32>
    %broadcast_in_dim3A_1622 = vector.shape_cast %reduce_sum3A_1621 : vector<128xf32> to vector<128x1xf32>
    %div3A_1623 = arith.constant 1.000000e+00 : f32
    %div3A_1624 = vector.broadcast %div3A_1623 : f32 to vector<128x1xf32>
    %div3A_1625 = arith.divf %div3A_1624, %broadcast_in_dim3A_1622 : vector<128x1xf32>
    %convert_element_type3A_1626 = arith.truncf %exp3A_1619 : vector<128x128xf32> to vector<128x128xbf16>
    %slice3A_1627 = vector.extract_strided_slice %convert_element_type3A_1285 {offsets = [128, 128], sizes = [128, 64], strides = [1, 1]} : vector<512x768xbf16> to vector<128x64xbf16>
    %dot_general3A_1628 = arith.constant dense<0.000000e+00> : vector<128x64xf32>
    %dot_general3A_1629 = tpu.matmul %convert_element_type3A_1626, %slice3A_1627, %dot_general3A_1628 {dimension_numbers = #tpu.dot_dimension_numbers<[1], [0], [0], [1], [0, 0, 1, 1], [], []>, transpose_lhs_hint = false} : vector<128x128xbf16>, vector<128x64xbf16>, vector<128x64xf32> -> vector<128x64xf32>
    %mul3A_1630 = vector.broadcast %div3A_1625 : vector<128x1xf32> to vector<128x64xf32>
    %mul3A_1631 = arith.mulf %dot_general3A_1629, %mul3A_1630 : vector<128x64xf32>
    %slice3A_1632 = vector.extract_strided_slice %convert_element_type3A_1269 {offsets = [128, 192], sizes = [128, 64], strides = [1, 1]} : vector<512x768xbf16> to vector<128x64xbf16>
    %slice3A_1633 = vector.extract_strided_slice %convert_element_type3A_1277 {offsets = [192, 128], sizes = [64, 128], strides = [1, 1]} : vector<768x512xbf16> to vector<64x128xbf16>
    %dot_general3A_1634 = arith.constant dense<0.000000e+00> : vector<128x128xf32>
    %dot_general3A_1635 = tpu.matmul %slice3A_1632, %slice3A_1633, %dot_general3A_1634 {dimension_numbers = #tpu.dot_dimension_numbers<[1], [0], [0], [1], [0, 0, 1, 1], [], []>, transpose_lhs_hint = false} : vector<128x64xbf16>, vector<64x128xbf16>, vector<128x128xf32> -> vector<128x128xf32>
    %jit3A_1636 = arith.constant -6.000000e+01 : f32
    %jit3A_1637 = arith.constant 6.000000e+01 : f32
    %max3A_1638 = vector.broadcast %jit3A_1636 : f32 to vector<128x128xf32>
    %max3A_1639 = arith.maximumf %max3A_1638, %dot_general3A_1635 : vector<128x128xf32>
    %min3A_1640 = vector.broadcast %jit3A_1637 : f32 to vector<128x128xf32>
    %min3A_1641 = arith.minimumf %min3A_1640, %max3A_1639 : vector<128x128xf32>
    %exp3A_1642 = math.exp %min3A_1641 : vector<128x128xf32>
    %reduce_sum3A_1643 = arith.constant dense<0.000000e+00> : vector<128xf32>
    %reduce_sum3A_1644 = vector.multi_reduction <add>, %exp3A_1642, %reduce_sum3A_1643 [1] : vector<128x128xf32> to vector<128xf32>
    %broadcast_in_dim3A_1645 = vector.shape_cast %reduce_sum3A_1644 : vector<128xf32> to vector<128x1xf32>
    %div3A_1646 = arith.constant 1.000000e+00 : f32
    %div3A_1647 = vector.broadcast %div3A_1646 : f32 to vector<128x1xf32>
    %div3A_1648 = arith.divf %div3A_1647, %broadcast_in_dim3A_1645 : vector<128x1xf32>
    %convert_element_type3A_1649 = arith.truncf %exp3A_1642 : vector<128x128xf32> to vector<128x128xbf16>
    %slice3A_1650 = vector.extract_strided_slice %convert_element_type3A_1285 {offsets = [128, 192], sizes = [128, 64], strides = [1, 1]} : vector<512x768xbf16> to vector<128x64xbf16>
    %dot_general3A_1651 = arith.constant dense<0.000000e+00> : vector<128x64xf32>
    %dot_general3A_1652 = tpu.matmul %convert_element_type3A_1649, %slice3A_1650, %dot_general3A_1651 {dimension_numbers = #tpu.dot_dimension_numbers<[1], [0], [0], [1], [0, 0, 1, 1], [], []>, transpose_lhs_hint = false} : vector<128x128xbf16>, vector<128x64xbf16>, vector<128x64xf32> -> vector<128x64xf32>
    %mul3A_1653 = vector.broadcast %div3A_1648 : vector<128x1xf32> to vector<128x64xf32>
    %mul3A_1654 = arith.mulf %dot_general3A_1652, %mul3A_1653 : vector<128x64xf32>
    %slice3A_1655 = vector.extract_strided_slice %convert_element_type3A_1269 {offsets = [128, 256], sizes = [128, 64], strides = [1, 1]} : vector<512x768xbf16> to vector<128x64xbf16>
    %slice3A_1656 = vector.extract_strided_slice %convert_element_type3A_1277 {offsets = [256, 128], sizes = [64, 128], strides = [1, 1]} : vector<768x512xbf16> to vector<64x128xbf16>
    %dot_general3A_1657 = arith.constant dense<0.000000e+00> : vector<128x128xf32>
    %dot_general3A_1658 = tpu.matmul %slice3A_1655, %slice3A_1656, %dot_general3A_1657 {dimension_numbers = #tpu.dot_dimension_numbers<[1], [0], [0], [1], [0, 0, 1, 1], [], []>, transpose_lhs_hint = false} : vector<128x64xbf16>, vector<64x128xbf16>, vector<128x128xf32> -> vector<128x128xf32>
    %jit3A_1659 = arith.constant -6.000000e+01 : f32
    %jit3A_1660 = arith.constant 6.000000e+01 : f32
    %max3A_1661 = vector.broadcast %jit3A_1659 : f32 to vector<128x128xf32>
    %max3A_1662 = arith.maximumf %max3A_1661, %dot_general3A_1658 : vector<128x128xf32>
    %min3A_1663 = vector.broadcast %jit3A_1660 : f32 to vector<128x128xf32>
    %min3A_1664 = arith.minimumf %min3A_1663, %max3A_1662 : vector<128x128xf32>
    %exp3A_1665 = math.exp %min3A_1664 : vector<128x128xf32>
    %reduce_sum3A_1666 = arith.constant dense<0.000000e+00> : vector<128xf32>
    %reduce_sum3A_1667 = vector.multi_reduction <add>, %exp3A_1665, %reduce_sum3A_1666 [1] : vector<128x128xf32> to vector<128xf32>
    %broadcast_in_dim3A_1668 = vector.shape_cast %reduce_sum3A_1667 : vector<128xf32> to vector<128x1xf32>
    %div3A_1669 = arith.constant 1.000000e+00 : f32
    %div3A_1670 = vector.broadcast %div3A_1669 : f32 to vector<128x1xf32>
    %div3A_1671 = arith.divf %div3A_1670, %broadcast_in_dim3A_1668 : vector<128x1xf32>
    %convert_element_type3A_1672 = arith.truncf %exp3A_1665 : vector<128x128xf32> to vector<128x128xbf16>
    %slice3A_1673 = vector.extract_strided_slice %convert_element_type3A_1285 {offsets = [128, 256], sizes = [128, 64], strides = [1, 1]} : vector<512x768xbf16> to vector<128x64xbf16>
    %dot_general3A_1674 = arith.constant dense<0.000000e+00> : vector<128x64xf32>
    %dot_general3A_1675 = tpu.matmul %convert_element_type3A_1672, %slice3A_1673, %dot_general3A_1674 {dimension_numbers = #tpu.dot_dimension_numbers<[1], [0], [0], [1], [0, 0, 1, 1], [], []>, transpose_lhs_hint = false} : vector<128x128xbf16>, vector<128x64xbf16>, vector<128x64xf32> -> vector<128x64xf32>
    %mul3A_1676 = vector.broadcast %div3A_1671 : vector<128x1xf32> to vector<128x64xf32>
    %mul3A_1677 = arith.mulf %dot_general3A_1675, %mul3A_1676 : vector<128x64xf32>
    %slice3A_1678 = vector.extract_strided_slice %convert_element_type3A_1269 {offsets = [128, 320], sizes = [128, 64], strides = [1, 1]} : vector<512x768xbf16> to vector<128x64xbf16>
    %slice3A_1679 = vector.extract_strided_slice %convert_element_type3A_1277 {offsets = [320, 128], sizes = [64, 128], strides = [1, 1]} : vector<768x512xbf16> to vector<64x128xbf16>
    %dot_general3A_1680 = arith.constant dense<0.000000e+00> : vector<128x128xf32>
    %dot_general3A_1681 = tpu.matmul %slice3A_1678, %slice3A_1679, %dot_general3A_1680 {dimension_numbers = #tpu.dot_dimension_numbers<[1], [0], [0], [1], [0, 0, 1, 1], [], []>, transpose_lhs_hint = false} : vector<128x64xbf16>, vector<64x128xbf16>, vector<128x128xf32> -> vector<128x128xf32>
    %jit3A_1682 = arith.constant -6.000000e+01 : f32
    %jit3A_1683 = arith.constant 6.000000e+01 : f32
    %max3A_1684 = vector.broadcast %jit3A_1682 : f32 to vector<128x128xf32>
    %max3A_1685 = arith.maximumf %max3A_1684, %dot_general3A_1681 : vector<128x128xf32>
    %min3A_1686 = vector.broadcast %jit3A_1683 : f32 to vector<128x128xf32>
    %min3A_1687 = arith.minimumf %min3A_1686, %max3A_1685 : vector<128x128xf32>
    %exp3A_1688 = math.exp %min3A_1687 : vector<128x128xf32>
    %reduce_sum3A_1689 = arith.constant dense<0.000000e+00> : vector<128xf32>
    %reduce_sum3A_1690 = vector.multi_reduction <add>, %exp3A_1688, %reduce_sum3A_1689 [1] : vector<128x128xf32> to vector<128xf32>
    %broadcast_in_dim3A_1691 = vector.shape_cast %reduce_sum3A_1690 : vector<128xf32> to vector<128x1xf32>
    %div3A_1692 = arith.constant 1.000000e+00 : f32
    %div3A_1693 = vector.broadcast %div3A_1692 : f32 to vector<128x1xf32>
    %div3A_1694 = arith.divf %div3A_1693, %broadcast_in_dim3A_1691 : vector<128x1xf32>
    %convert_element_type3A_1695 = arith.truncf %exp3A_1688 : vector<128x128xf32> to vector<128x128xbf16>
    %slice3A_1696 = vector.extract_strided_slice %convert_element_type3A_1285 {offsets = [128, 320], sizes = [128, 64], strides = [1, 1]} : vector<512x768xbf16> to vector<128x64xbf16>
    %dot_general3A_1697 = arith.constant dense<0.000000e+00> : vector<128x64xf32>
    %dot_general3A_1698 = tpu.matmul %convert_element_type3A_1695, %slice3A_1696, %dot_general3A_1697 {dimension_numbers = #tpu.dot_dimension_numbers<[1], [0], [0], [1], [0, 0, 1, 1], [], []>, transpose_lhs_hint = false} : vector<128x128xbf16>, vector<128x64xbf16>, vector<128x64xf32> -> vector<128x64xf32>
    %mul3A_1699 = vector.broadcast %div3A_1694 : vector<128x1xf32> to vector<128x64xf32>
    %mul3A_1700 = arith.mulf %dot_general3A_1698, %mul3A_1699 : vector<128x64xf32>
    %slice3A_1701 = vector.extract_strided_slice %convert_element_type3A_1269 {offsets = [128, 384], sizes = [128, 64], strides = [1, 1]} : vector<512x768xbf16> to vector<128x64xbf16>
    %slice3A_1702 = vector.extract_strided_slice %convert_element_type3A_1277 {offsets = [384, 128], sizes = [64, 128], strides = [1, 1]} : vector<768x512xbf16> to vector<64x128xbf16>
    %dot_general3A_1703 = arith.constant dense<0.000000e+00> : vector<128x128xf32>
    %dot_general3A_1704 = tpu.matmul %slice3A_1701, %slice3A_1702, %dot_general3A_1703 {dimension_numbers = #tpu.dot_dimension_numbers<[1], [0], [0], [1], [0, 0, 1, 1], [], []>, transpose_lhs_hint = false} : vector<128x64xbf16>, vector<64x128xbf16>, vector<128x128xf32> -> vector<128x128xf32>
    %jit3A_1705 = arith.constant -6.000000e+01 : f32
    %jit3A_1706 = arith.constant 6.000000e+01 : f32
    %max3A_1707 = vector.broadcast %jit3A_1705 : f32 to vector<128x128xf32>
    %max3A_1708 = arith.maximumf %max3A_1707, %dot_general3A_1704 : vector<128x128xf32>
    %min3A_1709 = vector.broadcast %jit3A_1706 : f32 to vector<128x128xf32>
    %min3A_1710 = arith.minimumf %min3A_1709, %max3A_1708 : vector<128x128xf32>
    %exp3A_1711 = math.exp %min3A_1710 : vector<128x128xf32>
    %reduce_sum3A_1712 = arith.constant dense<0.000000e+00> : vector<128xf32>
    %reduce_sum3A_1713 = vector.multi_reduction <add>, %exp3A_1711, %reduce_sum3A_1712 [1] : vector<128x128xf32> to vector<128xf32>
    %broadcast_in_dim3A_1714 = vector.shape_cast %reduce_sum3A_1713 : vector<128xf32> to vector<128x1xf32>
    %div3A_1715 = arith.constant 1.000000e+00 : f32
    %div3A_1716 = vector.broadcast %div3A_1715 : f32 to vector<128x1xf32>
    %div3A_1717 = arith.divf %div3A_1716, %broadcast_in_dim3A_1714 : vector<128x1xf32>
    %convert_element_type3A_1718 = arith.truncf %exp3A_1711 : vector<128x128xf32> to vector<128x128xbf16>
    %slice3A_1719 = vector.extract_strided_slice %convert_element_type3A_1285 {offsets = [128, 384], sizes = [128, 64], strides = [1, 1]} : vector<512x768xbf16> to vector<128x64xbf16>
    %dot_general3A_1720 = arith.constant dense<0.000000e+00> : vector<128x64xf32>
    %dot_general3A_1721 = tpu.matmul %convert_element_type3A_1718, %slice3A_1719, %dot_general3A_1720 {dimension_numbers = #tpu.dot_dimension_numbers<[1], [0], [0], [1], [0, 0, 1, 1], [], []>, transpose_lhs_hint = false} : vector<128x128xbf16>, vector<128x64xbf16>, vector<128x64xf32> -> vector<128x64xf32>
    %mul3A_1722 = vector.broadcast %div3A_1717 : vector<128x1xf32> to vector<128x64xf32>
    %mul3A_1723 = arith.mulf %dot_general3A_1721, %mul3A_1722 : vector<128x64xf32>
    %slice3A_1724 = vector.extract_strided_slice %convert_element_type3A_1269 {offsets = [128, 448], sizes = [128, 64], strides = [1, 1]} : vector<512x768xbf16> to vector<128x64xbf16>
    %slice3A_1725 = vector.extract_strided_slice %convert_element_type3A_1277 {offsets = [448, 128], sizes = [64, 128], strides = [1, 1]} : vector<768x512xbf16> to vector<64x128xbf16>
    %dot_general3A_1726 = arith.constant dense<0.000000e+00> : vector<128x128xf32>
    %dot_general3A_1727 = tpu.matmul %slice3A_1724, %slice3A_1725, %dot_general3A_1726 {dimension_numbers = #tpu.dot_dimension_numbers<[1], [0], [0], [1], [0, 0, 1, 1], [], []>, transpose_lhs_hint = false} : vector<128x64xbf16>, vector<64x128xbf16>, vector<128x128xf32> -> vector<128x128xf32>
    %jit3A_1728 = arith.constant -6.000000e+01 : f32
    %jit3A_1729 = arith.constant 6.000000e+01 : f32
    %max3A_1730 = vector.broadcast %jit3A_1728 : f32 to vector<128x128xf32>
    %max3A_1731 = arith.maximumf %max3A_1730, %dot_general3A_1727 : vector<128x128xf32>
    %min3A_1732 = vector.broadcast %jit3A_1729 : f32 to vector<128x128xf32>
    %min3A_1733 = arith.minimumf %min3A_1732, %max3A_1731 : vector<128x128xf32>
    %exp3A_1734 = math.exp %min3A_1733 : vector<128x128xf32>
    %reduce_sum3A_1735 = arith.constant dense<0.000000e+00> : vector<128xf32>
    %reduce_sum3A_1736 = vector.multi_reduction <add>, %exp3A_1734, %reduce_sum3A_1735 [1] : vector<128x128xf32> to vector<128xf32>
    %broadcast_in_dim3A_1737 = vector.shape_cast %reduce_sum3A_1736 : vector<128xf32> to vector<128x1xf32>
    %div3A_1738 = arith.constant 1.000000e+00 : f32
    %div3A_1739 = vector.broadcast %div3A_1738 : f32 to vector<128x1xf32>
    %div3A_1740 = arith.divf %div3A_1739, %broadcast_in_dim3A_1737 : vector<128x1xf32>
    %convert_element_type3A_1741 = arith.truncf %exp3A_1734 : vector<128x128xf32> to vector<128x128xbf16>
    %slice3A_1742 = vector.extract_strided_slice %convert_element_type3A_1285 {offsets = [128, 448], sizes = [128, 64], strides = [1, 1]} : vector<512x768xbf16> to vector<128x64xbf16>
    %dot_general3A_1743 = arith.constant dense<0.000000e+00> : vector<128x64xf32>
    %dot_general3A_1744 = tpu.matmul %convert_element_type3A_1741, %slice3A_1742, %dot_general3A_1743 {dimension_numbers = #tpu.dot_dimension_numbers<[1], [0], [0], [1], [0, 0, 1, 1], [], []>, transpose_lhs_hint = false} : vector<128x128xbf16>, vector<128x64xbf16>, vector<128x64xf32> -> vector<128x64xf32>
    %mul3A_1745 = vector.broadcast %div3A_1740 : vector<128x1xf32> to vector<128x64xf32>
    %mul3A_1746 = arith.mulf %dot_general3A_1744, %mul3A_1745 : vector<128x64xf32>
    %slice3A_1747 = vector.extract_strided_slice %convert_element_type3A_1269 {offsets = [128, 512], sizes = [128, 64], strides = [1, 1]} : vector<512x768xbf16> to vector<128x64xbf16>
    %slice3A_1748 = vector.extract_strided_slice %convert_element_type3A_1277 {offsets = [512, 128], sizes = [64, 128], strides = [1, 1]} : vector<768x512xbf16> to vector<64x128xbf16>
    %dot_general3A_1749 = arith.constant dense<0.000000e+00> : vector<128x128xf32>
    %dot_general3A_1750 = tpu.matmul %slice3A_1747, %slice3A_1748, %dot_general3A_1749 {dimension_numbers = #tpu.dot_dimension_numbers<[1], [0], [0], [1], [0, 0, 1, 1], [], []>, transpose_lhs_hint = false} : vector<128x64xbf16>, vector<64x128xbf16>, vector<128x128xf32> -> vector<128x128xf32>
    %jit3A_1751 = arith.constant -6.000000e+01 : f32
    %jit3A_1752 = arith.constant 6.000000e+01 : f32
    %max3A_1753 = vector.broadcast %jit3A_1751 : f32 to vector<128x128xf32>
    %max3A_1754 = arith.maximumf %max3A_1753, %dot_general3A_1750 : vector<128x128xf32>
    %min3A_1755 = vector.broadcast %jit3A_1752 : f32 to vector<128x128xf32>
    %min3A_1756 = arith.minimumf %min3A_1755, %max3A_1754 : vector<128x128xf32>
    %exp3A_1757 = math.exp %min3A_1756 : vector<128x128xf32>
    %reduce_sum3A_1758 = arith.constant dense<0.000000e+00> : vector<128xf32>
    %reduce_sum3A_1759 = vector.multi_reduction <add>, %exp3A_1757, %reduce_sum3A_1758 [1] : vector<128x128xf32> to vector<128xf32>
    %broadcast_in_dim3A_1760 = vector.shape_cast %reduce_sum3A_1759 : vector<128xf32> to vector<128x1xf32>
    %div3A_1761 = arith.constant 1.000000e+00 : f32
    %div3A_1762 = vector.broadcast %div3A_1761 : f32 to vector<128x1xf32>
    %div3A_1763 = arith.divf %div3A_1762, %broadcast_in_dim3A_1760 : vector<128x1xf32>
    %convert_element_type3A_1764 = arith.truncf %exp3A_1757 : vector<128x128xf32> to vector<128x128xbf16>
    %slice3A_1765 = vector.extract_strided_slice %convert_element_type3A_1285 {offsets = [128, 512], sizes = [128, 64], strides = [1, 1]} : vector<512x768xbf16> to vector<128x64xbf16>
    %dot_general3A_1766 = arith.constant dense<0.000000e+00> : vector<128x64xf32>
    %dot_general3A_1767 = tpu.matmul %convert_element_type3A_1764, %slice3A_1765, %dot_general3A_1766 {dimension_numbers = #tpu.dot_dimension_numbers<[1], [0], [0], [1], [0, 0, 1, 1], [], []>, transpose_lhs_hint = false} : vector<128x128xbf16>, vector<128x64xbf16>, vector<128x64xf32> -> vector<128x64xf32>
    %mul3A_1768 = vector.broadcast %div3A_1763 : vector<128x1xf32> to vector<128x64xf32>
    %mul3A_1769 = arith.mulf %dot_general3A_1767, %mul3A_1768 : vector<128x64xf32>
    %slice3A_1770 = vector.extract_strided_slice %convert_element_type3A_1269 {offsets = [128, 576], sizes = [128, 64], strides = [1, 1]} : vector<512x768xbf16> to vector<128x64xbf16>
    %slice3A_1771 = vector.extract_strided_slice %convert_element_type3A_1277 {offsets = [576, 128], sizes = [64, 128], strides = [1, 1]} : vector<768x512xbf16> to vector<64x128xbf16>
    %dot_general3A_1772 = arith.constant dense<0.000000e+00> : vector<128x128xf32>
    %dot_general3A_1773 = tpu.matmul %slice3A_1770, %slice3A_1771, %dot_general3A_1772 {dimension_numbers = #tpu.dot_dimension_numbers<[1], [0], [0], [1], [0, 0, 1, 1], [], []>, transpose_lhs_hint = false} : vector<128x64xbf16>, vector<64x128xbf16>, vector<128x128xf32> -> vector<128x128xf32>
    %jit3A_1774 = arith.constant -6.000000e+01 : f32
    %jit3A_1775 = arith.constant 6.000000e+01 : f32
    %max3A_1776 = vector.broadcast %jit3A_1774 : f32 to vector<128x128xf32>
    %max3A_1777 = arith.maximumf %max3A_1776, %dot_general3A_1773 : vector<128x128xf32>
    %min3A_1778 = vector.broadcast %jit3A_1775 : f32 to vector<128x128xf32>
    %min3A_1779 = arith.minimumf %min3A_1778, %max3A_1777 : vector<128x128xf32>
    %exp3A_1780 = math.exp %min3A_1779 : vector<128x128xf32>
    %reduce_sum3A_1781 = arith.constant dense<0.000000e+00> : vector<128xf32>
    %reduce_sum3A_1782 = vector.multi_reduction <add>, %exp3A_1780, %reduce_sum3A_1781 [1] : vector<128x128xf32> to vector<128xf32>
    %broadcast_in_dim3A_1783 = vector.shape_cast %reduce_sum3A_1782 : vector<128xf32> to vector<128x1xf32>
    %div3A_1784 = arith.constant 1.000000e+00 : f32
    %div3A_1785 = vector.broadcast %div3A_1784 : f32 to vector<128x1xf32>
    %div3A_1786 = arith.divf %div3A_1785, %broadcast_in_dim3A_1783 : vector<128x1xf32>
    %convert_element_type3A_1787 = arith.truncf %exp3A_1780 : vector<128x128xf32> to vector<128x128xbf16>
    %slice3A_1788 = vector.extract_strided_slice %convert_element_type3A_1285 {offsets = [128, 576], sizes = [128, 64], strides = [1, 1]} : vector<512x768xbf16> to vector<128x64xbf16>
    %dot_general3A_1789 = arith.constant dense<0.000000e+00> : vector<128x64xf32>
    %dot_general3A_1790 = tpu.matmul %convert_element_type3A_1787, %slice3A_1788, %dot_general3A_1789 {dimension_numbers = #tpu.dot_dimension_numbers<[1], [0], [0], [1], [0, 0, 1, 1], [], []>, transpose_lhs_hint = false} : vector<128x128xbf16>, vector<128x64xbf16>, vector<128x64xf32> -> vector<128x64xf32>
    %mul3A_1791 = vector.broadcast %div3A_1786 : vector<128x1xf32> to vector<128x64xf32>
    %mul3A_1792 = arith.mulf %dot_general3A_1790, %mul3A_1791 : vector<128x64xf32>
    %slice3A_1793 = vector.extract_strided_slice %convert_element_type3A_1269 {offsets = [128, 640], sizes = [128, 64], strides = [1, 1]} : vector<512x768xbf16> to vector<128x64xbf16>
    %slice3A_1794 = vector.extract_strided_slice %convert_element_type3A_1277 {offsets = [640, 128], sizes = [64, 128], strides = [1, 1]} : vector<768x512xbf16> to vector<64x128xbf16>
    %dot_general3A_1795 = arith.constant dense<0.000000e+00> : vector<128x128xf32>
    %dot_general3A_1796 = tpu.matmul %slice3A_1793, %slice3A_1794, %dot_general3A_1795 {dimension_numbers = #tpu.dot_dimension_numbers<[1], [0], [0], [1], [0, 0, 1, 1], [], []>, transpose_lhs_hint = false} : vector<128x64xbf16>, vector<64x128xbf16>, vector<128x128xf32> -> vector<128x128xf32>
    %jit3A_1797 = arith.constant -6.000000e+01 : f32
    %jit3A_1798 = arith.constant 6.000000e+01 : f32
    %max3A_1799 = vector.broadcast %jit3A_1797 : f32 to vector<128x128xf32>
    %max3A_1800 = arith.maximumf %max3A_1799, %dot_general3A_1796 : vector<128x128xf32>
    %min3A_1801 = vector.broadcast %jit3A_1798 : f32 to vector<128x128xf32>
    %min3A_1802 = arith.minimumf %min3A_1801, %max3A_1800 : vector<128x128xf32>
    %exp3A_1803 = math.exp %min3A_1802 : vector<128x128xf32>
    %reduce_sum3A_1804 = arith.constant dense<0.000000e+00> : vector<128xf32>
    %reduce_sum3A_1805 = vector.multi_reduction <add>, %exp3A_1803, %reduce_sum3A_1804 [1] : vector<128x128xf32> to vector<128xf32>
    %broadcast_in_dim3A_1806 = vector.shape_cast %reduce_sum3A_1805 : vector<128xf32> to vector<128x1xf32>
    %div3A_1807 = arith.constant 1.000000e+00 : f32
    %div3A_1808 = vector.broadcast %div3A_1807 : f32 to vector<128x1xf32>
    %div3A_1809 = arith.divf %div3A_1808, %broadcast_in_dim3A_1806 : vector<128x1xf32>
    %convert_element_type3A_1810 = arith.truncf %exp3A_1803 : vector<128x128xf32> to vector<128x128xbf16>
    %slice3A_1811 = vector.extract_strided_slice %convert_element_type3A_1285 {offsets = [128, 640], sizes = [128, 64], strides = [1, 1]} : vector<512x768xbf16> to vector<128x64xbf16>
    %dot_general3A_1812 = arith.constant dense<0.000000e+00> : vector<128x64xf32>
    %dot_general3A_1813 = tpu.matmul %convert_element_type3A_1810, %slice3A_1811, %dot_general3A_1812 {dimension_numbers = #tpu.dot_dimension_numbers<[1], [0], [0], [1], [0, 0, 1, 1], [], []>, transpose_lhs_hint = false} : vector<128x128xbf16>, vector<128x64xbf16>, vector<128x64xf32> -> vector<128x64xf32>
    %mul3A_1814 = vector.broadcast %div3A_1809 : vector<128x1xf32> to vector<128x64xf32>
    %mul3A_1815 = arith.mulf %dot_general3A_1813, %mul3A_1814 : vector<128x64xf32>
    %slice3A_1816 = vector.extract_strided_slice %convert_element_type3A_1269 {offsets = [128, 704], sizes = [128, 64], strides = [1, 1]} : vector<512x768xbf16> to vector<128x64xbf16>
    %slice3A_1817 = vector.extract_strided_slice %convert_element_type3A_1277 {offsets = [704, 128], sizes = [64, 128], strides = [1, 1]} : vector<768x512xbf16> to vector<64x128xbf16>
    %dot_general3A_1818 = arith.constant dense<0.000000e+00> : vector<128x128xf32>
    %dot_general3A_1819 = tpu.matmul %slice3A_1816, %slice3A_1817, %dot_general3A_1818 {dimension_numbers = #tpu.dot_dimension_numbers<[1], [0], [0], [1], [0, 0, 1, 1], [], []>, transpose_lhs_hint = false} : vector<128x64xbf16>, vector<64x128xbf16>, vector<128x128xf32> -> vector<128x128xf32>
    %jit3A_1820 = arith.constant -6.000000e+01 : f32
    %jit3A_1821 = arith.constant 6.000000e+01 : f32
    %max3A_1822 = vector.broadcast %jit3A_1820 : f32 to vector<128x128xf32>
    %max3A_1823 = arith.maximumf %max3A_1822, %dot_general3A_1819 : vector<128x128xf32>
    %min3A_1824 = vector.broadcast %jit3A_1821 : f32 to vector<128x128xf32>
    %min3A_1825 = arith.minimumf %min3A_1824, %max3A_1823 : vector<128x128xf32>
    %exp3A_1826 = math.exp %min3A_1825 : vector<128x128xf32>
    %reduce_sum3A_1827 = arith.constant dense<0.000000e+00> : vector<128xf32>
    %reduce_sum3A_1828 = vector.multi_reduction <add>, %exp3A_1826, %reduce_sum3A_1827 [1] : vector<128x128xf32> to vector<128xf32>
    %broadcast_in_dim3A_1829 = vector.shape_cast %reduce_sum3A_1828 : vector<128xf32> to vector<128x1xf32>
    %div3A_1830 = arith.constant 1.000000e+00 : f32
    %div3A_1831 = vector.broadcast %div3A_1830 : f32 to vector<128x1xf32>
    %div3A_1832 = arith.divf %div3A_1831, %broadcast_in_dim3A_1829 : vector<128x1xf32>
    %convert_element_type3A_1833 = arith.truncf %exp3A_1826 : vector<128x128xf32> to vector<128x128xbf16>
    %slice3A_1834 = vector.extract_strided_slice %convert_element_type3A_1285 {offsets = [128, 704], sizes = [128, 64], strides = [1, 1]} : vector<512x768xbf16> to vector<128x64xbf16>
    %dot_general3A_1835 = arith.constant dense<0.000000e+00> : vector<128x64xf32>
    %dot_general3A_1836 = tpu.matmul %convert_element_type3A_1833, %slice3A_1834, %dot_general3A_1835 {dimension_numbers = #tpu.dot_dimension_numbers<[1], [0], [0], [1], [0, 0, 1, 1], [], []>, transpose_lhs_hint = false} : vector<128x128xbf16>, vector<128x64xbf16>, vector<128x64xf32> -> vector<128x64xf32>
    %mul3A_1837 = vector.broadcast %div3A_1832 : vector<128x1xf32> to vector<128x64xf32>
    %mul3A_1838 = arith.mulf %dot_general3A_1836, %mul3A_1837 : vector<128x64xf32>
    %concatenate3A_1839 = tpu.concatenate %mul3A_1585, %mul3A_1608, %mul3A_1631, %mul3A_1654, %mul3A_1677, %mul3A_1700, %mul3A_1723, %mul3A_1746, %mul3A_1769, %mul3A_1792, %mul3A_1815, %mul3A_1838 in 1 : vector<128x64xf32>, vector<128x64xf32>, vector<128x64xf32>, vector<128x64xf32>, vector<128x64xf32>, vector<128x64xf32>, vector<128x64xf32>, vector<128x64xf32>, vector<128x64xf32>, vector<128x64xf32>, vector<128x64xf32>, vector<128x64xf32> -> vector<128x768xf32>
    %slice3A_1840 = vector.extract_strided_slice %convert_element_type3A_1269 {offsets = [256, 0], sizes = [128, 64], strides = [1, 1]} : vector<512x768xbf16> to vector<128x64xbf16>
    %slice3A_1841 = vector.extract_strided_slice %convert_element_type3A_1277 {offsets = [0, 256], sizes = [64, 128], strides = [1, 1]} : vector<768x512xbf16> to vector<64x128xbf16>
    %dot_general3A_1842 = arith.constant dense<0.000000e+00> : vector<128x128xf32>
    %dot_general3A_1843 = tpu.matmul %slice3A_1840, %slice3A_1841, %dot_general3A_1842 {dimension_numbers = #tpu.dot_dimension_numbers<[1], [0], [0], [1], [0, 0, 1, 1], [], []>, transpose_lhs_hint = false} : vector<128x64xbf16>, vector<64x128xbf16>, vector<128x128xf32> -> vector<128x128xf32>
    %jit3A_1844 = arith.constant -6.000000e+01 : f32
    %jit3A_1845 = arith.constant 6.000000e+01 : f32
    %max3A_1846 = vector.broadcast %jit3A_1844 : f32 to vector<128x128xf32>
    %max3A_1847 = arith.maximumf %max3A_1846, %dot_general3A_1843 : vector<128x128xf32>
    %min3A_1848 = vector.broadcast %jit3A_1845 : f32 to vector<128x128xf32>
    %min3A_1849 = arith.minimumf %min3A_1848, %max3A_1847 : vector<128x128xf32>
    %exp3A_1850 = math.exp %min3A_1849 : vector<128x128xf32>
    %reduce_sum3A_1851 = arith.constant dense<0.000000e+00> : vector<128xf32>
    %reduce_sum3A_1852 = vector.multi_reduction <add>, %exp3A_1850, %reduce_sum3A_1851 [1] : vector<128x128xf32> to vector<128xf32>
    %broadcast_in_dim3A_1853 = vector.shape_cast %reduce_sum3A_1852 : vector<128xf32> to vector<128x1xf32>
    %div3A_1854 = arith.constant 1.000000e+00 : f32
    %div3A_1855 = vector.broadcast %div3A_1854 : f32 to vector<128x1xf32>
    %div3A_1856 = arith.divf %div3A_1855, %broadcast_in_dim3A_1853 : vector<128x1xf32>
    %convert_element_type3A_1857 = arith.truncf %exp3A_1850 : vector<128x128xf32> to vector<128x128xbf16>
    %slice3A_1858 = vector.extract_strided_slice %convert_element_type3A_1285 {offsets = [256, 0], sizes = [128, 64], strides = [1, 1]} : vector<512x768xbf16> to vector<128x64xbf16>
    %dot_general3A_1859 = arith.constant dense<0.000000e+00> : vector<128x64xf32>
    %dot_general3A_1860 = tpu.matmul %convert_element_type3A_1857, %slice3A_1858, %dot_general3A_1859 {dimension_numbers = #tpu.dot_dimension_numbers<[1], [0], [0], [1], [0, 0, 1, 1], [], []>, transpose_lhs_hint = false} : vector<128x128xbf16>, vector<128x64xbf16>, vector<128x64xf32> -> vector<128x64xf32>
    %mul3A_1861 = vector.broadcast %div3A_1856 : vector<128x1xf32> to vector<128x64xf32>
    %mul3A_1862 = arith.mulf %dot_general3A_1860, %mul3A_1861 : vector<128x64xf32>
    %slice3A_1863 = vector.extract_strided_slice %convert_element_type3A_1269 {offsets = [256, 64], sizes = [128, 64], strides = [1, 1]} : vector<512x768xbf16> to vector<128x64xbf16>
    %slice3A_1864 = vector.extract_strided_slice %convert_element_type3A_1277 {offsets = [64, 256], sizes = [64, 128], strides = [1, 1]} : vector<768x512xbf16> to vector<64x128xbf16>
    %dot_general3A_1865 = arith.constant dense<0.000000e+00> : vector<128x128xf32>
    %dot_general3A_1866 = tpu.matmul %slice3A_1863, %slice3A_1864, %dot_general3A_1865 {dimension_numbers = #tpu.dot_dimension_numbers<[1], [0], [0], [1], [0, 0, 1, 1], [], []>, transpose_lhs_hint = false} : vector<128x64xbf16>, vector<64x128xbf16>, vector<128x128xf32> -> vector<128x128xf32>
    %jit3A_1867 = arith.constant -6.000000e+01 : f32
    %jit3A_1868 = arith.constant 6.000000e+01 : f32
    %max3A_1869 = vector.broadcast %jit3A_1867 : f32 to vector<128x128xf32>
    %max3A_1870 = arith.maximumf %max3A_1869, %dot_general3A_1866 : vector<128x128xf32>
    %min3A_1871 = vector.broadcast %jit3A_1868 : f32 to vector<128x128xf32>
    %min3A_1872 = arith.minimumf %min3A_1871, %max3A_1870 : vector<128x128xf32>
    %exp3A_1873 = math.exp %min3A_1872 : vector<128x128xf32>
    %reduce_sum3A_1874 = arith.constant dense<0.000000e+00> : vector<128xf32>
    %reduce_sum3A_1875 = vector.multi_reduction <add>, %exp3A_1873, %reduce_sum3A_1874 [1] : vector<128x128xf32> to vector<128xf32>
    %broadcast_in_dim3A_1876 = vector.shape_cast %reduce_sum3A_1875 : vector<128xf32> to vector<128x1xf32>
    %div3A_1877 = arith.constant 1.000000e+00 : f32
    %div3A_1878 = vector.broadcast %div3A_1877 : f32 to vector<128x1xf32>
    %div3A_1879 = arith.divf %div3A_1878, %broadcast_in_dim3A_1876 : vector<128x1xf32>
    %convert_element_type3A_1880 = arith.truncf %exp3A_1873 : vector<128x128xf32> to vector<128x128xbf16>
    %slice3A_1881 = vector.extract_strided_slice %convert_element_type3A_1285 {offsets = [256, 64], sizes = [128, 64], strides = [1, 1]} : vector<512x768xbf16> to vector<128x64xbf16>
    %dot_general3A_1882 = arith.constant dense<0.000000e+00> : vector<128x64xf32>
    %dot_general3A_1883 = tpu.matmul %convert_element_type3A_1880, %slice3A_1881, %dot_general3A_1882 {dimension_numbers = #tpu.dot_dimension_numbers<[1], [0], [0], [1], [0, 0, 1, 1], [], []>, transpose_lhs_hint = false} : vector<128x128xbf16>, vector<128x64xbf16>, vector<128x64xf32> -> vector<128x64xf32>
    %mul3A_1884 = vector.broadcast %div3A_1879 : vector<128x1xf32> to vector<128x64xf32>
    %mul3A_1885 = arith.mulf %dot_general3A_1883, %mul3A_1884 : vector<128x64xf32>
    %slice3A_1886 = vector.extract_strided_slice %convert_element_type3A_1269 {offsets = [256, 128], sizes = [128, 64], strides = [1, 1]} : vector<512x768xbf16> to vector<128x64xbf16>
    %slice3A_1887 = vector.extract_strided_slice %convert_element_type3A_1277 {offsets = [128, 256], sizes = [64, 128], strides = [1, 1]} : vector<768x512xbf16> to vector<64x128xbf16>
    %dot_general3A_1888 = arith.constant dense<0.000000e+00> : vector<128x128xf32>
    %dot_general3A_1889 = tpu.matmul %slice3A_1886, %slice3A_1887, %dot_general3A_1888 {dimension_numbers = #tpu.dot_dimension_numbers<[1], [0], [0], [1], [0, 0, 1, 1], [], []>, transpose_lhs_hint = false} : vector<128x64xbf16>, vector<64x128xbf16>, vector<128x128xf32> -> vector<128x128xf32>
    %jit3A_1890 = arith.constant -6.000000e+01 : f32
    %jit3A_1891 = arith.constant 6.000000e+01 : f32
    %max3A_1892 = vector.broadcast %jit3A_1890 : f32 to vector<128x128xf32>
    %max3A_1893 = arith.maximumf %max3A_1892, %dot_general3A_1889 : vector<128x128xf32>
    %min3A_1894 = vector.broadcast %jit3A_1891 : f32 to vector<128x128xf32>
    %min3A_1895 = arith.minimumf %min3A_1894, %max3A_1893 : vector<128x128xf32>
    %exp3A_1896 = math.exp %min3A_1895 : vector<128x128xf32>
    %reduce_sum3A_1897 = arith.constant dense<0.000000e+00> : vector<128xf32>
    %reduce_sum3A_1898 = vector.multi_reduction <add>, %exp3A_1896, %reduce_sum3A_1897 [1] : vector<128x128xf32> to vector<128xf32>
    %broadcast_in_dim3A_1899 = vector.shape_cast %reduce_sum3A_1898 : vector<128xf32> to vector<128x1xf32>
    %div3A_1900 = arith.constant 1.000000e+00 : f32
    %div3A_1901 = vector.broadcast %div3A_1900 : f32 to vector<128x1xf32>
    %div3A_1902 = arith.divf %div3A_1901, %broadcast_in_dim3A_1899 : vector<128x1xf32>
    %convert_element_type3A_1903 = arith.truncf %exp3A_1896 : vector<128x128xf32> to vector<128x128xbf16>
    %slice3A_1904 = vector.extract_strided_slice %convert_element_type3A_1285 {offsets = [256, 128], sizes = [128, 64], strides = [1, 1]} : vector<512x768xbf16> to vector<128x64xbf16>
    %dot_general3A_1905 = arith.constant dense<0.000000e+00> : vector<128x64xf32>
    %dot_general3A_1906 = tpu.matmul %convert_element_type3A_1903, %slice3A_1904, %dot_general3A_1905 {dimension_numbers = #tpu.dot_dimension_numbers<[1], [0], [0], [1], [0, 0, 1, 1], [], []>, transpose_lhs_hint = false} : vector<128x128xbf16>, vector<128x64xbf16>, vector<128x64xf32> -> vector<128x64xf32>
    %mul3A_1907 = vector.broadcast %div3A_1902 : vector<128x1xf32> to vector<128x64xf32>
    %mul3A_1908 = arith.mulf %dot_general3A_1906, %mul3A_1907 : vector<128x64xf32>
    %slice3A_1909 = vector.extract_strided_slice %convert_element_type3A_1269 {offsets = [256, 192], sizes = [128, 64], strides = [1, 1]} : vector<512x768xbf16> to vector<128x64xbf16>
    %slice3A_1910 = vector.extract_strided_slice %convert_element_type3A_1277 {offsets = [192, 256], sizes = [64, 128], strides = [1, 1]} : vector<768x512xbf16> to vector<64x128xbf16>
    %dot_general3A_1911 = arith.constant dense<0.000000e+00> : vector<128x128xf32>
    %dot_general3A_1912 = tpu.matmul %slice3A_1909, %slice3A_1910, %dot_general3A_1911 {dimension_numbers = #tpu.dot_dimension_numbers<[1], [0], [0], [1], [0, 0, 1, 1], [], []>, transpose_lhs_hint = false} : vector<128x64xbf16>, vector<64x128xbf16>, vector<128x128xf32> -> vector<128x128xf32>
    %jit3A_1913 = arith.constant -6.000000e+01 : f32
    %jit3A_1914 = arith.constant 6.000000e+01 : f32
    %max3A_1915 = vector.broadcast %jit3A_1913 : f32 to vector<128x128xf32>
    %max3A_1916 = arith.maximumf %max3A_1915, %dot_general3A_1912 : vector<128x128xf32>
    %min3A_1917 = vector.broadcast %jit3A_1914 : f32 to vector<128x128xf32>
    %min3A_1918 = arith.minimumf %min3A_1917, %max3A_1916 : vector<128x128xf32>
    %exp3A_1919 = math.exp %min3A_1918 : vector<128x128xf32>
    %reduce_sum3A_1920 = arith.constant dense<0.000000e+00> : vector<128xf32>
    %reduce_sum3A_1921 = vector.multi_reduction <add>, %exp3A_1919, %reduce_sum3A_1920 [1] : vector<128x128xf32> to vector<128xf32>
    %broadcast_in_dim3A_1922 = vector.shape_cast %reduce_sum3A_1921 : vector<128xf32> to vector<128x1xf32>
    %div3A_1923 = arith.constant 1.000000e+00 : f32
    %div3A_1924 = vector.broadcast %div3A_1923 : f32 to vector<128x1xf32>
    %div3A_1925 = arith.divf %div3A_1924, %broadcast_in_dim3A_1922 : vector<128x1xf32>
    %convert_element_type3A_1926 = arith.truncf %exp3A_1919 : vector<128x128xf32> to vector<128x128xbf16>
    %slice3A_1927 = vector.extract_strided_slice %convert_element_type3A_1285 {offsets = [256, 192], sizes = [128, 64], strides = [1, 1]} : vector<512x768xbf16> to vector<128x64xbf16>
    %dot_general3A_1928 = arith.constant dense<0.000000e+00> : vector<128x64xf32>
    %dot_general3A_1929 = tpu.matmul %convert_element_type3A_1926, %slice3A_1927, %dot_general3A_1928 {dimension_numbers = #tpu.dot_dimension_numbers<[1], [0], [0], [1], [0, 0, 1, 1], [], []>, transpose_lhs_hint = false} : vector<128x128xbf16>, vector<128x64xbf16>, vector<128x64xf32> -> vector<128x64xf32>
    %mul3A_1930 = vector.broadcast %div3A_1925 : vector<128x1xf32> to vector<128x64xf32>
    %mul3A_1931 = arith.mulf %dot_general3A_1929, %mul3A_1930 : vector<128x64xf32>
    %slice3A_1932 = vector.extract_strided_slice %convert_element_type3A_1269 {offsets = [256, 256], sizes = [128, 64], strides = [1, 1]} : vector<512x768xbf16> to vector<128x64xbf16>
    %slice3A_1933 = vector.extract_strided_slice %convert_element_type3A_1277 {offsets = [256, 256], sizes = [64, 128], strides = [1, 1]} : vector<768x512xbf16> to vector<64x128xbf16>
    %dot_general3A_1934 = arith.constant dense<0.000000e+00> : vector<128x128xf32>
    %dot_general3A_1935 = tpu.matmul %slice3A_1932, %slice3A_1933, %dot_general3A_1934 {dimension_numbers = #tpu.dot_dimension_numbers<[1], [0], [0], [1], [0, 0, 1, 1], [], []>, transpose_lhs_hint = false} : vector<128x64xbf16>, vector<64x128xbf16>, vector<128x128xf32> -> vector<128x128xf32>
    %jit3A_1936 = arith.constant -6.000000e+01 : f32
    %jit3A_1937 = arith.constant 6.000000e+01 : f32
    %max3A_1938 = vector.broadcast %jit3A_1936 : f32 to vector<128x128xf32>
    %max3A_1939 = arith.maximumf %max3A_1938, %dot_general3A_1935 : vector<128x128xf32>
    %min3A_1940 = vector.broadcast %jit3A_1937 : f32 to vector<128x128xf32>
    %min3A_1941 = arith.minimumf %min3A_1940, %max3A_1939 : vector<128x128xf32>
    %exp3A_1942 = math.exp %min3A_1941 : vector<128x128xf32>
    %reduce_sum3A_1943 = arith.constant dense<0.000000e+00> : vector<128xf32>
    %reduce_sum3A_1944 = vector.multi_reduction <add>, %exp3A_1942, %reduce_sum3A_1943 [1] : vector<128x128xf32> to vector<128xf32>
    %broadcast_in_dim3A_1945 = vector.shape_cast %reduce_sum3A_1944 : vector<128xf32> to vector<128x1xf32>
    %div3A_1946 = arith.constant 1.000000e+00 : f32
    %div3A_1947 = vector.broadcast %div3A_1946 : f32 to vector<128x1xf32>
    %div3A_1948 = arith.divf %div3A_1947, %broadcast_in_dim3A_1945 : vector<128x1xf32>
    %convert_element_type3A_1949 = arith.truncf %exp3A_1942 : vector<128x128xf32> to vector<128x128xbf16>
    %slice3A_1950 = vector.extract_strided_slice %convert_element_type3A_1285 {offsets = [256, 256], sizes = [128, 64], strides = [1, 1]} : vector<512x768xbf16> to vector<128x64xbf16>
    %dot_general3A_1951 = arith.constant dense<0.000000e+00> : vector<128x64xf32>
    %dot_general3A_1952 = tpu.matmul %convert_element_type3A_1949, %slice3A_1950, %dot_general3A_1951 {dimension_numbers = #tpu.dot_dimension_numbers<[1], [0], [0], [1], [0, 0, 1, 1], [], []>, transpose_lhs_hint = false} : vector<128x128xbf16>, vector<128x64xbf16>, vector<128x64xf32> -> vector<128x64xf32>
    %mul3A_1953 = vector.broadcast %div3A_1948 : vector<128x1xf32> to vector<128x64xf32>
    %mul3A_1954 = arith.mulf %dot_general3A_1952, %mul3A_1953 : vector<128x64xf32>
    %slice3A_1955 = vector.extract_strided_slice %convert_element_type3A_1269 {offsets = [256, 320], sizes = [128, 64], strides = [1, 1]} : vector<512x768xbf16> to vector<128x64xbf16>
    %slice3A_1956 = vector.extract_strided_slice %convert_element_type3A_1277 {offsets = [320, 256], sizes = [64, 128], strides = [1, 1]} : vector<768x512xbf16> to vector<64x128xbf16>
    %dot_general3A_1957 = arith.constant dense<0.000000e+00> : vector<128x128xf32>
    %dot_general3A_1958 = tpu.matmul %slice3A_1955, %slice3A_1956, %dot_general3A_1957 {dimension_numbers = #tpu.dot_dimension_numbers<[1], [0], [0], [1], [0, 0, 1, 1], [], []>, transpose_lhs_hint = false} : vector<128x64xbf16>, vector<64x128xbf16>, vector<128x128xf32> -> vector<128x128xf32>
    %jit3A_1959 = arith.constant -6.000000e+01 : f32
    %jit3A_1960 = arith.constant 6.000000e+01 : f32
    %max3A_1961 = vector.broadcast %jit3A_1959 : f32 to vector<128x128xf32>
    %max3A_1962 = arith.maximumf %max3A_1961, %dot_general3A_1958 : vector<128x128xf32>
    %min3A_1963 = vector.broadcast %jit3A_1960 : f32 to vector<128x128xf32>
    %min3A_1964 = arith.minimumf %min3A_1963, %max3A_1962 : vector<128x128xf32>
    %exp3A_1965 = math.exp %min3A_1964 : vector<128x128xf32>
    %reduce_sum3A_1966 = arith.constant dense<0.000000e+00> : vector<128xf32>
    %reduce_sum3A_1967 = vector.multi_reduction <add>, %exp3A_1965, %reduce_sum3A_1966 [1] : vector<128x128xf32> to vector<128xf32>
    %broadcast_in_dim3A_1968 = vector.shape_cast %reduce_sum3A_1967 : vector<128xf32> to vector<128x1xf32>
    %div3A_1969 = arith.constant 1.000000e+00 : f32
    %div3A_1970 = vector.broadcast %div3A_1969 : f32 to vector<128x1xf32>
    %div3A_1971 = arith.divf %div3A_1970, %broadcast_in_dim3A_1968 : vector<128x1xf32>
    %convert_element_type3A_1972 = arith.truncf %exp3A_1965 : vector<128x128xf32> to vector<128x128xbf16>
    %slice3A_1973 = vector.extract_strided_slice %convert_element_type3A_1285 {offsets = [256, 320], sizes = [128, 64], strides = [1, 1]} : vector<512x768xbf16> to vector<128x64xbf16>
    %dot_general3A_1974 = arith.constant dense<0.000000e+00> : vector<128x64xf32>
    %dot_general3A_1975 = tpu.matmul %convert_element_type3A_1972, %slice3A_1973, %dot_general3A_1974 {dimension_numbers = #tpu.dot_dimension_numbers<[1], [0], [0], [1], [0, 0, 1, 1], [], []>, transpose_lhs_hint = false} : vector<128x128xbf16>, vector<128x64xbf16>, vector<128x64xf32> -> vector<128x64xf32>
    %mul3A_1976 = vector.broadcast %div3A_1971 : vector<128x1xf32> to vector<128x64xf32>
    %mul3A_1977 = arith.mulf %dot_general3A_1975, %mul3A_1976 : vector<128x64xf32>
    %slice3A_1978 = vector.extract_strided_slice %convert_element_type3A_1269 {offsets = [256, 384], sizes = [128, 64], strides = [1, 1]} : vector<512x768xbf16> to vector<128x64xbf16>
    %slice3A_1979 = vector.extract_strided_slice %convert_element_type3A_1277 {offsets = [384, 256], sizes = [64, 128], strides = [1, 1]} : vector<768x512xbf16> to vector<64x128xbf16>
    %dot_general3A_1980 = arith.constant dense<0.000000e+00> : vector<128x128xf32>
    %dot_general3A_1981 = tpu.matmul %slice3A_1978, %slice3A_1979, %dot_general3A_1980 {dimension_numbers = #tpu.dot_dimension_numbers<[1], [0], [0], [1], [0, 0, 1, 1], [], []>, transpose_lhs_hint = false} : vector<128x64xbf16>, vector<64x128xbf16>, vector<128x128xf32> -> vector<128x128xf32>
    %jit3A_1982 = arith.constant -6.000000e+01 : f32
    %jit3A_1983 = arith.constant 6.000000e+01 : f32
    %max3A_1984 = vector.broadcast %jit3A_1982 : f32 to vector<128x128xf32>
    %max3A_1985 = arith.maximumf %max3A_1984, %dot_general3A_1981 : vector<128x128xf32>
    %min3A_1986 = vector.broadcast %jit3A_1983 : f32 to vector<128x128xf32>
    %min3A_1987 = arith.minimumf %min3A_1986, %max3A_1985 : vector<128x128xf32>
    %exp3A_1988 = math.exp %min3A_1987 : vector<128x128xf32>
    %reduce_sum3A_1989 = arith.constant dense<0.000000e+00> : vector<128xf32>
    %reduce_sum3A_1990 = vector.multi_reduction <add>, %exp3A_1988, %reduce_sum3A_1989 [1] : vector<128x128xf32> to vector<128xf32>
    %broadcast_in_dim3A_1991 = vector.shape_cast %reduce_sum3A_1990 : vector<128xf32> to vector<128x1xf32>
    %div3A_1992 = arith.constant 1.000000e+00 : f32
    %div3A_1993 = vector.broadcast %div3A_1992 : f32 to vector<128x1xf32>
    %div3A_1994 = arith.divf %div3A_1993, %broadcast_in_dim3A_1991 : vector<128x1xf32>
    %convert_element_type3A_1995 = arith.truncf %exp3A_1988 : vector<128x128xf32> to vector<128x128xbf16>
    %slice3A_1996 = vector.extract_strided_slice %convert_element_type3A_1285 {offsets = [256, 384], sizes = [128, 64], strides = [1, 1]} : vector<512x768xbf16> to vector<128x64xbf16>
    %dot_general3A_1997 = arith.constant dense<0.000000e+00> : vector<128x64xf32>
    %dot_general3A_1998 = tpu.matmul %convert_element_type3A_1995, %slice3A_1996, %dot_general3A_1997 {dimension_numbers = #tpu.dot_dimension_numbers<[1], [0], [0], [1], [0, 0, 1, 1], [], []>, transpose_lhs_hint = false} : vector<128x128xbf16>, vector<128x64xbf16>, vector<128x64xf32> -> vector<128x64xf32>
    %mul3A_1999 = vector.broadcast %div3A_1994 : vector<128x1xf32> to vector<128x64xf32>
    %mul3A_2000 = arith.mulf %dot_general3A_1998, %mul3A_1999 : vector<128x64xf32>
    %slice3A_2001 = vector.extract_strided_slice %convert_element_type3A_1269 {offsets = [256, 448], sizes = [128, 64], strides = [1, 1]} : vector<512x768xbf16> to vector<128x64xbf16>
    %slice3A_2002 = vector.extract_strided_slice %convert_element_type3A_1277 {offsets = [448, 256], sizes = [64, 128], strides = [1, 1]} : vector<768x512xbf16> to vector<64x128xbf16>
    %dot_general3A_2003 = arith.constant dense<0.000000e+00> : vector<128x128xf32>
    %dot_general3A_2004 = tpu.matmul %slice3A_2001, %slice3A_2002, %dot_general3A_2003 {dimension_numbers = #tpu.dot_dimension_numbers<[1], [0], [0], [1], [0, 0, 1, 1], [], []>, transpose_lhs_hint = false} : vector<128x64xbf16>, vector<64x128xbf16>, vector<128x128xf32> -> vector<128x128xf32>
    %jit3A_2005 = arith.constant -6.000000e+01 : f32
    %jit3A_2006 = arith.constant 6.000000e+01 : f32
    %max3A_2007 = vector.broadcast %jit3A_2005 : f32 to vector<128x128xf32>
    %max3A_2008 = arith.maximumf %max3A_2007, %dot_general3A_2004 : vector<128x128xf32>
    %min3A_2009 = vector.broadcast %jit3A_2006 : f32 to vector<128x128xf32>
    %min3A_2010 = arith.minimumf %min3A_2009, %max3A_2008 : vector<128x128xf32>
    %exp3A_2011 = math.exp %min3A_2010 : vector<128x128xf32>
    %reduce_sum3A_2012 = arith.constant dense<0.000000e+00> : vector<128xf32>
    %reduce_sum3A_2013 = vector.multi_reduction <add>, %exp3A_2011, %reduce_sum3A_2012 [1] : vector<128x128xf32> to vector<128xf32>
    %broadcast_in_dim3A_2014 = vector.shape_cast %reduce_sum3A_2013 : vector<128xf32> to vector<128x1xf32>
    %div3A_2015 = arith.constant 1.000000e+00 : f32
    %div3A_2016 = vector.broadcast %div3A_2015 : f32 to vector<128x1xf32>
    %div3A_2017 = arith.divf %div3A_2016, %broadcast_in_dim3A_2014 : vector<128x1xf32>
    %convert_element_type3A_2018 = arith.truncf %exp3A_2011 : vector<128x128xf32> to vector<128x128xbf16>
    %slice3A_2019 = vector.extract_strided_slice %convert_element_type3A_1285 {offsets = [256, 448], sizes = [128, 64], strides = [1, 1]} : vector<512x768xbf16> to vector<128x64xbf16>
    %dot_general3A_2020 = arith.constant dense<0.000000e+00> : vector<128x64xf32>
    %dot_general3A_2021 = tpu.matmul %convert_element_type3A_2018, %slice3A_2019, %dot_general3A_2020 {dimension_numbers = #tpu.dot_dimension_numbers<[1], [0], [0], [1], [0, 0, 1, 1], [], []>, transpose_lhs_hint = false} : vector<128x128xbf16>, vector<128x64xbf16>, vector<128x64xf32> -> vector<128x64xf32>
    %mul3A_2022 = vector.broadcast %div3A_2017 : vector<128x1xf32> to vector<128x64xf32>
    %mul3A_2023 = arith.mulf %dot_general3A_2021, %mul3A_2022 : vector<128x64xf32>
    %slice3A_2024 = vector.extract_strided_slice %convert_element_type3A_1269 {offsets = [256, 512], sizes = [128, 64], strides = [1, 1]} : vector<512x768xbf16> to vector<128x64xbf16>
    %slice3A_2025 = vector.extract_strided_slice %convert_element_type3A_1277 {offsets = [512, 256], sizes = [64, 128], strides = [1, 1]} : vector<768x512xbf16> to vector<64x128xbf16>
    %dot_general3A_2026 = arith.constant dense<0.000000e+00> : vector<128x128xf32>
    %dot_general3A_2027 = tpu.matmul %slice3A_2024, %slice3A_2025, %dot_general3A_2026 {dimension_numbers = #tpu.dot_dimension_numbers<[1], [0], [0], [1], [0, 0, 1, 1], [], []>, transpose_lhs_hint = false} : vector<128x64xbf16>, vector<64x128xbf16>, vector<128x128xf32> -> vector<128x128xf32>
    %jit3A_2028 = arith.constant -6.000000e+01 : f32
    %jit3A_2029 = arith.constant 6.000000e+01 : f32
    %max3A_2030 = vector.broadcast %jit3A_2028 : f32 to vector<128x128xf32>
    %max3A_2031 = arith.maximumf %max3A_2030, %dot_general3A_2027 : vector<128x128xf32>
    %min3A_2032 = vector.broadcast %jit3A_2029 : f32 to vector<128x128xf32>
    %min3A_2033 = arith.minimumf %min3A_2032, %max3A_2031 : vector<128x128xf32>
    %exp3A_2034 = math.exp %min3A_2033 : vector<128x128xf32>
    %reduce_sum3A_2035 = arith.constant dense<0.000000e+00> : vector<128xf32>
    %reduce_sum3A_2036 = vector.multi_reduction <add>, %exp3A_2034, %reduce_sum3A_2035 [1] : vector<128x128xf32> to vector<128xf32>
    %broadcast_in_dim3A_2037 = vector.shape_cast %reduce_sum3A_2036 : vector<128xf32> to vector<128x1xf32>
    %div3A_2038 = arith.constant 1.000000e+00 : f32
    %div3A_2039 = vector.broadcast %div3A_2038 : f32 to vector<128x1xf32>
    %div3A_2040 = arith.divf %div3A_2039, %broadcast_in_dim3A_2037 : vector<128x1xf32>
    %convert_element_type3A_2041 = arith.truncf %exp3A_2034 : vector<128x128xf32> to vector<128x128xbf16>
    %slice3A_2042 = vector.extract_strided_slice %convert_element_type3A_1285 {offsets = [256, 512], sizes = [128, 64], strides = [1, 1]} : vector<512x768xbf16> to vector<128x64xbf16>
    %dot_general3A_2043 = arith.constant dense<0.000000e+00> : vector<128x64xf32>
    %dot_general3A_2044 = tpu.matmul %convert_element_type3A_2041, %slice3A_2042, %dot_general3A_2043 {dimension_numbers = #tpu.dot_dimension_numbers<[1], [0], [0], [1], [0, 0, 1, 1], [], []>, transpose_lhs_hint = false} : vector<128x128xbf16>, vector<128x64xbf16>, vector<128x64xf32> -> vector<128x64xf32>
    %mul3A_2045 = vector.broadcast %div3A_2040 : vector<128x1xf32> to vector<128x64xf32>
    %mul3A_2046 = arith.mulf %dot_general3A_2044, %mul3A_2045 : vector<128x64xf32>
    %slice3A_2047 = vector.extract_strided_slice %convert_element_type3A_1269 {offsets = [256, 576], sizes = [128, 64], strides = [1, 1]} : vector<512x768xbf16> to vector<128x64xbf16>
    %slice3A_2048 = vector.extract_strided_slice %convert_element_type3A_1277 {offsets = [576, 256], sizes = [64, 128], strides = [1, 1]} : vector<768x512xbf16> to vector<64x128xbf16>
    %dot_general3A_2049 = arith.constant dense<0.000000e+00> : vector<128x128xf32>
    %dot_general3A_2050 = tpu.matmul %slice3A_2047, %slice3A_2048, %dot_general3A_2049 {dimension_numbers = #tpu.dot_dimension_numbers<[1], [0], [0], [1], [0, 0, 1, 1], [], []>, transpose_lhs_hint = false} : vector<128x64xbf16>, vector<64x128xbf16>, vector<128x128xf32> -> vector<128x128xf32>
    %jit3A_2051 = arith.constant -6.000000e+01 : f32
    %jit3A_2052 = arith.constant 6.000000e+01 : f32
    %max3A_2053 = vector.broadcast %jit3A_2051 : f32 to vector<128x128xf32>
    %max3A_2054 = arith.maximumf %max3A_2053, %dot_general3A_2050 : vector<128x128xf32>
    %min3A_2055 = vector.broadcast %jit3A_2052 : f32 to vector<128x128xf32>
    %min3A_2056 = arith.minimumf %min3A_2055, %max3A_2054 : vector<128x128xf32>
    %exp3A_2057 = math.exp %min3A_2056 : vector<128x128xf32>
    %reduce_sum3A_2058 = arith.constant dense<0.000000e+00> : vector<128xf32>
    %reduce_sum3A_2059 = vector.multi_reduction <add>, %exp3A_2057, %reduce_sum3A_2058 [1] : vector<128x128xf32> to vector<128xf32>
    %broadcast_in_dim3A_2060 = vector.shape_cast %reduce_sum3A_2059 : vector<128xf32> to vector<128x1xf32>
    %div3A_2061 = arith.constant 1.000000e+00 : f32
    %div3A_2062 = vector.broadcast %div3A_2061 : f32 to vector<128x1xf32>
    %div3A_2063 = arith.divf %div3A_2062, %broadcast_in_dim3A_2060 : vector<128x1xf32>
    %convert_element_type3A_2064 = arith.truncf %exp3A_2057 : vector<128x128xf32> to vector<128x128xbf16>
    %slice3A_2065 = vector.extract_strided_slice %convert_element_type3A_1285 {offsets = [256, 576], sizes = [128, 64], strides = [1, 1]} : vector<512x768xbf16> to vector<128x64xbf16>
    %dot_general3A_2066 = arith.constant dense<0.000000e+00> : vector<128x64xf32>
    %dot_general3A_2067 = tpu.matmul %convert_element_type3A_2064, %slice3A_2065, %dot_general3A_2066 {dimension_numbers = #tpu.dot_dimension_numbers<[1], [0], [0], [1], [0, 0, 1, 1], [], []>, transpose_lhs_hint = false} : vector<128x128xbf16>, vector<128x64xbf16>, vector<128x64xf32> -> vector<128x64xf32>
    %mul3A_2068 = vector.broadcast %div3A_2063 : vector<128x1xf32> to vector<128x64xf32>
    %mul3A_2069 = arith.mulf %dot_general3A_2067, %mul3A_2068 : vector<128x64xf32>
    %slice3A_2070 = vector.extract_strided_slice %convert_element_type3A_1269 {offsets = [256, 640], sizes = [128, 64], strides = [1, 1]} : vector<512x768xbf16> to vector<128x64xbf16>
    %slice3A_2071 = vector.extract_strided_slice %convert_element_type3A_1277 {offsets = [640, 256], sizes = [64, 128], strides = [1, 1]} : vector<768x512xbf16> to vector<64x128xbf16>
    %dot_general3A_2072 = arith.constant dense<0.000000e+00> : vector<128x128xf32>
    %dot_general3A_2073 = tpu.matmul %slice3A_2070, %slice3A_2071, %dot_general3A_2072 {dimension_numbers = #tpu.dot_dimension_numbers<[1], [0], [0], [1], [0, 0, 1, 1], [], []>, transpose_lhs_hint = false} : vector<128x64xbf16>, vector<64x128xbf16>, vector<128x128xf32> -> vector<128x128xf32>
    %jit3A_2074 = arith.constant -6.000000e+01 : f32
    %jit3A_2075 = arith.constant 6.000000e+01 : f32
    %max3A_2076 = vector.broadcast %jit3A_2074 : f32 to vector<128x128xf32>
    %max3A_2077 = arith.maximumf %max3A_2076, %dot_general3A_2073 : vector<128x128xf32>
    %min3A_2078 = vector.broadcast %jit3A_2075 : f32 to vector<128x128xf32>
    %min3A_2079 = arith.minimumf %min3A_2078, %max3A_2077 : vector<128x128xf32>
    %exp3A_2080 = math.exp %min3A_2079 : vector<128x128xf32>
    %reduce_sum3A_2081 = arith.constant dense<0.000000e+00> : vector<128xf32>
    %reduce_sum3A_2082 = vector.multi_reduction <add>, %exp3A_2080, %reduce_sum3A_2081 [1] : vector<128x128xf32> to vector<128xf32>
    %broadcast_in_dim3A_2083 = vector.shape_cast %reduce_sum3A_2082 : vector<128xf32> to vector<128x1xf32>
    %div3A_2084 = arith.constant 1.000000e+00 : f32
    %div3A_2085 = vector.broadcast %div3A_2084 : f32 to vector<128x1xf32>
    %div3A_2086 = arith.divf %div3A_2085, %broadcast_in_dim3A_2083 : vector<128x1xf32>
    %convert_element_type3A_2087 = arith.truncf %exp3A_2080 : vector<128x128xf32> to vector<128x128xbf16>
    %slice3A_2088 = vector.extract_strided_slice %convert_element_type3A_1285 {offsets = [256, 640], sizes = [128, 64], strides = [1, 1]} : vector<512x768xbf16> to vector<128x64xbf16>
    %dot_general3A_2089 = arith.constant dense<0.000000e+00> : vector<128x64xf32>
    %dot_general3A_2090 = tpu.matmul %convert_element_type3A_2087, %slice3A_2088, %dot_general3A_2089 {dimension_numbers = #tpu.dot_dimension_numbers<[1], [0], [0], [1], [0, 0, 1, 1], [], []>, transpose_lhs_hint = false} : vector<128x128xbf16>, vector<128x64xbf16>, vector<128x64xf32> -> vector<128x64xf32>
    %mul3A_2091 = vector.broadcast %div3A_2086 : vector<128x1xf32> to vector<128x64xf32>
    %mul3A_2092 = arith.mulf %dot_general3A_2090, %mul3A_2091 : vector<128x64xf32>
    %slice3A_2093 = vector.extract_strided_slice %convert_element_type3A_1269 {offsets = [256, 704], sizes = [128, 64], strides = [1, 1]} : vector<512x768xbf16> to vector<128x64xbf16>
    %slice3A_2094 = vector.extract_strided_slice %convert_element_type3A_1277 {offsets = [704, 256], sizes = [64, 128], strides = [1, 1]} : vector<768x512xbf16> to vector<64x128xbf16>
    %dot_general3A_2095 = arith.constant dense<0.000000e+00> : vector<128x128xf32>
    %dot_general3A_2096 = tpu.matmul %slice3A_2093, %slice3A_2094, %dot_general3A_2095 {dimension_numbers = #tpu.dot_dimension_numbers<[1], [0], [0], [1], [0, 0, 1, 1], [], []>, transpose_lhs_hint = false} : vector<128x64xbf16>, vector<64x128xbf16>, vector<128x128xf32> -> vector<128x128xf32>
    %jit3A_2097 = arith.constant -6.000000e+01 : f32
    %jit3A_2098 = arith.constant 6.000000e+01 : f32
    %max3A_2099 = vector.broadcast %jit3A_2097 : f32 to vector<128x128xf32>
    %max3A_2100 = arith.maximumf %max3A_2099, %dot_general3A_2096 : vector<128x128xf32>
    %min3A_2101 = vector.broadcast %jit3A_2098 : f32 to vector<128x128xf32>
    %min3A_2102 = arith.minimumf %min3A_2101, %max3A_2100 : vector<128x128xf32>
    %exp3A_2103 = math.exp %min3A_2102 : vector<128x128xf32>
    %reduce_sum3A_2104 = arith.constant dense<0.000000e+00> : vector<128xf32>
    %reduce_sum3A_2105 = vector.multi_reduction <add>, %exp3A_2103, %reduce_sum3A_2104 [1] : vector<128x128xf32> to vector<128xf32>
    %broadcast_in_dim3A_2106 = vector.shape_cast %reduce_sum3A_2105 : vector<128xf32> to vector<128x1xf32>
    %div3A_2107 = arith.constant 1.000000e+00 : f32
    %div3A_2108 = vector.broadcast %div3A_2107 : f32 to vector<128x1xf32>
    %div3A_2109 = arith.divf %div3A_2108, %broadcast_in_dim3A_2106 : vector<128x1xf32>
    %convert_element_type3A_2110 = arith.truncf %exp3A_2103 : vector<128x128xf32> to vector<128x128xbf16>
    %slice3A_2111 = vector.extract_strided_slice %convert_element_type3A_1285 {offsets = [256, 704], sizes = [128, 64], strides = [1, 1]} : vector<512x768xbf16> to vector<128x64xbf16>
    %dot_general3A_2112 = arith.constant dense<0.000000e+00> : vector<128x64xf32>
    %dot_general3A_2113 = tpu.matmul %convert_element_type3A_2110, %slice3A_2111, %dot_general3A_2112 {dimension_numbers = #tpu.dot_dimension_numbers<[1], [0], [0], [1], [0, 0, 1, 1], [], []>, transpose_lhs_hint = false} : vector<128x128xbf16>, vector<128x64xbf16>, vector<128x64xf32> -> vector<128x64xf32>
    %mul3A_2114 = vector.broadcast %div3A_2109 : vector<128x1xf32> to vector<128x64xf32>
    %mul3A_2115 = arith.mulf %dot_general3A_2113, %mul3A_2114 : vector<128x64xf32>
    %concatenate3A_2116 = tpu.concatenate %mul3A_1862, %mul3A_1885, %mul3A_1908, %mul3A_1931, %mul3A_1954, %mul3A_1977, %mul3A_2000, %mul3A_2023, %mul3A_2046, %mul3A_2069, %mul3A_2092, %mul3A_2115 in 1 : vector<128x64xf32>, vector<128x64xf32>, vector<128x64xf32>, vector<128x64xf32>, vector<128x64xf32>, vector<128x64xf32>, vector<128x64xf32>, vector<128x64xf32>, vector<128x64xf32>, vector<128x64xf32>, vector<128x64xf32>, vector<128x64xf32> -> vector<128x768xf32>
    %slice3A_2117 = vector.extract_strided_slice %convert_element_type3A_1269 {offsets = [384, 0], sizes = [128, 64], strides = [1, 1]} : vector<512x768xbf16> to vector<128x64xbf16>
    %slice3A_2118 = vector.extract_strided_slice %convert_element_type3A_1277 {offsets = [0, 384], sizes = [64, 128], strides = [1, 1]} : vector<768x512xbf16> to vector<64x128xbf16>
    %dot_general3A_2119 = arith.constant dense<0.000000e+00> : vector<128x128xf32>
    %dot_general3A_2120 = tpu.matmul %slice3A_2117, %slice3A_2118, %dot_general3A_2119 {dimension_numbers = #tpu.dot_dimension_numbers<[1], [0], [0], [1], [0, 0, 1, 1], [], []>, transpose_lhs_hint = false} : vector<128x64xbf16>, vector<64x128xbf16>, vector<128x128xf32> -> vector<128x128xf32>
    %jit3A_2121 = arith.constant -6.000000e+01 : f32
    %jit3A_2122 = arith.constant 6.000000e+01 : f32
    %max3A_2123 = vector.broadcast %jit3A_2121 : f32 to vector<128x128xf32>
    %max3A_2124 = arith.maximumf %max3A_2123, %dot_general3A_2120 : vector<128x128xf32>
    %min3A_2125 = vector.broadcast %jit3A_2122 : f32 to vector<128x128xf32>
    %min3A_2126 = arith.minimumf %min3A_2125, %max3A_2124 : vector<128x128xf32>
    %exp3A_2127 = math.exp %min3A_2126 : vector<128x128xf32>
    %reduce_sum3A_2128 = arith.constant dense<0.000000e+00> : vector<128xf32>
    %reduce_sum3A_2129 = vector.multi_reduction <add>, %exp3A_2127, %reduce_sum3A_2128 [1] : vector<128x128xf32> to vector<128xf32>
    %broadcast_in_dim3A_2130 = vector.shape_cast %reduce_sum3A_2129 : vector<128xf32> to vector<128x1xf32>
    %div3A_2131 = arith.constant 1.000000e+00 : f32
    %div3A_2132 = vector.broadcast %div3A_2131 : f32 to vector<128x1xf32>
    %div3A_2133 = arith.divf %div3A_2132, %broadcast_in_dim3A_2130 : vector<128x1xf32>
    %convert_element_type3A_2134 = arith.truncf %exp3A_2127 : vector<128x128xf32> to vector<128x128xbf16>
    %slice3A_2135 = vector.extract_strided_slice %convert_element_type3A_1285 {offsets = [384, 0], sizes = [128, 64], strides = [1, 1]} : vector<512x768xbf16> to vector<128x64xbf16>
    %dot_general3A_2136 = arith.constant dense<0.000000e+00> : vector<128x64xf32>
    %dot_general3A_2137 = tpu.matmul %convert_element_type3A_2134, %slice3A_2135, %dot_general3A_2136 {dimension_numbers = #tpu.dot_dimension_numbers<[1], [0], [0], [1], [0, 0, 1, 1], [], []>, transpose_lhs_hint = false} : vector<128x128xbf16>, vector<128x64xbf16>, vector<128x64xf32> -> vector<128x64xf32>
    %mul3A_2138 = vector.broadcast %div3A_2133 : vector<128x1xf32> to vector<128x64xf32>
    %mul3A_2139 = arith.mulf %dot_general3A_2137, %mul3A_2138 : vector<128x64xf32>
    %slice3A_2140 = vector.extract_strided_slice %convert_element_type3A_1269 {offsets = [384, 64], sizes = [128, 64], strides = [1, 1]} : vector<512x768xbf16> to vector<128x64xbf16>
    %slice3A_2141 = vector.extract_strided_slice %convert_element_type3A_1277 {offsets = [64, 384], sizes = [64, 128], strides = [1, 1]} : vector<768x512xbf16> to vector<64x128xbf16>
    %dot_general3A_2142 = arith.constant dense<0.000000e+00> : vector<128x128xf32>
    %dot_general3A_2143 = tpu.matmul %slice3A_2140, %slice3A_2141, %dot_general3A_2142 {dimension_numbers = #tpu.dot_dimension_numbers<[1], [0], [0], [1], [0, 0, 1, 1], [], []>, transpose_lhs_hint = false} : vector<128x64xbf16>, vector<64x128xbf16>, vector<128x128xf32> -> vector<128x128xf32>
    %jit3A_2144 = arith.constant -6.000000e+01 : f32
    %jit3A_2145 = arith.constant 6.000000e+01 : f32
    %max3A_2146 = vector.broadcast %jit3A_2144 : f32 to vector<128x128xf32>
    %max3A_2147 = arith.maximumf %max3A_2146, %dot_general3A_2143 : vector<128x128xf32>
    %min3A_2148 = vector.broadcast %jit3A_2145 : f32 to vector<128x128xf32>
    %min3A_2149 = arith.minimumf %min3A_2148, %max3A_2147 : vector<128x128xf32>
    %exp3A_2150 = math.exp %min3A_2149 : vector<128x128xf32>
    %reduce_sum3A_2151 = arith.constant dense<0.000000e+00> : vector<128xf32>
    %reduce_sum3A_2152 = vector.multi_reduction <add>, %exp3A_2150, %reduce_sum3A_2151 [1] : vector<128x128xf32> to vector<128xf32>
    %broadcast_in_dim3A_2153 = vector.shape_cast %reduce_sum3A_2152 : vector<128xf32> to vector<128x1xf32>
    %div3A_2154 = arith.constant 1.000000e+00 : f32
    %div3A_2155 = vector.broadcast %div3A_2154 : f32 to vector<128x1xf32>
    %div3A_2156 = arith.divf %div3A_2155, %broadcast_in_dim3A_2153 : vector<128x1xf32>
    %convert_element_type3A_2157 = arith.truncf %exp3A_2150 : vector<128x128xf32> to vector<128x128xbf16>
    %slice3A_2158 = vector.extract_strided_slice %convert_element_type3A_1285 {offsets = [384, 64], sizes = [128, 64], strides = [1, 1]} : vector<512x768xbf16> to vector<128x64xbf16>
    %dot_general3A_2159 = arith.constant dense<0.000000e+00> : vector<128x64xf32>
    %dot_general3A_2160 = tpu.matmul %convert_element_type3A_2157, %slice3A_2158, %dot_general3A_2159 {dimension_numbers = #tpu.dot_dimension_numbers<[1], [0], [0], [1], [0, 0, 1, 1], [], []>, transpose_lhs_hint = false} : vector<128x128xbf16>, vector<128x64xbf16>, vector<128x64xf32> -> vector<128x64xf32>
    %mul3A_2161 = vector.broadcast %div3A_2156 : vector<128x1xf32> to vector<128x64xf32>
    %mul3A_2162 = arith.mulf %dot_general3A_2160, %mul3A_2161 : vector<128x64xf32>
    %slice3A_2163 = vector.extract_strided_slice %convert_element_type3A_1269 {offsets = [384, 128], sizes = [128, 64], strides = [1, 1]} : vector<512x768xbf16> to vector<128x64xbf16>
    %slice3A_2164 = vector.extract_strided_slice %convert_element_type3A_1277 {offsets = [128, 384], sizes = [64, 128], strides = [1, 1]} : vector<768x512xbf16> to vector<64x128xbf16>
    %dot_general3A_2165 = arith.constant dense<0.000000e+00> : vector<128x128xf32>
    %dot_general3A_2166 = tpu.matmul %slice3A_2163, %slice3A_2164, %dot_general3A_2165 {dimension_numbers = #tpu.dot_dimension_numbers<[1], [0], [0], [1], [0, 0, 1, 1], [], []>, transpose_lhs_hint = false} : vector<128x64xbf16>, vector<64x128xbf16>, vector<128x128xf32> -> vector<128x128xf32>
    %jit3A_2167 = arith.constant -6.000000e+01 : f32
    %jit3A_2168 = arith.constant 6.000000e+01 : f32
    %max3A_2169 = vector.broadcast %jit3A_2167 : f32 to vector<128x128xf32>
    %max3A_2170 = arith.maximumf %max3A_2169, %dot_general3A_2166 : vector<128x128xf32>
    %min3A_2171 = vector.broadcast %jit3A_2168 : f32 to vector<128x128xf32>
    %min3A_2172 = arith.minimumf %min3A_2171, %max3A_2170 : vector<128x128xf32>
    %exp3A_2173 = math.exp %min3A_2172 : vector<128x128xf32>
    %reduce_sum3A_2174 = arith.constant dense<0.000000e+00> : vector<128xf32>
    %reduce_sum3A_2175 = vector.multi_reduction <add>, %exp3A_2173, %reduce_sum3A_2174 [1] : vector<128x128xf32> to vector<128xf32>
    %broadcast_in_dim3A_2176 = vector.shape_cast %reduce_sum3A_2175 : vector<128xf32> to vector<128x1xf32>
    %div3A_2177 = arith.constant 1.000000e+00 : f32
    %div3A_2178 = vector.broadcast %div3A_2177 : f32 to vector<128x1xf32>
    %div3A_2179 = arith.divf %div3A_2178, %broadcast_in_dim3A_2176 : vector<128x1xf32>
    %convert_element_type3A_2180 = arith.truncf %exp3A_2173 : vector<128x128xf32> to vector<128x128xbf16>
    %slice3A_2181 = vector.extract_strided_slice %convert_element_type3A_1285 {offsets = [384, 128], sizes = [128, 64], strides = [1, 1]} : vector<512x768xbf16> to vector<128x64xbf16>
    %dot_general3A_2182 = arith.constant dense<0.000000e+00> : vector<128x64xf32>
    %dot_general3A_2183 = tpu.matmul %convert_element_type3A_2180, %slice3A_2181, %dot_general3A_2182 {dimension_numbers = #tpu.dot_dimension_numbers<[1], [0], [0], [1], [0, 0, 1, 1], [], []>, transpose_lhs_hint = false} : vector<128x128xbf16>, vector<128x64xbf16>, vector<128x64xf32> -> vector<128x64xf32>
    %mul3A_2184 = vector.broadcast %div3A_2179 : vector<128x1xf32> to vector<128x64xf32>
    %mul3A_2185 = arith.mulf %dot_general3A_2183, %mul3A_2184 : vector<128x64xf32>
    %slice3A_2186 = vector.extract_strided_slice %convert_element_type3A_1269 {offsets = [384, 192], sizes = [128, 64], strides = [1, 1]} : vector<512x768xbf16> to vector<128x64xbf16>
    %slice3A_2187 = vector.extract_strided_slice %convert_element_type3A_1277 {offsets = [192, 384], sizes = [64, 128], strides = [1, 1]} : vector<768x512xbf16> to vector<64x128xbf16>
    %dot_general3A_2188 = arith.constant dense<0.000000e+00> : vector<128x128xf32>
    %dot_general3A_2189 = tpu.matmul %slice3A_2186, %slice3A_2187, %dot_general3A_2188 {dimension_numbers = #tpu.dot_dimension_numbers<[1], [0], [0], [1], [0, 0, 1, 1], [], []>, transpose_lhs_hint = false} : vector<128x64xbf16>, vector<64x128xbf16>, vector<128x128xf32> -> vector<128x128xf32>
    %jit3A_2190 = arith.constant -6.000000e+01 : f32
    %jit3A_2191 = arith.constant 6.000000e+01 : f32
    %max3A_2192 = vector.broadcast %jit3A_2190 : f32 to vector<128x128xf32>
    %max3A_2193 = arith.maximumf %max3A_2192, %dot_general3A_2189 : vector<128x128xf32>
    %min3A_2194 = vector.broadcast %jit3A_2191 : f32 to vector<128x128xf32>
    %min3A_2195 = arith.minimumf %min3A_2194, %max3A_2193 : vector<128x128xf32>
    %exp3A_2196 = math.exp %min3A_2195 : vector<128x128xf32>
    %reduce_sum3A_2197 = arith.constant dense<0.000000e+00> : vector<128xf32>
    %reduce_sum3A_2198 = vector.multi_reduction <add>, %exp3A_2196, %reduce_sum3A_2197 [1] : vector<128x128xf32> to vector<128xf32>
    %broadcast_in_dim3A_2199 = vector.shape_cast %reduce_sum3A_2198 : vector<128xf32> to vector<128x1xf32>
    %div3A_2200 = arith.constant 1.000000e+00 : f32
    %div3A_2201 = vector.broadcast %div3A_2200 : f32 to vector<128x1xf32>
    %div3A_2202 = arith.divf %div3A_2201, %broadcast_in_dim3A_2199 : vector<128x1xf32>
    %convert_element_type3A_2203 = arith.truncf %exp3A_2196 : vector<128x128xf32> to vector<128x128xbf16>
    %slice3A_2204 = vector.extract_strided_slice %convert_element_type3A_1285 {offsets = [384, 192], sizes = [128, 64], strides = [1, 1]} : vector<512x768xbf16> to vector<128x64xbf16>
    %dot_general3A_2205 = arith.constant dense<0.000000e+00> : vector<128x64xf32>
    %dot_general3A_2206 = tpu.matmul %convert_element_type3A_2203, %slice3A_2204, %dot_general3A_2205 {dimension_numbers = #tpu.dot_dimension_numbers<[1], [0], [0], [1], [0, 0, 1, 1], [], []>, transpose_lhs_hint = false} : vector<128x128xbf16>, vector<128x64xbf16>, vector<128x64xf32> -> vector<128x64xf32>
    %mul3A_2207 = vector.broadcast %div3A_2202 : vector<128x1xf32> to vector<128x64xf32>
    %mul3A_2208 = arith.mulf %dot_general3A_2206, %mul3A_2207 : vector<128x64xf32>
    %slice3A_2209 = vector.extract_strided_slice %convert_element_type3A_1269 {offsets = [384, 256], sizes = [128, 64], strides = [1, 1]} : vector<512x768xbf16> to vector<128x64xbf16>
    %slice3A_2210 = vector.extract_strided_slice %convert_element_type3A_1277 {offsets = [256, 384], sizes = [64, 128], strides = [1, 1]} : vector<768x512xbf16> to vector<64x128xbf16>
    %dot_general3A_2211 = arith.constant dense<0.000000e+00> : vector<128x128xf32>
    %dot_general3A_2212 = tpu.matmul %slice3A_2209, %slice3A_2210, %dot_general3A_2211 {dimension_numbers = #tpu.dot_dimension_numbers<[1], [0], [0], [1], [0, 0, 1, 1], [], []>, transpose_lhs_hint = false} : vector<128x64xbf16>, vector<64x128xbf16>, vector<128x128xf32> -> vector<128x128xf32>
    %jit3A_2213 = arith.constant -6.000000e+01 : f32
    %jit3A_2214 = arith.constant 6.000000e+01 : f32
    %max3A_2215 = vector.broadcast %jit3A_2213 : f32 to vector<128x128xf32>
    %max3A_2216 = arith.maximumf %max3A_2215, %dot_general3A_2212 : vector<128x128xf32>
    %min3A_2217 = vector.broadcast %jit3A_2214 : f32 to vector<128x128xf32>
    %min3A_2218 = arith.minimumf %min3A_2217, %max3A_2216 : vector<128x128xf32>
    %exp3A_2219 = math.exp %min3A_2218 : vector<128x128xf32>
    %reduce_sum3A_2220 = arith.constant dense<0.000000e+00> : vector<128xf32>
    %reduce_sum3A_2221 = vector.multi_reduction <add>, %exp3A_2219, %reduce_sum3A_2220 [1] : vector<128x128xf32> to vector<128xf32>
    %broadcast_in_dim3A_2222 = vector.shape_cast %reduce_sum3A_2221 : vector<128xf32> to vector<128x1xf32>
    %div3A_2223 = arith.constant 1.000000e+00 : f32
    %div3A_2224 = vector.broadcast %div3A_2223 : f32 to vector<128x1xf32>
    %div3A_2225 = arith.divf %div3A_2224, %broadcast_in_dim3A_2222 : vector<128x1xf32>
    %convert_element_type3A_2226 = arith.truncf %exp3A_2219 : vector<128x128xf32> to vector<128x128xbf16>
    %slice3A_2227 = vector.extract_strided_slice %convert_element_type3A_1285 {offsets = [384, 256], sizes = [128, 64], strides = [1, 1]} : vector<512x768xbf16> to vector<128x64xbf16>
    %dot_general3A_2228 = arith.constant dense<0.000000e+00> : vector<128x64xf32>
    %dot_general3A_2229 = tpu.matmul %convert_element_type3A_2226, %slice3A_2227, %dot_general3A_2228 {dimension_numbers = #tpu.dot_dimension_numbers<[1], [0], [0], [1], [0, 0, 1, 1], [], []>, transpose_lhs_hint = false} : vector<128x128xbf16>, vector<128x64xbf16>, vector<128x64xf32> -> vector<128x64xf32>
    %mul3A_2230 = vector.broadcast %div3A_2225 : vector<128x1xf32> to vector<128x64xf32>
    %mul3A_2231 = arith.mulf %dot_general3A_2229, %mul3A_2230 : vector<128x64xf32>
    %slice3A_2232 = vector.extract_strided_slice %convert_element_type3A_1269 {offsets = [384, 320], sizes = [128, 64], strides = [1, 1]} : vector<512x768xbf16> to vector<128x64xbf16>
    %slice3A_2233 = vector.extract_strided_slice %convert_element_type3A_1277 {offsets = [320, 384], sizes = [64, 128], strides = [1, 1]} : vector<768x512xbf16> to vector<64x128xbf16>
    %dot_general3A_2234 = arith.constant dense<0.000000e+00> : vector<128x128xf32>
    %dot_general3A_2235 = tpu.matmul %slice3A_2232, %slice3A_2233, %dot_general3A_2234 {dimension_numbers = #tpu.dot_dimension_numbers<[1], [0], [0], [1], [0, 0, 1, 1], [], []>, transpose_lhs_hint = false} : vector<128x64xbf16>, vector<64x128xbf16>, vector<128x128xf32> -> vector<128x128xf32>
    %jit3A_2236 = arith.constant -6.000000e+01 : f32
    %jit3A_2237 = arith.constant 6.000000e+01 : f32
    %max3A_2238 = vector.broadcast %jit3A_2236 : f32 to vector<128x128xf32>
    %max3A_2239 = arith.maximumf %max3A_2238, %dot_general3A_2235 : vector<128x128xf32>
    %min3A_2240 = vector.broadcast %jit3A_2237 : f32 to vector<128x128xf32>
    %min3A_2241 = arith.minimumf %min3A_2240, %max3A_2239 : vector<128x128xf32>
    %exp3A_2242 = math.exp %min3A_2241 : vector<128x128xf32>
    %reduce_sum3A_2243 = arith.constant dense<0.000000e+00> : vector<128xf32>
    %reduce_sum3A_2244 = vector.multi_reduction <add>, %exp3A_2242, %reduce_sum3A_2243 [1] : vector<128x128xf32> to vector<128xf32>
    %broadcast_in_dim3A_2245 = vector.shape_cast %reduce_sum3A_2244 : vector<128xf32> to vector<128x1xf32>
    %div3A_2246 = arith.constant 1.000000e+00 : f32
    %div3A_2247 = vector.broadcast %div3A_2246 : f32 to vector<128x1xf32>
    %div3A_2248 = arith.divf %div3A_2247, %broadcast_in_dim3A_2245 : vector<128x1xf32>
    %convert_element_type3A_2249 = arith.truncf %exp3A_2242 : vector<128x128xf32> to vector<128x128xbf16>
    %slice3A_2250 = vector.extract_strided_slice %convert_element_type3A_1285 {offsets = [384, 320], sizes = [128, 64], strides = [1, 1]} : vector<512x768xbf16> to vector<128x64xbf16>
    %dot_general3A_2251 = arith.constant dense<0.000000e+00> : vector<128x64xf32>
    %dot_general3A_2252 = tpu.matmul %convert_element_type3A_2249, %slice3A_2250, %dot_general3A_2251 {dimension_numbers = #tpu.dot_dimension_numbers<[1], [0], [0], [1], [0, 0, 1, 1], [], []>, transpose_lhs_hint = false} : vector<128x128xbf16>, vector<128x64xbf16>, vector<128x64xf32> -> vector<128x64xf32>
    %mul3A_2253 = vector.broadcast %div3A_2248 : vector<128x1xf32> to vector<128x64xf32>
    %mul3A_2254 = arith.mulf %dot_general3A_2252, %mul3A_2253 : vector<128x64xf32>
    %slice3A_2255 = vector.extract_strided_slice %convert_element_type3A_1269 {offsets = [384, 384], sizes = [128, 64], strides = [1, 1]} : vector<512x768xbf16> to vector<128x64xbf16>
    %slice3A_2256 = vector.extract_strided_slice %convert_element_type3A_1277 {offsets = [384, 384], sizes = [64, 128], strides = [1, 1]} : vector<768x512xbf16> to vector<64x128xbf16>
    %dot_general3A_2257 = arith.constant dense<0.000000e+00> : vector<128x128xf32>
    %dot_general3A_2258 = tpu.matmul %slice3A_2255, %slice3A_2256, %dot_general3A_2257 {dimension_numbers = #tpu.dot_dimension_numbers<[1], [0], [0], [1], [0, 0, 1, 1], [], []>, transpose_lhs_hint = false} : vector<128x64xbf16>, vector<64x128xbf16>, vector<128x128xf32> -> vector<128x128xf32>
    %jit3A_2259 = arith.constant -6.000000e+01 : f32
    %jit3A_2260 = arith.constant 6.000000e+01 : f32
    %max3A_2261 = vector.broadcast %jit3A_2259 : f32 to vector<128x128xf32>
    %max3A_2262 = arith.maximumf %max3A_2261, %dot_general3A_2258 : vector<128x128xf32>
    %min3A_2263 = vector.broadcast %jit3A_2260 : f32 to vector<128x128xf32>
    %min3A_2264 = arith.minimumf %min3A_2263, %max3A_2262 : vector<128x128xf32>
    %exp3A_2265 = math.exp %min3A_2264 : vector<128x128xf32>
    %reduce_sum3A_2266 = arith.constant dense<0.000000e+00> : vector<128xf32>
    %reduce_sum3A_2267 = vector.multi_reduction <add>, %exp3A_2265, %reduce_sum3A_2266 [1] : vector<128x128xf32> to vector<128xf32>
    %broadcast_in_dim3A_2268 = vector.shape_cast %reduce_sum3A_2267 : vector<128xf32> to vector<128x1xf32>
    %div3A_2269 = arith.constant 1.000000e+00 : f32
    %div3A_2270 = vector.broadcast %div3A_2269 : f32 to vector<128x1xf32>
    %div3A_2271 = arith.divf %div3A_2270, %broadcast_in_dim3A_2268 : vector<128x1xf32>
    %convert_element_type3A_2272 = arith.truncf %exp3A_2265 : vector<128x128xf32> to vector<128x128xbf16>
    %slice3A_2273 = vector.extract_strided_slice %convert_element_type3A_1285 {offsets = [384, 384], sizes = [128, 64], strides = [1, 1]} : vector<512x768xbf16> to vector<128x64xbf16>
    %dot_general3A_2274 = arith.constant dense<0.000000e+00> : vector<128x64xf32>
    %dot_general3A_2275 = tpu.matmul %convert_element_type3A_2272, %slice3A_2273, %dot_general3A_2274 {dimension_numbers = #tpu.dot_dimension_numbers<[1], [0], [0], [1], [0, 0, 1, 1], [], []>, transpose_lhs_hint = false} : vector<128x128xbf16>, vector<128x64xbf16>, vector<128x64xf32> -> vector<128x64xf32>
    %mul3A_2276 = vector.broadcast %div3A_2271 : vector<128x1xf32> to vector<128x64xf32>
    %mul3A_2277 = arith.mulf %dot_general3A_2275, %mul3A_2276 : vector<128x64xf32>
    %slice3A_2278 = vector.extract_strided_slice %convert_element_type3A_1269 {offsets = [384, 448], sizes = [128, 64], strides = [1, 1]} : vector<512x768xbf16> to vector<128x64xbf16>
    %slice3A_2279 = vector.extract_strided_slice %convert_element_type3A_1277 {offsets = [448, 384], sizes = [64, 128], strides = [1, 1]} : vector<768x512xbf16> to vector<64x128xbf16>
    %dot_general3A_2280 = arith.constant dense<0.000000e+00> : vector<128x128xf32>
    %dot_general3A_2281 = tpu.matmul %slice3A_2278, %slice3A_2279, %dot_general3A_2280 {dimension_numbers = #tpu.dot_dimension_numbers<[1], [0], [0], [1], [0, 0, 1, 1], [], []>, transpose_lhs_hint = false} : vector<128x64xbf16>, vector<64x128xbf16>, vector<128x128xf32> -> vector<128x128xf32>
    %jit3A_2282 = arith.constant -6.000000e+01 : f32
    %jit3A_2283 = arith.constant 6.000000e+01 : f32
    %max3A_2284 = vector.broadcast %jit3A_2282 : f32 to vector<128x128xf32>
    %max3A_2285 = arith.maximumf %max3A_2284, %dot_general3A_2281 : vector<128x128xf32>
    %min3A_2286 = vector.broadcast %jit3A_2283 : f32 to vector<128x128xf32>
    %min3A_2287 = arith.minimumf %min3A_2286, %max3A_2285 : vector<128x128xf32>
    %exp3A_2288 = math.exp %min3A_2287 : vector<128x128xf32>
    %reduce_sum3A_2289 = arith.constant dense<0.000000e+00> : vector<128xf32>
    %reduce_sum3A_2290 = vector.multi_reduction <add>, %exp3A_2288, %reduce_sum3A_2289 [1] : vector<128x128xf32> to vector<128xf32>
    %broadcast_in_dim3A_2291 = vector.shape_cast %reduce_sum3A_2290 : vector<128xf32> to vector<128x1xf32>
    %div3A_2292 = arith.constant 1.000000e+00 : f32
    %div3A_2293 = vector.broadcast %div3A_2292 : f32 to vector<128x1xf32>
    %div3A_2294 = arith.divf %div3A_2293, %broadcast_in_dim3A_2291 : vector<128x1xf32>
    %convert_element_type3A_2295 = arith.truncf %exp3A_2288 : vector<128x128xf32> to vector<128x128xbf16>
    %slice3A_2296 = vector.extract_strided_slice %convert_element_type3A_1285 {offsets = [384, 448], sizes = [128, 64], strides = [1, 1]} : vector<512x768xbf16> to vector<128x64xbf16>
    %dot_general3A_2297 = arith.constant dense<0.000000e+00> : vector<128x64xf32>
    %dot_general3A_2298 = tpu.matmul %convert_element_type3A_2295, %slice3A_2296, %dot_general3A_2297 {dimension_numbers = #tpu.dot_dimension_numbers<[1], [0], [0], [1], [0, 0, 1, 1], [], []>, transpose_lhs_hint = false} : vector<128x128xbf16>, vector<128x64xbf16>, vector<128x64xf32> -> vector<128x64xf32>
    %mul3A_2299 = vector.broadcast %div3A_2294 : vector<128x1xf32> to vector<128x64xf32>
    %mul3A_2300 = arith.mulf %dot_general3A_2298, %mul3A_2299 : vector<128x64xf32>
    %slice3A_2301 = vector.extract_strided_slice %convert_element_type3A_1269 {offsets = [384, 512], sizes = [128, 64], strides = [1, 1]} : vector<512x768xbf16> to vector<128x64xbf16>
    %slice3A_2302 = vector.extract_strided_slice %convert_element_type3A_1277 {offsets = [512, 384], sizes = [64, 128], strides = [1, 1]} : vector<768x512xbf16> to vector<64x128xbf16>
    %dot_general3A_2303 = arith.constant dense<0.000000e+00> : vector<128x128xf32>
    %dot_general3A_2304 = tpu.matmul %slice3A_2301, %slice3A_2302, %dot_general3A_2303 {dimension_numbers = #tpu.dot_dimension_numbers<[1], [0], [0], [1], [0, 0, 1, 1], [], []>, transpose_lhs_hint = false} : vector<128x64xbf16>, vector<64x128xbf16>, vector<128x128xf32> -> vector<128x128xf32>
    %jit3A_2305 = arith.constant -6.000000e+01 : f32
    %jit3A_2306 = arith.constant 6.000000e+01 : f32
    %max3A_2307 = vector.broadcast %jit3A_2305 : f32 to vector<128x128xf32>
    %max3A_2308 = arith.maximumf %max3A_2307, %dot_general3A_2304 : vector<128x128xf32>
    %min3A_2309 = vector.broadcast %jit3A_2306 : f32 to vector<128x128xf32>
    %min3A_2310 = arith.minimumf %min3A_2309, %max3A_2308 : vector<128x128xf32>
    %exp3A_2311 = math.exp %min3A_2310 : vector<128x128xf32>
    %reduce_sum3A_2312 = arith.constant dense<0.000000e+00> : vector<128xf32>
    %reduce_sum3A_2313 = vector.multi_reduction <add>, %exp3A_2311, %reduce_sum3A_2312 [1] : vector<128x128xf32> to vector<128xf32>
    %broadcast_in_dim3A_2314 = vector.shape_cast %reduce_sum3A_2313 : vector<128xf32> to vector<128x1xf32>
    %div3A_2315 = arith.constant 1.000000e+00 : f32
    %div3A_2316 = vector.broadcast %div3A_2315 : f32 to vector<128x1xf32>
    %div3A_2317 = arith.divf %div3A_2316, %broadcast_in_dim3A_2314 : vector<128x1xf32>
    %convert_element_type3A_2318 = arith.truncf %exp3A_2311 : vector<128x128xf32> to vector<128x128xbf16>
    %slice3A_2319 = vector.extract_strided_slice %convert_element_type3A_1285 {offsets = [384, 512], sizes = [128, 64], strides = [1, 1]} : vector<512x768xbf16> to vector<128x64xbf16>
    %dot_general3A_2320 = arith.constant dense<0.000000e+00> : vector<128x64xf32>
    %dot_general3A_2321 = tpu.matmul %convert_element_type3A_2318, %slice3A_2319, %dot_general3A_2320 {dimension_numbers = #tpu.dot_dimension_numbers<[1], [0], [0], [1], [0, 0, 1, 1], [], []>, transpose_lhs_hint = false} : vector<128x128xbf16>, vector<128x64xbf16>, vector<128x64xf32> -> vector<128x64xf32>
    %mul3A_2322 = vector.broadcast %div3A_2317 : vector<128x1xf32> to vector<128x64xf32>
    %mul3A_2323 = arith.mulf %dot_general3A_2321, %mul3A_2322 : vector<128x64xf32>
    %slice3A_2324 = vector.extract_strided_slice %convert_element_type3A_1269 {offsets = [384, 576], sizes = [128, 64], strides = [1, 1]} : vector<512x768xbf16> to vector<128x64xbf16>
    %slice3A_2325 = vector.extract_strided_slice %convert_element_type3A_1277 {offsets = [576, 384], sizes = [64, 128], strides = [1, 1]} : vector<768x512xbf16> to vector<64x128xbf16>
    %dot_general3A_2326 = arith.constant dense<0.000000e+00> : vector<128x128xf32>
    %dot_general3A_2327 = tpu.matmul %slice3A_2324, %slice3A_2325, %dot_general3A_2326 {dimension_numbers = #tpu.dot_dimension_numbers<[1], [0], [0], [1], [0, 0, 1, 1], [], []>, transpose_lhs_hint = false} : vector<128x64xbf16>, vector<64x128xbf16>, vector<128x128xf32> -> vector<128x128xf32>
    %jit3A_2328 = arith.constant -6.000000e+01 : f32
    %jit3A_2329 = arith.constant 6.000000e+01 : f32
    %max3A_2330 = vector.broadcast %jit3A_2328 : f32 to vector<128x128xf32>
    %max3A_2331 = arith.maximumf %max3A_2330, %dot_general3A_2327 : vector<128x128xf32>
    %min3A_2332 = vector.broadcast %jit3A_2329 : f32 to vector<128x128xf32>
    %min3A_2333 = arith.minimumf %min3A_2332, %max3A_2331 : vector<128x128xf32>
    %exp3A_2334 = math.exp %min3A_2333 : vector<128x128xf32>
    %reduce_sum3A_2335 = arith.constant dense<0.000000e+00> : vector<128xf32>
    %reduce_sum3A_2336 = vector.multi_reduction <add>, %exp3A_2334, %reduce_sum3A_2335 [1] : vector<128x128xf32> to vector<128xf32>
    %broadcast_in_dim3A_2337 = vector.shape_cast %reduce_sum3A_2336 : vector<128xf32> to vector<128x1xf32>
    %div3A_2338 = arith.constant 1.000000e+00 : f32
    %div3A_2339 = vector.broadcast %div3A_2338 : f32 to vector<128x1xf32>
    %div3A_2340 = arith.divf %div3A_2339, %broadcast_in_dim3A_2337 : vector<128x1xf32>
    %convert_element_type3A_2341 = arith.truncf %exp3A_2334 : vector<128x128xf32> to vector<128x128xbf16>
    %slice3A_2342 = vector.extract_strided_slice %convert_element_type3A_1285 {offsets = [384, 576], sizes = [128, 64], strides = [1, 1]} : vector<512x768xbf16> to vector<128x64xbf16>
    %dot_general3A_2343 = arith.constant dense<0.000000e+00> : vector<128x64xf32>
    %dot_general3A_2344 = tpu.matmul %convert_element_type3A_2341, %slice3A_2342, %dot_general3A_2343 {dimension_numbers = #tpu.dot_dimension_numbers<[1], [0], [0], [1], [0, 0, 1, 1], [], []>, transpose_lhs_hint = false} : vector<128x128xbf16>, vector<128x64xbf16>, vector<128x64xf32> -> vector<128x64xf32>
    %mul3A_2345 = vector.broadcast %div3A_2340 : vector<128x1xf32> to vector<128x64xf32>
    %mul3A_2346 = arith.mulf %dot_general3A_2344, %mul3A_2345 : vector<128x64xf32>
    %slice3A_2347 = vector.extract_strided_slice %convert_element_type3A_1269 {offsets = [384, 640], sizes = [128, 64], strides = [1, 1]} : vector<512x768xbf16> to vector<128x64xbf16>
    %slice3A_2348 = vector.extract_strided_slice %convert_element_type3A_1277 {offsets = [640, 384], sizes = [64, 128], strides = [1, 1]} : vector<768x512xbf16> to vector<64x128xbf16>
    %dot_general3A_2349 = arith.constant dense<0.000000e+00> : vector<128x128xf32>
    %dot_general3A_2350 = tpu.matmul %slice3A_2347, %slice3A_2348, %dot_general3A_2349 {dimension_numbers = #tpu.dot_dimension_numbers<[1], [0], [0], [1], [0, 0, 1, 1], [], []>, transpose_lhs_hint = false} : vector<128x64xbf16>, vector<64x128xbf16>, vector<128x128xf32> -> vector<128x128xf32>
    %jit3A_2351 = arith.constant -6.000000e+01 : f32
    %jit3A_2352 = arith.constant 6.000000e+01 : f32
    %max3A_2353 = vector.broadcast %jit3A_2351 : f32 to vector<128x128xf32>
    %max3A_2354 = arith.maximumf %max3A_2353, %dot_general3A_2350 : vector<128x128xf32>
    %min3A_2355 = vector.broadcast %jit3A_2352 : f32 to vector<128x128xf32>
    %min3A_2356 = arith.minimumf %min3A_2355, %max3A_2354 : vector<128x128xf32>
    %exp3A_2357 = math.exp %min3A_2356 : vector<128x128xf32>
    %reduce_sum3A_2358 = arith.constant dense<0.000000e+00> : vector<128xf32>
    %reduce_sum3A_2359 = vector.multi_reduction <add>, %exp3A_2357, %reduce_sum3A_2358 [1] : vector<128x128xf32> to vector<128xf32>
    %broadcast_in_dim3A_2360 = vector.shape_cast %reduce_sum3A_2359 : vector<128xf32> to vector<128x1xf32>
    %div3A_2361 = arith.constant 1.000000e+00 : f32
    %div3A_2362 = vector.broadcast %div3A_2361 : f32 to vector<128x1xf32>
    %div3A_2363 = arith.divf %div3A_2362, %broadcast_in_dim3A_2360 : vector<128x1xf32>
    %convert_element_type3A_2364 = arith.truncf %exp3A_2357 : vector<128x128xf32> to vector<128x128xbf16>
    %slice3A_2365 = vector.extract_strided_slice %convert_element_type3A_1285 {offsets = [384, 640], sizes = [128, 64], strides = [1, 1]} : vector<512x768xbf16> to vector<128x64xbf16>
    %dot_general3A_2366 = arith.constant dense<0.000000e+00> : vector<128x64xf32>
    %dot_general3A_2367 = tpu.matmul %convert_element_type3A_2364, %slice3A_2365, %dot_general3A_2366 {dimension_numbers = #tpu.dot_dimension_numbers<[1], [0], [0], [1], [0, 0, 1, 1], [], []>, transpose_lhs_hint = false} : vector<128x128xbf16>, vector<128x64xbf16>, vector<128x64xf32> -> vector<128x64xf32>
    %mul3A_2368 = vector.broadcast %div3A_2363 : vector<128x1xf32> to vector<128x64xf32>
    %mul3A_2369 = arith.mulf %dot_general3A_2367, %mul3A_2368 : vector<128x64xf32>
    %slice3A_2370 = vector.extract_strided_slice %convert_element_type3A_1269 {offsets = [384, 704], sizes = [128, 64], strides = [1, 1]} : vector<512x768xbf16> to vector<128x64xbf16>
    %slice3A_2371 = vector.extract_strided_slice %convert_element_type3A_1277 {offsets = [704, 384], sizes = [64, 128], strides = [1, 1]} : vector<768x512xbf16> to vector<64x128xbf16>
    %dot_general3A_2372 = arith.constant dense<0.000000e+00> : vector<128x128xf32>
    %dot_general3A_2373 = tpu.matmul %slice3A_2370, %slice3A_2371, %dot_general3A_2372 {dimension_numbers = #tpu.dot_dimension_numbers<[1], [0], [0], [1], [0, 0, 1, 1], [], []>, transpose_lhs_hint = false} : vector<128x64xbf16>, vector<64x128xbf16>, vector<128x128xf32> -> vector<128x128xf32>
    %jit3A_2374 = arith.constant -6.000000e+01 : f32
    %jit3A_2375 = arith.constant 6.000000e+01 : f32
    %max3A_2376 = vector.broadcast %jit3A_2374 : f32 to vector<128x128xf32>
    %max3A_2377 = arith.maximumf %max3A_2376, %dot_general3A_2373 : vector<128x128xf32>
    %min3A_2378 = vector.broadcast %jit3A_2375 : f32 to vector<128x128xf32>
    %min3A_2379 = arith.minimumf %min3A_2378, %max3A_2377 : vector<128x128xf32>
    %exp3A_2380 = math.exp %min3A_2379 : vector<128x128xf32>
    %reduce_sum3A_2381 = arith.constant dense<0.000000e+00> : vector<128xf32>
    %reduce_sum3A_2382 = vector.multi_reduction <add>, %exp3A_2380, %reduce_sum3A_2381 [1] : vector<128x128xf32> to vector<128xf32>
    %broadcast_in_dim3A_2383 = vector.shape_cast %reduce_sum3A_2382 : vector<128xf32> to vector<128x1xf32>
    %div3A_2384 = arith.constant 1.000000e+00 : f32
    %div3A_2385 = vector.broadcast %div3A_2384 : f32 to vector<128x1xf32>
    %div3A_2386 = arith.divf %div3A_2385, %broadcast_in_dim3A_2383 : vector<128x1xf32>
    %convert_element_type3A_2387 = arith.truncf %exp3A_2380 : vector<128x128xf32> to vector<128x128xbf16>
    %slice3A_2388 = vector.extract_strided_slice %convert_element_type3A_1285 {offsets = [384, 704], sizes = [128, 64], strides = [1, 1]} : vector<512x768xbf16> to vector<128x64xbf16>
    %dot_general3A_2389 = arith.constant dense<0.000000e+00> : vector<128x64xf32>
    %dot_general3A_2390 = tpu.matmul %convert_element_type3A_2387, %slice3A_2388, %dot_general3A_2389 {dimension_numbers = #tpu.dot_dimension_numbers<[1], [0], [0], [1], [0, 0, 1, 1], [], []>, transpose_lhs_hint = false} : vector<128x128xbf16>, vector<128x64xbf16>, vector<128x64xf32> -> vector<128x64xf32>
    %mul3A_2391 = vector.broadcast %div3A_2386 : vector<128x1xf32> to vector<128x64xf32>
    %mul3A_2392 = arith.mulf %dot_general3A_2390, %mul3A_2391 : vector<128x64xf32>
    %concatenate3A_2393 = tpu.concatenate %mul3A_2139, %mul3A_2162, %mul3A_2185, %mul3A_2208, %mul3A_2231, %mul3A_2254, %mul3A_2277, %mul3A_2300, %mul3A_2323, %mul3A_2346, %mul3A_2369, %mul3A_2392 in 1 : vector<128x64xf32>, vector<128x64xf32>, vector<128x64xf32>, vector<128x64xf32>, vector<128x64xf32>, vector<128x64xf32>, vector<128x64xf32>, vector<128x64xf32>, vector<128x64xf32>, vector<128x64xf32>, vector<128x64xf32>, vector<128x64xf32> -> vector<128x768xf32>
    %concatenate3A_2394 = tpu.concatenate %concatenate3A_1562, %concatenate3A_1839, %concatenate3A_2116, %concatenate3A_2393 in 0 : vector<128x768xf32>, vector<128x768xf32>, vector<128x768xf32>, vector<128x768xf32> -> vector<512x768xf32>
    %get3A_2395 = arith.constant 1 : index
    %get3A_2396 = arith.constant 0 : index
    %get3A_2397 = arith.constant 0 : index
    %get3A_2398 = vector.load %arg5[%get3A_2395, %get3A_2396, %get3A_2397] : memref<2x768x768xbf16, #tpu.memory_space<vmem>>, vector<1x768x768xbf16>
    %get3A_2399 = vector.shape_cast %get3A_2398 : vector<1x768x768xbf16> to vector<768x768xbf16>
    %convert_element_type3A_2400 = arith.truncf %concatenate3A_2394 : vector<512x768xf32> to vector<512x768xbf16>
    %dot_general3A_2401 = arith.constant dense<0.000000e+00> : vector<512x768xf32>
    %dot_general3A_2402 = tpu.matmul %convert_element_type3A_2400, %get3A_2399, %dot_general3A_2401 {dimension_numbers = #tpu.dot_dimension_numbers<[1], [0], [0], [1], [0, 0, 1, 1], [], []>, transpose_lhs_hint = false} : vector<512x768xbf16>, vector<768x768xbf16>, vector<512x768xf32> -> vector<512x768xf32>
    %add3A_2403 = arith.addf %add3A_1222, %dot_general3A_2402 : vector<512x768xf32>
    %reduce_sum3A_2404 = arith.constant dense<0.000000e+00> : vector<512xf32>
    %reduce_sum3A_2405 = vector.multi_reduction <add>, %add3A_2403, %reduce_sum3A_2404 [1] : vector<512x768xf32> to vector<512xf32>
    %broadcast_in_dim3A_2406 = vector.shape_cast %reduce_sum3A_2405 : vector<512xf32> to vector<512x1xf32>
    %div3A_2407 = arith.constant 7.680000e+02 : f32
    %div3A_2408 = vector.broadcast %div3A_2407 : f32 to vector<512x1xf32>
    %div3A_2409 = arith.divf %broadcast_in_dim3A_2406, %div3A_2408 : vector<512x1xf32>
    %sub3A_2410 = vector.broadcast %div3A_2409 : vector<512x1xf32> to vector<512x768xf32>
    %sub3A_2411 = arith.subf %add3A_2403, %sub3A_2410 : vector<512x768xf32>
    %mul3A_2412 = arith.mulf %sub3A_2411, %sub3A_2411 : vector<512x768xf32>
    %reduce_sum3A_2413 = arith.constant dense<0.000000e+00> : vector<512xf32>
    %reduce_sum3A_2414 = vector.multi_reduction <add>, %mul3A_2412, %reduce_sum3A_2413 [1] : vector<512x768xf32> to vector<512xf32>
    %broadcast_in_dim3A_2415 = vector.shape_cast %reduce_sum3A_2414 : vector<512xf32> to vector<512x1xf32>
    %div3A_2416 = arith.constant 7.680000e+02 : f32
    %div3A_2417 = vector.broadcast %div3A_2416 : f32 to vector<512x1xf32>
    %div3A_2418 = arith.divf %broadcast_in_dim3A_2415, %div3A_2417 : vector<512x1xf32>
    %add3A_2419 = arith.constant 9.99999974E-6 : f32
    %add3A_2420 = vector.broadcast %add3A_2419 : f32 to vector<512x1xf32>
    %add3A_2421 = arith.addf %div3A_2418, %add3A_2420 : vector<512x1xf32>
    %rsqrt3A_2422 = math.rsqrt %add3A_2421 : vector<512x1xf32>
    %mul3A_2423 = vector.broadcast %rsqrt3A_2422 : vector<512x1xf32> to vector<512x768xf32>
    %mul3A_2424 = arith.mulf %sub3A_2411, %mul3A_2423 : vector<512x768xf32>
    %get3A_2425 = arith.constant 1 : index
    %get3A_2426 = arith.constant 0 : index
    %get3A_2427 = arith.constant 0 : index
    %get3A_2428 = vector.load %arg10[%get3A_2425, %get3A_2426, %get3A_2427] : memref<2x1x768xf32, #tpu.memory_space<vmem>>, vector<1x1x768xf32>
    %get3A_2429 = vector.shape_cast %get3A_2428 : vector<1x1x768xf32> to vector<1x768xf32>
    %mul3A_2430 = vector.broadcast %get3A_2429 : vector<1x768xf32> to vector<512x768xf32>
    %mul3A_2431 = arith.mulf %mul3A_2424, %mul3A_2430 : vector<512x768xf32>
    %get3A_2432 = arith.constant 1 : index
    %get3A_2433 = arith.constant 0 : index
    %get3A_2434 = arith.constant 0 : index
    %get3A_2435 = vector.load %arg11[%get3A_2432, %get3A_2433, %get3A_2434] : memref<2x1x768xf32, #tpu.memory_space<vmem>>, vector<1x1x768xf32>
    %get3A_2436 = vector.shape_cast %get3A_2435 : vector<1x1x768xf32> to vector<1x768xf32>
    %add3A_2437 = vector.broadcast %get3A_2436 : vector<1x768xf32> to vector<512x768xf32>
    %add3A_2438 = arith.addf %mul3A_2431, %add3A_2437 : vector<512x768xf32>
    %get3A_2439 = arith.constant 1 : index
    %get3A_2440 = arith.constant 0 : index
    %get3A_2441 = arith.constant 0 : index
    %get3A_2442 = vector.load %arg6[%get3A_2439, %get3A_2440, %get3A_2441] : memref<2x768x3072xbf16, #tpu.memory_space<vmem>>, vector<1x768x3072xbf16>
    %get3A_2443 = vector.shape_cast %get3A_2442 : vector<1x768x3072xbf16> to vector<768x3072xbf16>
    %convert_element_type3A_2444 = arith.truncf %add3A_2438 : vector<512x768xf32> to vector<512x768xbf16>
    %dot_general3A_2445 = arith.constant dense<0.000000e+00> : vector<512x3072xf32>
    %dot_general3A_2446 = tpu.matmul %convert_element_type3A_2444, %get3A_2443, %dot_general3A_2445 {dimension_numbers = #tpu.dot_dimension_numbers<[1], [0], [0], [1], [0, 0, 1, 1], [], []>, transpose_lhs_hint = false} : vector<512x768xbf16>, vector<768x3072xbf16>, vector<512x3072xf32> -> vector<512x3072xf32>
    %max3A_2447 = arith.constant 0.000000e+00 : f32
    %max3A_2448 = vector.broadcast %max3A_2447 : f32 to vector<512x3072xf32>
    %max3A_2449 = arith.maximumf %dot_general3A_2446, %max3A_2448 : vector<512x3072xf32>
    %get3A_2450 = arith.constant 1 : index
    %get3A_2451 = arith.constant 0 : index
    %get3A_2452 = arith.constant 0 : index
    %get3A_2453 = vector.load %arg7[%get3A_2450, %get3A_2451, %get3A_2452] : memref<2x3072x768xbf16, #tpu.memory_space<vmem>>, vector<1x3072x768xbf16>
    %get3A_2454 = vector.shape_cast %get3A_2453 : vector<1x3072x768xbf16> to vector<3072x768xbf16>
    %convert_element_type3A_2455 = arith.truncf %max3A_2449 : vector<512x3072xf32> to vector<512x3072xbf16>
    %dot_general3A_2456 = arith.constant dense<0.000000e+00> : vector<512x768xf32>
    %dot_general3A_2457 = tpu.matmul %convert_element_type3A_2455, %get3A_2454, %dot_general3A_2456 {dimension_numbers = #tpu.dot_dimension_numbers<[1], [0], [0], [1], [0, 0, 1, 1], [], []>, transpose_lhs_hint = false} : vector<512x3072xbf16>, vector<3072x768xbf16>, vector<512x768xf32> -> vector<512x768xf32>
    %add3A_2458 = arith.addf %add3A_2403, %dot_general3A_2457 : vector<512x768xf32>
    %swap3A = arith.constant 0 : index
    %swap3A_2459 = arith.constant 0 : index
    %swap3A_2460 = vector.load %arg12[%swap3A, %swap3A_2459] : memref<512x768xf32, #tpu.memory_space<vmem>>, vector<512x768xf32>
    tpu.vector_store %arg12[%swap3A, %swap3A_2459], %add3A_2458 {strides = array<i32>} : memref<512x768xf32, #tpu.memory_space<vmem>>, vector<512x768xf32>,
    return
  }
  func.func @transform_0(%arg0: i32) -> (i32, i32) {
    %c0_i32 = arith.constant 0 : i32
    %c0_i32_0 = arith.constant 0 : i32
    return %arg0, %c0_i32 : i32, i32
  }
  func.func @transform_1(%arg0: i32) -> (i32, i32, i32) {
    %c0_i32 = arith.constant 0 : i32
    %c0_i32_0 = arith.constant 0 : i32
    %c0_i32_1 = arith.constant 0 : i32
    %c0_i32_2 = arith.constant 0 : i32
    return %c0_i32, %c0_i32_0, %c0_i32_1 : i32, i32, i32
  }
  func.func @transform_2(%arg0: i32) -> (i32, i32, i32) {
    %c0_i32 = arith.constant 0 : i32
    %c0_i32_0 = arith.constant 0 : i32
    %c0_i32_1 = arith.constant 0 : i32
    %c0_i32_2 = arith.constant 0 : i32
    return %c0_i32, %c0_i32_0, %c0_i32_1 : i32, i32, i32
  }
  func.func @transform_3(%arg0: i32) -> (i32, i32, i32) {
    %c0_i32 = arith.constant 0 : i32
    %c0_i32_0 = arith.constant 0 : i32
    %c0_i32_1 = arith.constant 0 : i32
    %c0_i32_2 = arith.constant 0 : i32
    return %c0_i32, %c0_i32_0, %c0_i32_1 : i32, i32, i32
  }
  func.func @transform_4(%arg0: i32) -> (i32, i32, i32) {
    %c0_i32 = arith.constant 0 : i32
    %c0_i32_0 = arith.constant 0 : i32
    %c0_i32_1 = arith.constant 0 : i32
    %c0_i32_2 = arith.constant 0 : i32
    return %c0_i32, %c0_i32_0, %c0_i32_1 : i32, i32, i32
  }
  func.func @transform_5(%arg0: i32) -> (i32, i32, i32) {
    %c0_i32 = arith.constant 0 : i32
    %c0_i32_0 = arith.constant 0 : i32
    %c0_i32_1 = arith.constant 0 : i32
    %c0_i32_2 = arith.constant 0 : i32
    return %c0_i32, %c0_i32_0, %c0_i32_1 : i32, i32, i32
  }
  func.func @transform_6(%arg0: i32) -> (i32, i32, i32) {
    %c0_i32 = arith.constant 0 : i32
    %c0_i32_0 = arith.constant 0 : i32
    %c0_i32_1 = arith.constant 0 : i32
    %c0_i32_2 = arith.constant 0 : i32
    return %c0_i32, %c0_i32_0, %c0_i32_1 : i32, i32, i32
  }
  func.func @transform_7(%arg0: i32) -> (i32, i32, i32) {
    %c0_i32 = arith.constant 0 : i32
    %c0_i32_0 = arith.constant 0 : i32
    %c0_i32_1 = arith.constant 0 : i32
    %c0_i32_2 = arith.constant 0 : i32
    return %c0_i32, %c0_i32_0, %c0_i32_1 : i32, i32, i32
  }
  func.func @transform_8(%arg0: i32) -> (i32, i32, i32) {
    %c0_i32 = arith.constant 0 : i32
    %c0_i32_0 = arith.constant 0 : i32
    %c0_i32_1 = arith.constant 0 : i32
    %c0_i32_2 = arith.constant 0 : i32
    return %c0_i32, %c0_i32_0, %c0_i32_1 : i32, i32, i32
  }
  func.func @transform_9(%arg0: i32) -> (i32, i32, i32) {
    %c0_i32 = arith.constant 0 : i32
    %c0_i32_0 = arith.constant 0 : i32
    %c0_i32_1 = arith.constant 0 : i32
    %c0_i32_2 = arith.constant 0 : i32
    return %c0_i32, %c0_i32_0, %c0_i32_1 : i32, i32, i32
  }
  func.func @transform_10(%arg0: i32) -> (i32, i32, i32) {
    %c0_i32 = arith.constant 0 : i32
    %c0_i32_0 = arith.constant 0 : i32
    %c0_i32_1 = arith.constant 0 : i32
    %c0_i32_2 = arith.constant 0 : i32
    return %c0_i32, %c0_i32_0, %c0_i32_1 : i32, i32, i32
  }
  func.func @transform_11(%arg0: i32) -> (i32, i32) {
    %c0_i32 = arith.constant 0 : i32
    %c0_i32_0 = arith.constant 0 : i32
    return %arg0, %c0_i32 : i32, i32
  }
}

</mosaic_0001>

<sc_bundles>
// kernel: kernel.4.cloned.1.call-start
scs
__scs_entry_jumppad:
0x0: {  	(pc) =	sbr.rel $0x88, $3  }
0x1: {  	(tag) =	ssettag $0x0;
	lr =	simm.s32 $0x1  }
0x2: {  	[smem:$0x3F95] =	sst lr;
	_ =	strace $0xD0000000  }
0x3: {  	_ = 	snop  }
0x4: {  	_ = 	snop  }
0x5: {  	_ = 	snop  }
0x6: {  	_ = 	snop  }
0x7: {  	_ = 	snop  }
__scs_overlays_trampoline_lowered:
0x8: {  	[smem:$0x3FA4] =	sst s0  }
0x9: {  	[smem:$0x3FA5] =	sst s1  }
0xa: {  	[smem:$0x3FA6] =	sst s2  }
0xb: {  	[smem:$0x3FA7] =	sst s3  }
0xc: {  	[smem:$0x3FA8] =	sst s4  }
0xd: {  	[smem:$0x3FA9] =	sst s5  }
0xe: {  	[smem:$0x3FAA] =	sst s6  }
0xf: {  	[smem:$0x3FAB] =	sst s7  }
0x10: {  	[smem:$0x3FAC] =	sst s8  }
0x11: {  	[smem:$0x3FAD] =	sst s9;
	s0 =	simm.s32 @!p0 $0x0  }
0x12: {  	s1 =	sld [smem:$0x3F93];
	s0 =	simm.s32 @p0 $0x1  }
0x13: {  	[smem:$0x3FAE] =	sst s0;
	s0 =	simm.s32 @!p1 $0x0  }
0x14: {  	s2 =	sld [smem:$0x3F92];
	s0 =	simm.s32 @p1 $0x1  }
0x15: {  	[smem:$0x3FAF] =	sst s0;
	s0 =	simm.s32 @!p2 $0x0  }
0x16: {  	s3 =	sld [smem:$0x3FDB];
	s0 =	simm.s32 @p2 $0x1  }
0x17: {  	s4 =	simm.s32 $0x1BF5;
	[smem:$0x3FB1] =	sst s0  }
0x18: {  	s0 =	sld [smem:$0x3F94];
	_ =	swait.ge [sflag:s4], $0x0  }
0x19: {  	s7 =	sld [smem:$0x3F95]  }
0x1a: {  	s8 =	sadd.s32 $0xFFFFE003, lr  }
0x1b: {  	s9 =	sadd.s32 $0xFFFFFEF7, lr;
	s5 =	simm.s32 $0xFFFFFFFF;
	p2 =	slt.u32 s8, $0xFFFFF086  }
0x1c: {  	p1 =	slt.u32 s9, $0xF7A;
	s5 =	simm.s32 @!p2 $0x0  }
0x1d: {  	s5 =	simm.s32 @p1 $0x1;
	p0 =	seq.s32 s7, s2  }
0x1e: {  	s7 =	smul.u32 @!p0 $0xF7A, s2;
	p2 =	seq.s32 @!p0 s5, $0x0  }
0x1f: {  	s9 =	smul.u32 $0xF7A, s1;
	s8 =	simm.s32 @!p0 $0x1BF5;
	p2 =	por !p2, p0  }
0x20: {  	[sflag:s8] =	ssyncset.s32 @!p0 $0xFFFFF086;
	s6 =	sadd.s32 @!p0 s3, s7;
	s7 =	simm.s32 @!p0 $0x108  }
0x21: {  	s3 =	sadd.s32 s3, s9;
	s6 =	sadd.s32 @!p0 $0x88, s6;
	s7 =	simm.s32 @p2 $0x1082  }
0x22: {  	[simem:s7], [sflag:s8] =	dma.local @!p0 [hbm:s6], $0xF7A  }
0x23: {  	s9 =	sor.u32 $0xD0000000, s2;
	s6 =	simm.s32 $0x108;
	_ =	swait.ge @!p0 [sflag:s8], $0x0  }
0x24: {  	s3 =	sadd.s32 $0x88, s3;
	s6 =	simm.s32 @!p1 $0x1082;
	[sflag:s4] =	ssyncset.s32 $0xFFFFF086  }
0x25: {  	[simem:s6], [sflag:s4] =	dma.local [hbm:s3], $0xF7A  }
0x26: {  	[smem:$0x3F95] =	sst s1;
	(tag) =	ssettag s2;
	_ =	strace s9  }
0x27: {  	s1 =	sld [smem:$0x3FA5]  }
0x28: {  	s2 =	sld [smem:$0x3FA6]  }
0x29: {  	s4 =	sld [smem:$0x3FA8]  }
0x2a: {  	p0 =	seq.s32 s5, $0x0;
	s5 =	sld [smem:$0x3FA9]  }
0x2b: {  	s6 =	sld [smem:$0x3FAA]  }
0x2c: {  	s7 =	sld [smem:$0x3FAB]  }
0x2d: {  	s3 =	simm.s32 $0x108;
	s8 =	sld [smem:$0x3FAC]  }
0x2e: {  	s3 =	simm.s32 @!p0 $0x1082;
	s9 =	sld [smem:$0x3FAD]  }
0x2f: {  	lr =	sadd.s32 s0, s3;
	s0 =	sld [smem:$0x3FA4]  }
0x30: {  	s3 =	sld [smem:$0x3FA7]  }
0x31: {  	[smem:$0x3FB0] =	sst s10  }
0x32: {  	s10 =	sld [smem:$0x3FAE];
	_ =	sdelay $0x3  }
0x33: {  	p0 =	seq.s32 s10, $0x1;
	s10 =	sld [smem:$0x3FB0];
	_ =	sdelay $0x3  }
0x34: {  	[smem:$0x3FB0] =	sst s10  }
0x35: {  	s10 =	sld [smem:$0x3FAF];
	_ =	sdelay $0x3  }
0x36: {  	p1 =	seq.s32 s10, $0x1;
	s10 =	sld [smem:$0x3FB0];
	_ =	sdelay $0x3  }
0x37: {  	[smem:$0x3FB0] =	sst s10  }
0x38: {  	s10 =	sld [smem:$0x3FB1]  }
0x39: {  	_ = 	snop;
	(pc) =	sbr.ind lr, $3  }
0x3a: {  	_ = 	snop  }
0x3b: {  	_ = 	snop  }
0x3c: {  	p2 =	seq.s32 s10, $0x1;
	s10 =	sld [smem:$0x3FB0]  }
0x3d: {  	_ =	shalt  }
0x3e: {  	_ =	shalt  }
0x3f: {  	_ =	shalt  }
0x40: {  	_ =	shalt  }
0x41: {  	_ =	shalt  }
0x42: {  	_ =	shalt  }
0x43: {  	_ =	shalt  }
0x44: {  	_ =	shalt  }
0x45: {  	_ =	shalt  }
0x46: {  	_ =	shalt  }
0x47: {  	_ =	shalt  }
0x48: {  	_ =	shalt  }
0x49: {  	_ =	shalt  }
0x4a: {  	_ =	shalt  }
0x4b: {  	_ =	shalt  }
0x4c: {  	_ =	shalt  }
0x4d: {  	_ =	shalt  }
0x4e: {  	_ =	shalt  }
0x4f: {  	_ =	shalt  }
0x50: {  	_ =	shalt  }
0x51: {  	_ =	shalt  }
0x52: {  	_ =	shalt  }
0x53: {  	_ =	shalt  }
0x54: {  	_ =	shalt  }
0x55: {  	_ =	shalt  }
0x56: {  	_ =	shalt  }
0x57: {  	_ =	shalt  }
0x58: {  	_ =	shalt  }
0x59: {  	_ =	shalt  }
0x5a: {  	_ =	shalt  }
0x5b: {  	_ =	shalt  }
0x5c: {  	_ =	shalt  }
0x5d: {  	_ =	shalt  }
0x5e: {  	_ =	shalt  }
0x5f: {  	_ =	shalt  }
0x60: {  	_ =	shalt  }
0x61: {  	_ =	shalt  }
0x62: {  	_ =	shalt  }
0x63: {  	_ =	shalt  }
0x64: {  	_ =	shalt  }
0x65: {  	_ =	shalt  }
0x66: {  	_ =	shalt  }
0x67: {  	_ =	shalt  }
0x68: {  	_ =	shalt  }
0x69: {  	_ =	shalt  }
0x6a: {  	_ =	shalt  }
0x6b: {  	_ =	shalt  }
0x6c: {  	_ =	shalt  }
0x6d: {  	_ =	shalt  }
0x6e: {  	_ =	shalt  }
0x6f: {  	_ =	shalt  }
0x70: {  	_ =	shalt  }
0x71: {  	_ =	shalt  }
0x72: {  	_ =	shalt  }
0x73: {  	_ =	shalt  }
0x74: {  	_ =	shalt  }
0x75: {  	_ =	shalt  }
0x76: {  	_ =	shalt  }
0x77: {  	_ =	shalt  }
0x78: {  	_ =	shalt  }
0x79: {  	_ =	shalt  }
0x7a: {  	_ =	shalt  }
0x7b: {  	_ =	shalt  }
0x7c: {  	_ =	shalt  }
0x7d: {  	_ =	shalt  }
0x7e: {  	_ =	shalt  }
0x7f: {  	_ =	shalt  }
0x80: {  	_ =	shalt  }
0x81: {  	_ =	shalt  }
0x82: {  	_ =	shalt  }
0x83: {  	_ =	shalt  }
0x84: {  	_ =	shalt  }
0x85: {  	_ =	shalt  }
0x86: {  	_ =	shalt  }
0x87: {  	_ =	shalt  }
.Lfunc_end0:
.L_simem_size_0:
called_computation_lowered:
.L_overlay_start_0:
0x88: {  	s2 =	sld [smem:$0x3FD9]  }
0x89: {  	s3 =	sld [smem:$0x3FFE];
	_ =	sdelay $0x1  }
0x8a: {  	s1 =	srdreg.scid  }
0x8b: {  	s0 =	sand.u32 $0x1, s1  }
0x8c: {  	s17 =	sshll.u32 s0, $0xA;
	s2 =	sadd.s32 s3, s2  }
0x8d: {  	s2 =	sadd.s32 s2, s17  }
0x8e: {  	[smem:$0x3FBC] =	sst s2  }
0x8f: {  	_ = 	snop  }
0x90: {  	s2 =	sld [smem:$0x3FC9]  }
0x91: {  	s18 =	sld [smem:$0x3FC8];
	(tm) =	ssettm $0x1  }
0x92: {  	s4 =	sld [smem:$0x3FFB];
	_ =	sdelay $0x3  }
0x93: {  	_ =	strace s4  }
0x94: {  	s4 =	sld [smem:$0x3FFC];
	_ =	sdelay $0x3  }
0x95: {  	_ =	strace s4  }
0x96: {  	s4 =	sld [smem:$0x3FFD];
	_ =	sdelay $0x3  }
0x97: {  	_ =	strace s4  }
0x98: {  	_ =	strace $0x8FFFFFFF  }
0x99: {  	s19 =	sld [smem:$0x3FDB];
	_ =	sdelay $0x1  }
0x9a: {  	s5 =	simm.s32 $_scs_section_size  }
0x9b: {  	s6 =	simm.s32 $_size__tile_overlayer_lowered;
	s7 =	simm.s32 $_tile_overlayer_lowered  }
0x9c: {  	s22 =	simm.s32 $0x1BFF;
	s21 =	sshll.u32 s7, $0x1;
	s4 =	sadd.s32 s5, s19  }
0x9d: {  	s8 =	simm.s32 $0x0;
	s20 =	sshll.u32 s6, $0x1;
	s6 =	sadd.s32 s21, s4  }
0x9e: {  	[timem:s8], [sflag:s22] =	dma.local [hbm:s6], s20  }
0x9f: {  	_ =	swait.ge [sflag:s22], s20  }
0xa0: {  	s5 =	ssub.s32 $0x0, s20;
	[sflag:s22] =	ssyncset.done $0x0  }
0xa1: {  	[sflag:s22] =	ssyncadd.s32 s5;
	_ =	sdelay $0x1  }
0xa2: {  	s23 =	simm.s32 $0x1B8B  }
0xa3: {  	_ =	swait.ge [sflag:s23], $0x1  }
0xa4: {  	[sflag:s23] =	ssyncset.done $0x0  }
0xa5: {  	s25 =	simm.s32 $0x1B8E;
	s24 =	sld [smem:$0x3FFE];
	[sflag:s23] =	ssyncadd.s32 $0xFFFFFFFF  }
0xa6: {  	s26 =	simm.s32 $execute0_lowered;
	[smem:$0x3FD2] =	sst s25  }
0xa7: {  	s6 =	sshll.u32 s26, $0x1;
	_ =	strace $0x80000046;
	[dreg:$0x1] =	wrdreg $0xFFFFFFFF  }
0xa8: {  	s28 =	simm.s32 $_size_execute0_lowered;
	s4 =	sadd.s32 s4, s6;
	[dreg:$0x0] =	wrdreg $0x0  }
0xa9: {  	s6 =	sshll.u32 s28, $0x1;
	[dreg:$0x2] =	wrdreg s4  }
0xaa: {  	[dreg:$0x3] =	wrdreg s6  }
0xab: {  	[dreg:$0x4] =	wrdreg $0xC0  }
0xac: {  	_ =	task [dreg:s8], $0x5FFFF  }
0xad: {  	[dreg:$0x1] =	wrdreg $0xFFFFFFFF  }
0xae: {  	[dreg:$0x0] =	wrdreg $0x60  }
0xaf: {  	[dreg:$0x2] =	wrdreg s18  }
0xb0: {  	[dreg:$0x3] =	wrdreg s2  }
0xb1: {  	[dreg:$0x4] =	wrdreg s24  }
0xb2: {  	[dreg:$0x5] =	wrdreg $0x9  }
0xb3: {  	_ =	task.clear_ibuf [dreg:s8], $0x6FFFF;
	_ =	strace $0x90000046  }
0xb4: {  	s29 =	simm.s32 $0x9;
	_ =	strace $0x80000048  }
0xb5: {  	_ =	swait.ge [sflag:s29], $0x1  }
0xb6: {  	[sflag:s29] =	ssyncadd.s32 $0xFFFFFFFF  }
0xb7: {  	_ =	strace $0x90000048  }
0xb8: {  	_ =	sfence  }
0xb9: {  	s30 =	sld [smem:$0x0];
	_ =	sdelay $0x2  }
0xba: {  	s31 =	sshll.u32 s1, $0xD;
	s1 =	sshrl.u32 s1, $0x2  }
0xbb: {  	s3 =	sand.u32 $0x4000, s31;
	s1 =	sadd.s32 s1, s30  }
0xbc: {  	s0 =	sor.u32 s3, s0;
	s1 =	sshll.u32 s1, $0x11  }
0xbd: {  	s0 =	sor.u32 s1, s0  }
0xbe: {  	s0 =	sadd.s32 $0x8F2B, s0  }
0xbf: {  	[sflag:s0] =	ssyncadd.remote.s32 $0x1  }
0xc0: {  	_ =	sfence.sel $0xFFFF  }
0xc1: {  	[dreg:$0x0] =	wrdreg $0xFFFFFFFF;
	(pc) =	sbr.abs _section_cstart, $3  }
0xc2: {  	[dreg:$0x1] =	wrdreg $0xFFFFFFFF  }
0xc3: {  	_ =	task.clear_ibuf [dreg:s8], $0x2FFFF;
	_ =	strace $0x9FFFFFFF  }
0xc4: {  	(tm) =	ssettm $0x7FFFFFFF  }
0xc5: {  	_ =	shalt  }
tec
execute0_lowered:
.L_overlay_start_1:
0x0: {  	(tag) =	ssettag $0x1  }
0x1: {  	s2 =	srdreg.scid  }
0x2: {  	s1 =	rddreg [dreg:$0x0];
	s0 =	stileid.u32;
	s2 =	sand.u32 $0x1, s2  }
0x3: {  	s4 =	rddreg [dreg:$0x1];
	s3 =	sshll.u32 s0, $0x5;
	s5 =	sshll.u32 s2, $0x4  }
0x4: {  	s6 =	rddreg [dreg:$0x2];
	s5 =	sor.u32 s5, s3;
	s3 =	simm.s32 $0x0  }
0x5: {  	[smem:$0x7FF] =	sst s3;
	s4 =	sadd.s32 s4, s5  }
0x6: {  	s24 =	simm.s32 $0x880;
	_ =	strace $0x80000047;
	[dreg:$0x4] =	wrdreg s4  }
0x7: {  	s25 =	simm.s32 $0x1080;
	[dreg:$0x6] =	wrdreg s24  }
0x8: {  	s26 =	simm.s32 $0x1880;
	[dreg:$0x7] =	wrdreg s25  }
0x9: {  	s0 =	simm.s32 $0x2080;
	[dreg:$0x8] =	wrdreg s26  }
0xa: {  	s7 =	smul.u32 $0x300, s5;
	s5 =	simm.s32 $0x2880;
	[dreg:$0x9] =	wrdreg s0  }
0xb: {  	s8 =	simm.s32 $0x4080;
	[dreg:$0xa] =	wrdreg s5  }
0xc: {  	s9 =	simm.s32 $0x4880;
	[dreg:$0xd] =	wrdreg s8  }
0xd: {  	s10 =	simm.s32 $0x5080;
	[dreg:$0xe] =	wrdreg s9  }
0xe: {  	s11 =	simm.s32 $0x5880;
	[dreg:$0xf] =	wrdreg s10  }
0xf: {  	s12 =	simm.s32 $0x6080;
	s13 =	simm.s32 $0x6880;
	[dreg:$0x10] =	wrdreg s11  }
0x10: {  	s14 =	simm.s32 $0x7080;
	s15 =	simm.s32 $0x7880;
	[dreg:$0x11] =	wrdreg s12  }
0x11: {  	s16 =	simm.s32 $0x8080;
	s17 =	simm.s32 $0x8880;
	[dreg:$0x12] =	wrdreg s13  }
0x12: {  	s18 =	simm.s32 $0x9080;
	s20 =	simm.s32 $0x9880;
	[dreg:$0x13] =	wrdreg s14  }
0x13: {  	s21 =	simm.s32 $0xA080;
	s22 =	simm.s32 $0xA880;
	[dreg:$0x14] =	wrdreg s15  }
0x14: {  	s28 =	simm.s32 $0x16080;
	s29 =	simm.s32 $0x16880;
	[dreg:$0x15] =	wrdreg s16  }
0x15: {  	s30 =	simm.s32 $0x17080;
	s2 =	ssub.s32 $0x2, s2;
	[dreg:$0x16] =	wrdreg s17  }
0x16: {  	s31 =	simm.s32 $0x17880;
	s19 =	sshrl.u32 s2, $0x1;
	[dreg:$0x17] =	wrdreg s18  }
0x17: {  	s2 =	ssub.s32 s2, s19;
	s19 =	simm.s32 $0x12080;
	[dreg:$0x18] =	wrdreg s20  }
0x18: {  	s4 =	sadd.s32 $0x100, s1;
	[dreg:$0x19] =	wrdreg s21;
	s5 =	sadd.s32 $0x200, s1  }
0x19: {  	[dreg:$0x1a] =	wrdreg s22;
	s24 =	simm.s32 $0xB880;
	s25 =	simm.s32 $0xC080  }
0x1a: {  	s8 =	simm.s32 $0x80;
	s26 =	simm.s32 $0xC880;
	s10 =	simm.s32 $0xD880  }
0x1b: {  	s11 =	simm.s32 $0xE080;
	s12 =	simm.s32 $0xE880;
	s13 =	simm.s32 $0xF080  }
0x1c: {  	s14 =	simm.s32 $0xF880;
	s15 =	simm.s32 $0x10080;
	s16 =	simm.s32 $0x10880  }
0x1d: {  	s17 =	simm.s32 $0x11080;
	s18 =	simm.s32 $0x11880;
	s20 =	simm.s32 $0x12880  }
0x1e: {  	s21 =	simm.s32 $0x13080;
	s22 =	simm.s32 $0x13880;
	[dreg:$0x1c] =	wrdreg s24  }
0x1f: {  	s6 =	sadd.s32 s7, s6;
	s7 =	simm.s32 $0x3880;
	[dreg:$0x1d] =	wrdreg s25  }
0x20: {  	[dreg:$0x1e] =	wrdreg s26;
	s24 =	simm.s32 $0x14880;
	s25 =	simm.s32 $0x15080  }
0x21: {  	s26 =	simm.s32 $0x15880;
	s23 =	sadd.s32 $0x2600, s6;
	[dreg:$0xc] =	wrdreg s7  }
0x22: {  	v2 =	vlaneseq.u32;
	s6 =	simm.s32 $0x3080;
	s7 =	simm.s32 $0x2;
	[dreg:$0x5] =	wrdreg s23  }
0x23: {  	vm0 =	vmmov $0xffff;
	v1 =	vshrl.u32 v2, $0x3;
	[dreg:$0xb] =	wrdreg s6;
	s23 =	simm.s32 $0xB080;
	s6 =	smax.u32 s2, $0x1  }
0x24: {  	v0 =	vand.u32 $0x7, v2;
	v2 =	vor.u32 $0x8, v2;
	v1 =	vmul.u32 $0x8, v1;
	s2 =	simm.s32 $0x1;
	[dreg:$0x1b] =	wrdreg s23;
	s23 =	simm.s32 $0x14080  }
.LBB2_1:
0x25: {  	s0 =	rddreg [dreg:$0x4]  }
0x26: {  	[tilespmem:s3], [sflag:$0x2] =	stream.linear.gather [hbm4b:s0+s3], $0x80, $0x38;
	[tilespmem:$0x18080] =	vst v63  }
0x27: {  	_ =	swait.ge [sflag:s7], $0x80  }
0x28: {  	[sflag:s7] =	ssyncset.done $0x0  }
0x29: {  	[sflag:s7] =	ssyncadd.s32 $0xFFFFFF80  }
0x2a: {  	v3 =	vld [tilespmem:$0x0];
	_ =	sdelay $0x4  }
0x2b: {  	v4 =	vshrl.u32 v3, $0x3  }
0x2c: {  	v4 =	vmul.u32 $0x30, v4  }
0x2d: {  	v3 =	vand.u32 $0x7, v3  }
0x2e: {  	v3 =	vor.u32 v3, v4  }
0x2f: {  	v4 =	vperm.xlane v3, v0;
	_ =	sdelay $0x1  }
0x30: {  	v4 =	vadd.s32 v1, v4;
	_ =	sdelay $0x3  }
0x31: {  	v3 =	vperm.xlane v3, v2  }
0x32: {  	[tilespmem:s8], [sflag:$0x1] =	stream.indirect_vreg.gather [hbm4b:s1+s3], $0x80, v4, vm0, $0xb8;
	[tilespmem:$0x18080] =	vst v63  }
0x33: {  	s0 =	rddreg [dreg:$0x6];
	v3 =	vadd.s32 v1, v3  }
0x34: {  	[tilespmem:s0], [sflag:$0x1] =	stream.indirect_vreg.gather [hbm4b:s4+s3], $0x80, v4, vm0, $0xb8;
	[tilespmem:$0x18080] =	vst v63  }
0x35: {  	s9 =	rddreg [dreg:$0x7]  }
0x36: {  	[tilespmem:s9], [sflag:$0x1] =	stream.indirect_vreg.gather [hbm4b:s5+s3], $0x80, v4, vm0, $0xb8;
	[tilespmem:$0x18080] =	vst v63  }
0x37: {  	s0 =	rddreg [dreg:$0x8]  }
0x38: {  	[tilespmem:s0], [sflag:$0x1] =	stream.indirect_vreg.gather [hbm4b:s1+s3], $0x80, v3, vm0, $0xb8;
	[tilespmem:$0x18080] =	vst v63  }
0x39: {  	s9 =	rddreg [dreg:$0x9]  }
0x3a: {  	[tilespmem:s9], [sflag:$0x1] =	stream.indirect_vreg.gather [hbm4b:s4+s3], $0x80, v3, vm0, $0xb8;
	[tilespmem:$0x18080] =	vst v63  }
0x3b: {  	s0 =	rddreg [dreg:$0xa]  }
0x3c: {  	[tilespmem:s0], [sflag:$0x1] =	stream.indirect_vreg.gather [hbm4b:s5+s3], $0x80, v3, vm0, $0xb8;
	[tilespmem:$0x18080] =	vst v63  }
0x3d: {  	v3 =	vld [tilespmem:$0x10];
	_ =	sdelay $0x4  }
0x3e: {  	v57 =	vshrl.u32 v3, $0x3  }
0x3f: {  	v4 =	vmul.u32 $0x30, v57  }
0x40: {  	v3 =	vand.u32 $0x7, v3  }
0x41: {  	v3 =	vor.u32 v3, v4  }
0x42: {  	v4 =	vperm.xlane v3, v0;
	_ =	sdelay $0x1  }
0x43: {  	v4 =	vadd.s32 v1, v4;
	_ =	sdelay $0x3  }
0x44: {  	s0 =	rddreg [dreg:$0xb];
	v3 =	vperm.xlane v3, v2  }
0x45: {  	[tilespmem:s0], [sflag:$0x1] =	stream.indirect_vreg.gather [hbm4b:s1+s3], $0x80, v4, vm0, $0xb8;
	[tilespmem:$0x18080] =	vst v63  }
0x46: {  	s9 =	rddreg [dreg:$0xc];
	v3 =	vadd.s32 v1, v3  }
0x47: {  	[tilespmem:s9], [sflag:$0x1] =	stream.indirect_vreg.gather [hbm4b:s4+s3], $0x80, v4, vm0, $0xb8;
	[tilespmem:$0x18080] =	vst v63  }
0x48: {  	s0 =	rddreg [dreg:$0xd]  }
0x49: {  	[tilespmem:s0], [sflag:$0x1] =	stream.indirect_vreg.gather [hbm4b:s5+s3], $0x80, v4, vm0, $0xb8;
	[tilespmem:$0x18080] =	vst v63  }
0x4a: {  	s9 =	rddreg [dreg:$0xe]  }
0x4b: {  	[tilespmem:s9], [sflag:$0x1] =	stream.indirect_vreg.gather [hbm4b:s1+s3], $0x80, v3, vm0, $0xb8;
	[tilespmem:$0x18080] =	vst v63  }
0x4c: {  	s0 =	rddreg [dreg:$0xf]  }
0x4d: {  	[tilespmem:s0], [sflag:$0x1] =	stream.indirect_vreg.gather [hbm4b:s4+s3], $0x80, v3, vm0, $0xb8;
	[tilespmem:$0x18080] =	vst v63  }
0x4e: {  	s9 =	rddreg [dreg:$0x10]  }
0x4f: {  	[tilespmem:s9], [sflag:$0x1] =	stream.indirect_vreg.gather [hbm4b:s5+s3], $0x80, v3, vm0, $0xb8;
	[tilespmem:$0x18080] =	vst v63  }
0x50: {  	v3 =	vld [tilespmem:$0x20];
	_ =	sdelay $0x4  }
0x51: {  	v58 =	vshrl.u32 v3, $0x3  }
0x52: {  	v4 =	vmul.u32 $0x30, v58  }
0x53: {  	v3 =	vand.u32 $0x7, v3  }
0x54: {  	v3 =	vor.u32 v3, v4  }
0x55: {  	v4 =	vperm.xlane v3, v0;
	_ =	sdelay $0x1  }
0x56: {  	v4 =	vadd.s32 v1, v4;
	_ =	sdelay $0x3  }
0x57: {  	s0 =	rddreg [dreg:$0x11];
	v3 =	vperm.xlane v3, v2  }
0x58: {  	[tilespmem:s0], [sflag:$0x1] =	stream.indirect_vreg.gather [hbm4b:s1+s3], $0x80, v4, vm0, $0xb8;
	[tilespmem:$0x18080] =	vst v63  }
0x59: {  	s9 =	rddreg [dreg:$0x12];
	v3 =	vadd.s32 v1, v3  }
0x5a: {  	[tilespmem:s9], [sflag:$0x1] =	stream.indirect_vreg.gather [hbm4b:s4+s3], $0x80, v4, vm0, $0xb8;
	[tilespmem:$0x18080] =	vst v63  }
0x5b: {  	s0 =	rddreg [dreg:$0x13]  }
0x5c: {  	[tilespmem:s0], [sflag:$0x1] =	stream.indirect_vreg.gather [hbm4b:s5+s3], $0x80, v4, vm0, $0xb8;
	[tilespmem:$0x18080] =	vst v63  }
0x5d: {  	s9 =	rddreg [dreg:$0x14]  }
0x5e: {  	[tilespmem:s9], [sflag:$0x1] =	stream.indirect_vreg.gather [hbm4b:s1+s3], $0x80, v3, vm0, $0xb8;
	[tilespmem:$0x18080] =	vst v63  }
0x5f: {  	s0 =	rddreg [dreg:$0x15]  }
0x60: {  	[tilespmem:s0], [sflag:$0x1] =	stream.indirect_vreg.gather [hbm4b:s4+s3], $0x80, v3, vm0, $0xb8;
	[tilespmem:$0x18080] =	vst v63  }
0x61: {  	s9 =	rddreg [dreg:$0x16]  }
0x62: {  	[tilespmem:s9], [sflag:$0x1] =	stream.indirect_vreg.gather [hbm4b:s5+s3], $0x80, v3, vm0, $0xb8;
	[tilespmem:$0x18080] =	vst v63  }
0x63: {  	v3 =	vld [tilespmem:$0x30];
	_ =	sdelay $0x4  }
0x64: {  	v59 =	vshrl.u32 v3, $0x3  }
0x65: {  	v4 =	vmul.u32 $0x30, v59  }
0x66: {  	v3 =	vand.u32 $0x7, v3  }
0x67: {  	v3 =	vor.u32 v3, v4  }
0x68: {  	v4 =	vperm.xlane v3, v0;
	_ =	sdelay $0x1  }
0x69: {  	v4 =	vadd.s32 v1, v4;
	_ =	sdelay $0x3  }
0x6a: {  	s0 =	rddreg [dreg:$0x17];
	v3 =	vperm.xlane v3, v2  }
0x6b: {  	[tilespmem:s0], [sflag:$0x1] =	stream.indirect_vreg.gather [hbm4b:s1+s3], $0x80, v4, vm0, $0xb8;
	[tilespmem:$0x18080] =	vst v63  }
0x6c: {  	s9 =	rddreg [dreg:$0x18];
	v3 =	vadd.s32 v1, v3  }
0x6d: {  	[tilespmem:s9], [sflag:$0x1] =	stream.indirect_vreg.gather [hbm4b:s4+s3], $0x80, v4, vm0, $0xb8;
	[tilespmem:$0x18080] =	vst v63  }
0x6e: {  	s0 =	rddreg [dreg:$0x19]  }
0x6f: {  	[tilespmem:s0], [sflag:$0x1] =	stream.indirect_vreg.gather [hbm4b:s5+s3], $0x80, v4, vm0, $0xb8;
	[tilespmem:$0x18080] =	vst v63  }
0x70: {  	s9 =	rddreg [dreg:$0x1a]  }
0x71: {  	[tilespmem:s9], [sflag:$0x1] =	stream.indirect_vreg.gather [hbm4b:s1+s3], $0x80, v3, vm0, $0xb8;
	[tilespmem:$0x18080] =	vst v63  }
0x72: {  	s0 =	rddreg [dreg:$0x1b]  }
0x73: {  	[tilespmem:s0], [sflag:$0x1] =	stream.indirect_vreg.gather [hbm4b:s4+s3], $0x80, v3, vm0, $0xb8;
	[tilespmem:$0x18080] =	vst v63  }
0x74: {  	s9 =	rddreg [dreg:$0x1c]  }
0x75: {  	[tilespmem:s9], [sflag:$0x1] =	stream.indirect_vreg.gather [hbm4b:s5+s3], $0x80, v3, vm0, $0xb8;
	[tilespmem:$0x18080] =	vst v63  }
0x76: {  	v3 =	vld [tilespmem:$0x40];
	_ =	sdelay $0x4  }
0x77: {  	v60 =	vshrl.u32 v3, $0x3  }
0x78: {  	v4 =	vmul.u32 $0x30, v60  }
0x79: {  	v3 =	vand.u32 $0x7, v3  }
0x7a: {  	v3 =	vor.u32 v3, v4  }
0x7b: {  	v4 =	vperm.xlane v3, v0;
	_ =	sdelay $0x1  }
0x7c: {  	v4 =	vadd.s32 v1, v4;
	_ =	sdelay $0x3  }
0x7d: {  	s0 =	rddreg [dreg:$0x1d];
	v3 =	vperm.xlane v3, v2  }
0x7e: {  	[tilespmem:s0], [sflag:$0x1] =	stream.indirect_vreg.gather [hbm4b:s1+s3], $0x80, v4, vm0, $0xb8;
	[tilespmem:$0x18080] =	vst v63  }
0x7f: {  	s9 =	rddreg [dreg:$0x1e];
	v3 =	vadd.s32 v1, v3  }
0x80: {  	[tilespmem:s9], [sflag:$0x1] =	stream.indirect_vreg.gather [hbm4b:s4+s3], $0x80, v4, vm0, $0xb8;
	[tilespmem:$0x18080] =	vst v63  }
0x81: {  	s9 =	simm.s32 $0xD080  }
0x82: {  	[tilespmem:s9], [sflag:$0x1] =	stream.indirect_vreg.gather [hbm4b:s5+s3], $0x80, v4, vm0, $0xb8;
	[tilespmem:$0x18080] =	vst v63  }
0x83: {  	_ = 	snop  }
0x84: {  	[tilespmem:s10], [sflag:$0x1] =	stream.indirect_vreg.gather [hbm4b:s1+s3], $0x80, v3, vm0, $0xb8;
	[tilespmem:$0x18080] =	vst v63  }
0x85: {  	_ = 	snop  }
0x86: {  	[tilespmem:s11], [sflag:$0x1] =	stream.indirect_vreg.gather [hbm4b:s4+s3], $0x80, v3, vm0, $0xb8;
	[tilespmem:$0x18080] =	vst v63  }
0x87: {  	_ = 	snop  }
0x88: {  	[tilespmem:s12], [sflag:$0x1] =	stream.indirect_vreg.gather [hbm4b:s5+s3], $0x80, v3, vm0, $0xb8;
	[tilespmem:$0x18080] =	vst v63  }
0x89: {  	v3 =	vld [tilespmem:$0x50];
	_ =	sdelay $0x4  }
0x8a: {  	v61 =	vshrl.u32 v3, $0x3  }
0x8b: {  	v4 =	vmul.u32 $0x30, v61  }
0x8c: {  	v3 =	vand.u32 $0x7, v3  }
0x8d: {  	v3 =	vor.u32 v3, v4  }
0x8e: {  	v4 =	vperm.xlane v3, v0;
	_ =	sdelay $0x1  }
0x8f: {  	v4 =	vadd.s32 v1, v4;
	_ =	sdelay $0x3  }
0x90: {  	v3 =	vperm.xlane v3, v2  }
0x91: {  	[tilespmem:s13], [sflag:$0x1] =	stream.indirect_vreg.gather [hbm4b:s1+s3], $0x80, v4, vm0, $0xb8;
	[tilespmem:$0x18080] =	vst v63  }
0x92: {  	v3 =	vadd.s32 v1, v3  }
0x93: {  	[tilespmem:s14], [sflag:$0x1] =	stream.indirect_vreg.gather [hbm4b:s4+s3], $0x80, v4, vm0, $0xb8;
	[tilespmem:$0x18080] =	vst v63  }
0x94: {  	_ = 	snop  }
0x95: {  	[tilespmem:s15], [sflag:$0x1] =	stream.indirect_vreg.gather [hbm4b:s5+s3], $0x80, v4, vm0, $0xb8;
	[tilespmem:$0x18080] =	vst v63  }
0x96: {  	_ = 	snop  }
0x97: {  	[tilespmem:s16], [sflag:$0x1] =	stream.indirect_vreg.gather [hbm4b:s1+s3], $0x80, v3, vm0, $0xb8;
	[tilespmem:$0x18080] =	vst v63  }
0x98: {  	_ = 	snop  }
0x99: {  	[tilespmem:s17], [sflag:$0x1] =	stream.indirect_vreg.gather [hbm4b:s4+s3], $0x80, v3, vm0, $0xb8;
	[tilespmem:$0x18080] =	vst v63  }
0x9a: {  	_ = 	snop  }
0x9b: {  	[tilespmem:s18], [sflag:$0x1] =	stream.indirect_vreg.gather [hbm4b:s5+s3], $0x80, v3, vm0, $0xb8;
	[tilespmem:$0x18080] =	vst v63  }
0x9c: {  	v3 =	vld [tilespmem:$0x60];
	_ =	sdelay $0x4  }
0x9d: {  	v62 =	vshrl.u32 v3, $0x3  }
0x9e: {  	v4 =	vmul.u32 $0x30, v62  }
0x9f: {  	v3 =	vand.u32 $0x7, v3  }
0xa0: {  	v3 =	vor.u32 v3, v4  }
0xa1: {  	v4 =	vperm.xlane v3, v0;
	_ =	sdelay $0x1  }
0xa2: {  	v4 =	vadd.s32 v1, v4;
	_ =	sdelay $0x3  }
0xa3: {  	v3 =	vperm.xlane v3, v2  }
0xa4: {  	[tilespmem:s19], [sflag:$0x1] =	stream.indirect_vreg.gather [hbm4b:s1+s3], $0x80, v4, vm0, $0xb8;
	[tilespmem:$0x18080] =	vst v63  }
0xa5: {  	v3 =	vadd.s32 v1, v3  }
0xa6: {  	[tilespmem:s20], [sflag:$0x1] =	stream.indirect_vreg.gather [hbm4b:s4+s3], $0x80, v4, vm0, $0xb8;
	[tilespmem:$0x18080] =	vst v63  }
0xa7: {  	_ = 	snop  }
0xa8: {  	[tilespmem:s21], [sflag:$0x1] =	stream.indirect_vreg.gather [hbm4b:s5+s3], $0x80, v4, vm0, $0xb8;
	[tilespmem:$0x18080] =	vst v63  }
0xa9: {  	_ = 	snop  }
0xaa: {  	[tilespmem:s22], [sflag:$0x1] =	stream.indirect_vreg.gather [hbm4b:s1+s3], $0x80, v3, vm0, $0xb8;
	[tilespmem:$0x18080] =	vst v63  }
0xab: {  	_ = 	snop  }
0xac: {  	[tilespmem:s23], [sflag:$0x1] =	stream.indirect_vreg.gather [hbm4b:s4+s3], $0x80, v3, vm0, $0xb8;
	[tilespmem:$0x18080] =	vst v63  }
0xad: {  	_ = 	snop  }
0xae: {  	[tilespmem:s24], [sflag:$0x1] =	stream.indirect_vreg.gather [hbm4b:s5+s3], $0x80, v3, vm0, $0xb8;
	[tilespmem:$0x18080] =	vst v63  }
0xaf: {  	v3 =	vld [tilespmem:$0x70];
	_ =	sdelay $0x4  }
0xb0: {  	v63 =	vshrl.u32 v3, $0x3  }
0xb1: {  	v4 =	vmul.u32 $0x30, v63  }
0xb2: {  	v3 =	vand.u32 $0x7, v3  }
0xb3: {  	v3 =	vor.u32 v3, v4  }
0xb4: {  	v4 =	vperm.xlane v3, v0;
	_ =	sdelay $0x1  }
0xb5: {  	v4 =	vadd.s32 v1, v4;
	_ =	sdelay $0x3  }
0xb6: {  	v3 =	vperm.xlane v3, v2  }
0xb7: {  	[tilespmem:s25], [sflag:$0x1] =	stream.indirect_vreg.gather [hbm4b:s1+s3], $0x80, v4, vm0, $0xb8;
	[tilespmem:$0x18080] =	vst v63  }
0xb8: {  	v3 =	vadd.s32 v1, v3  }
0xb9: {  	[tilespmem:s26], [sflag:$0x1] =	stream.indirect_vreg.gather [hbm4b:s4+s3], $0x80, v4, vm0, $0xb8;
	[tilespmem:$0x18080] =	vst v63  }
0xba: {  	_ = 	snop  }
0xbb: {  	[tilespmem:s28], [sflag:$0x1] =	stream.indirect_vreg.gather [hbm4b:s5+s3], $0x80, v4, vm0, $0xb8;
	[tilespmem:$0x18080] =	vst v63  }
0xbc: {  	_ = 	snop  }
0xbd: {  	[tilespmem:s29], [sflag:$0x1] =	stream.indirect_vreg.gather [hbm4b:s1+s3], $0x80, v3, vm0, $0xb8;
	[tilespmem:$0x18080] =	vst v63  }
0xbe: {  	_ = 	snop  }
0xbf: {  	[tilespmem:s30], [sflag:$0x1] =	stream.indirect_vreg.gather [hbm4b:s4+s3], $0x80, v3, vm0, $0xb8;
	[tilespmem:$0x18080] =	vst v63  }
0xc0: {  	_ = 	snop  }
0xc1: {  	[tilespmem:s31], [sflag:$0x1] =	stream.indirect_vreg.gather [hbm4b:s5+s3], $0x80, v3, vm0, $0xb8;
	[tilespmem:$0x18080] =	vst v63  }
0xc2: {  	_ =	swait.ge [sflag:s2], $0x18000  }
0xc3: {  	p0 =	sne.s32 s6, $0x1;
	[sflag:s2] =	ssyncset.done $0x0  }
.Ltmp0:
0xc4: {  	s9 =	rddreg [dreg:$0x5];
	[sflag:s2] =	ssyncadd.s32 $0xFFFE8000;
	(pc) =	sbr.rel @p0 .LBB2_1-.Ltmp0, $4  }
0xc5: {  	[hbm4b:s9+s3] =	stream.linear.scatter [tilespmem:s8], [sflag:$0x2], $0x18000, $0x38;
	[tilespmem:$0x18080] =	vst v63  }
0xc6: {  	_ =	swait.ge [sflag:s7], $0x18000  }
0xc7: {  	[sflag:s7] =	ssyncset.done $0x0  }
0xc8: {  	s6 =	sadd.s32 $0xFFFFFFFF, s6;
	[sflag:s7] =	ssyncadd.s32 $0xFFFE8000  }
0xc9: {  	_ =	sfence.sel $0x180000  }
0xca: {  	[bflag:$0x0] =	sbarrier.arrive $0xFFFF  }
0xcb: {  	_ =	strace $0x90000047  }
0xcc: {  	s0 =	stileid.u32;
	[bflag:$0x2] =	sbarrier.arrive $0xFFFF  }
0xcd: {  	p0 =	sne.s32 s0, $0x0;
	s0 =	rddreg [dreg:$0x3]  }
0xce: {  	s0 =	sadd.s32 @!p0 $0x100000, s0  }
0xcf: {  	[sflag:s0] =	ssyncadd.tile.s32 @!p0 $0x1;
	_ =	shalt  }
.Lfunc_end2:
_tile_overlayer_lowered:
.L_overlay_start_2:
0xd0: {  	(tag) =	ssettag $0x2  }
0xd1: {  	s0 =	rddreg [dreg:$0x0];
	s2 =	stileid.u32  }
0xd2: {  	s1 =	rddreg [dreg:$0x1];
	p0 =	sne.s32 s2, $0x0  }
0xd3: {  	s3 =	rddreg [dreg:$0x2];
	[bflag:$0x3] =	sbarrier.arrive $0xFFFF;
	s2 =	simm.s32 @!p0 $0x1C02  }
0xd4: {  	[timem:s3], [sflag:s2] =	dma.local @!p0 [hbm:s0], s1  }
0xd5: {  	s0 =	simm.s32 @!p0 $0x2  }
0xd6: {  	_ =	swait.ge @!p0 [sflag:s0], s1  }
0xd7: {  	s1 =	ssub.s32 @!p0 $0x0, s1;
	[sflag:s0] =	ssyncset.done @!p0 $0x0  }
0xd8: {  	[sflag:s0] =	ssyncadd.s32 @!p0 s1  }
0xd9: {  	[bflag:$0x3] =	sbarrier.arrive $0xFFFF  }
0xda: {  	_ =	shalt  }

</sc_bundles>
